<compile_context>
chip_gen: v7x
topology: tpu7x:2x2x1
jax: 0.10.2.dev20260603
libtpu: 0.0.44.dev20260713+nightly
codegen_flags: <defaults>
</compile_context>

<pallas_src>
import functools

import jax
import jax.numpy as jnp
from jax import lax
from jax.experimental import pallas as pl
from jax.experimental.pallas import tpu as pltpu
from jax.experimental.pallas import tpu_sc as plsc

_N = 16777216
_NW = 32
_CHUNK = _N // _NW
_PIECE = 32768
_NP = _CHUNK // _PIECE
_NBUF = 3
_ZPIECE = 4096
_NZ = _CHUNK // _ZPIECE

_mesh = plsc.VectorSubcoreMesh(core_axis_name="c", subcore_axis_name="s")


@functools.partial(
    pl.kernel,
    mesh=_mesh,
    out_type=jax.ShapeDtypeStruct((2 * _N,), jnp.float32),
    scratch_types=(
        [pltpu.VMEM((_ZPIECE,), jnp.float32)]
        + [pltpu.VMEM((_PIECE,), jnp.float32)] * _NBUF
        + [pltpu.SemaphoreType.DMA]
        + [pltpu.SemaphoreType.DMA] * _NBUF
        + [pltpu.SemaphoreType.DMA]
    ),
)
def _sc_kernel(psi_hbm, out_hbm, zbuf, *scratch):
    bufs = list(scratch[:_NBUF])
    gsem = scratch[_NBUF]
    ssems = list(scratch[_NBUF + 1:_NBUF + 1 + _NBUF])
    zsem = scratch[_NBUF + 1 + _NBUF]
    wid = lax.axis_index("s") * 2 + lax.axis_index("c")
    base = wid * _CHUNK

    def gather(i, b):
        return pltpu.make_async_copy(
            psi_hbm.at[pl.ds(base + i * _PIECE, _PIECE)], bufs[b], gsem)

    def scatter(i, b):
        return pltpu.make_async_copy(
            bufs[b], out_hbm.at[pl.ds(base + i * _PIECE, _PIECE)], ssems[b])

    gathers = [gather(i, i % _NBUF) for i in range(_NBUF)]
    for g in gathers:
        g.start()

    def zstep(i, carry):
        for k in range(16):
            zbuf[pl.ds(i * 256 + k * 16, 16)] = jnp.zeros((16,), jnp.float32)
        return carry

    lax.fori_loop(0, _ZPIECE // 256, zstep, 0)

    zeros = [
        pltpu.make_async_copy(
            zbuf, out_hbm.at[pl.ds(_N + base + j * _ZPIECE, _ZPIECE)], zsem)
        for j in range(_NZ)
    ]
    for z in zeros:
        z.start()

    scatters = []
    for i in range(_NP):
        b = i % _NBUF
        gathers[i].wait()
        sc = scatter(i, b)
        sc.start()
        scatters.append(sc)
        ni = i + _NBUF
        if ni < _NP:
            sc.wait()
            g = gather(ni, b)
            g.start()
            gathers.append(g)

    for sc in scatters[_NP - _NBUF:]:
        sc.wait()
    for z in zeros:
        z.wait()


def kernel(psi):
    return _sc_kernel(psi)

# --- scband reference (transcript-rebuilt; emitter-appended) ---
"""Pipeline reference for scband-add-ancilla-21139829031260 (READ-ONLY COPY).

The authoritative reference and input builder live on the scoring server;
editing this copy changes nothing except your own understanding.
"""

import jax, jax.numpy as jnp
import numpy as np

P = 0

def split_by_bit_p(N, p):
    # Indices of [0, N) split by qubit bit p (p=0 is the most significant bit).
    n = int(np.log2(N))
    mask = 1 << (n - 1 - p)
    idx = np.arange(N, dtype=np.int64)
    _0 = idx[(idx & mask) == 0]
    _1 = idx[(idx & mask) != 0]
    return jnp.asarray(_0), jnp.asarray(_1)

def setup_inputs(seed: int = 0) -> dict:
    key = jax.random.key(seed)
    psi = jax.random.normal(key, (16777216,), dtype=jnp.float32)
    return {"psi": psi}

def reference(psi):
    # AddAncilla.apply: allocate a state twice as large and scatter psi
    # into the indices where ancilla bit p is 0.
    N = 2 * psi.shape[0]
    _0, _1 = split_by_bit_p(N, P)
    psi_out = jnp.zeros((N,) + psi.shape[1:], dtype=psi.dtype)
    psi_out = psi_out.at[_0].add(psi)
    return psi_out

if __name__ == "__main__":
    import jax
    _d = setup_inputs()
    print(jax.jit(kernel)(*tuple(_d.values())))

</pallas_src>

<mosaic_0001>
#map = affine_map<(d0, d1) -> (0)>
module attributes {stable_mosaic.version = 14 : i64} {
  func.func @_sc_kernel(%arg0: i32, %arg1: i32, %arg2: memref<16777216xf32, #tpu.memory_space<hbm>>, %arg3: memref<33554432xf32, #tpu.memory_space<hbm>>, %arg4: memref<4096xf32, #tpu.memory_space<vmem>>, %arg5: memref<32768xf32, #tpu.memory_space<vmem>>, %arg6: memref<32768xf32, #tpu.memory_space<vmem>>, %arg7: memref<32768xf32, #tpu.memory_space<vmem>>, %arg8: memref<!tpu.dma_semaphore, #tpu.memory_space<semaphore_mem>>, %arg9: memref<!tpu.dma_semaphore, #tpu.memory_space<semaphore_mem>>, %arg10: memref<!tpu.dma_semaphore, #tpu.memory_space<semaphore_mem>>, %arg11: memref<!tpu.dma_semaphore, #tpu.memory_space<semaphore_mem>>, %arg12: memref<!tpu.dma_semaphore, #tpu.memory_space<semaphore_mem>>) attributes {dimension_semantics = [#tpu.dimension_semantics<core_parallel>, #tpu.dimension_semantics<subcore_parallel>], iteration_bounds = array<i64: 2, 16>, scalar_prefetch = 0 : i64, scratch_operands = 9 : i64, tpu.core_type = #tpu.core_type<sc_vector_subcore>, window_params = [{transform_indices = #map}, {transform_indices = #map}]} {
    %mul3A = arith.constant 2 : i32
    %mul3A_0 = arith.muli %arg1, %mul3A : i32
    %add3A = arith.addi %mul3A_0, %arg0 : i32
    %mul3A_1 = arith.constant 524288 : i32
    %mul3A_2 = arith.muli %add3A, %mul3A_1 : i32
    %add3A_3 = arith.constant 0 : i32
    %add3A_4 = arith.addi %mul3A_2, %add3A_3 : i32
    %add3A_5 = arith.constant 32768 : i32
    %add3A_6 = arith.addi %mul3A_2, %add3A_5 : i32
    %add3A_7 = arith.constant 65536 : i32
    %add3A_8 = arith.addi %mul3A_2, %add3A_7 : i32
    %dma_start3A = tpu.memref_slice %arg2[%add3A_4] : memref<16777216xf32, #tpu.memory_space<hbm>> -> memref<32768xf32, #tpu.memory_space<hbm>>
    %dma_start3A_9 = tpu.memref_slice %arg2[%add3A_4] : memref<16777216xf32, #tpu.memory_space<hbm>> -> memref<32768xf32, #tpu.memory_space<hbm>>
    tpu.enqueue_dma source(%dma_start3A_9 : memref<32768xf32, #tpu.memory_space<hbm>>) target(%arg5 : memref<32768xf32, #tpu.memory_space<vmem>>) target_semaphore(%arg8 : memref<!tpu.dma_semaphore, #tpu.memory_space<semaphore_mem>>)
    %dma_start3A_10 = tpu.memref_slice %arg2[%add3A_6] : memref<16777216xf32, #tpu.memory_space<hbm>> -> memref<32768xf32, #tpu.memory_space<hbm>>
    %dma_start3A_11 = tpu.memref_slice %arg2[%add3A_6] : memref<16777216xf32, #tpu.memory_space<hbm>> -> memref<32768xf32, #tpu.memory_space<hbm>>
    tpu.enqueue_dma source(%dma_start3A_11 : memref<32768xf32, #tpu.memory_space<hbm>>) target(%arg6 : memref<32768xf32, #tpu.memory_space<vmem>>) target_semaphore(%arg8 : memref<!tpu.dma_semaphore, #tpu.memory_space<semaphore_mem>>)
    %dma_start3A_12 = tpu.memref_slice %arg2[%add3A_8] : memref<16777216xf32, #tpu.memory_space<hbm>> -> memref<32768xf32, #tpu.memory_space<hbm>>
    %dma_start3A_13 = tpu.memref_slice %arg2[%add3A_8] : memref<16777216xf32, #tpu.memory_space<hbm>> -> memref<32768xf32, #tpu.memory_space<hbm>>
    tpu.enqueue_dma source(%dma_start3A_13 : memref<32768xf32, #tpu.memory_space<hbm>>) target(%arg7 : memref<32768xf32, #tpu.memory_space<vmem>>) target_semaphore(%arg8 : memref<!tpu.dma_semaphore, #tpu.memory_space<semaphore_mem>>)
    %scan3A = arith.constant 0 : i32
    %scan3A_14 = arith.constant 0 : i32
    %scan3A_15 = arith.constant 16 : i32
    %scan3A_16 = arith.addi %scan3A_14, %scan3A_15 : i32
    %scan3A_17 = arith.constant 1 : i32
    scf.for %scan3A_1222 = %scan3A_14 to %scan3A_16 step %scan3A_17  : i32 {
      %broadcast_in_dim3A = arith.constant 0.000000e+00 : f32
      %broadcast_in_dim3A_1223 = vector.broadcast %broadcast_in_dim3A : f32 to vector<16xf32>
      %mul3A_1224 = arith.constant 256 : i32
      %mul3A_1225 = arith.muli %scan3A_1222, %mul3A_1224 : i32
      %add3A_1226 = arith.constant 0 : i32
      %add3A_1227 = arith.addi %mul3A_1225, %add3A_1226 : i32
      %swap3A = arith.index_cast %add3A_1227 : i32 to index
      %swap3A_1228 = tpu.vector_load %arg4[%swap3A] {strides = array<i32>} : memref<4096xf32, #tpu.memory_space<vmem>>, vector<16xf32>,
      %swap3A_1229 = vector.shape_cast %swap3A_1228 : vector<16xf32> to vector<16xf32>
      %swap3A_1230 = vector.shape_cast %broadcast_in_dim3A_1223 : vector<16xf32> to vector<16xf32>
      tpu.vector_store %arg4[%swap3A], %swap3A_1230 {strides = array<i32>} : memref<4096xf32, #tpu.memory_space<vmem>>, vector<16xf32>,
      %broadcast_in_dim3A_1231 = arith.constant 0.000000e+00 : f32
      %broadcast_in_dim3A_1232 = vector.broadcast %broadcast_in_dim3A_1231 : f32 to vector<16xf32>
      %mul3A_1233 = arith.constant 256 : i32
      %mul3A_1234 = arith.muli %scan3A_1222, %mul3A_1233 : i32
      %add3A_1235 = arith.constant 16 : i32
      %add3A_1236 = arith.addi %mul3A_1234, %add3A_1235 : i32
      %swap3A_1237 = arith.index_cast %add3A_1236 : i32 to index
      %swap3A_1238 = tpu.vector_load %arg4[%swap3A_1237] {strides = array<i32>} : memref<4096xf32, #tpu.memory_space<vmem>>, vector<16xf32>,
      %swap3A_1239 = vector.shape_cast %swap3A_1238 : vector<16xf32> to vector<16xf32>
      %swap3A_1240 = vector.shape_cast %broadcast_in_dim3A_1232 : vector<16xf32> to vector<16xf32>
      tpu.vector_store %arg4[%swap3A_1237], %swap3A_1240 {strides = array<i32>} : memref<4096xf32, #tpu.memory_space<vmem>>, vector<16xf32>,
      %broadcast_in_dim3A_1241 = arith.constant 0.000000e+00 : f32
      %broadcast_in_dim3A_1242 = vector.broadcast %broadcast_in_dim3A_1241 : f32 to vector<16xf32>
      %mul3A_1243 = arith.constant 256 : i32
      %mul3A_1244 = arith.muli %scan3A_1222, %mul3A_1243 : i32
      %add3A_1245 = arith.constant 32 : i32
      %add3A_1246 = arith.addi %mul3A_1244, %add3A_1245 : i32
      %swap3A_1247 = arith.index_cast %add3A_1246 : i32 to index
      %swap3A_1248 = tpu.vector_load %arg4[%swap3A_1247] {strides = array<i32>} : memref<4096xf32, #tpu.memory_space<vmem>>, vector<16xf32>,
      %swap3A_1249 = vector.shape_cast %swap3A_1248 : vector<16xf32> to vector<16xf32>
      %swap3A_1250 = vector.shape_cast %broadcast_in_dim3A_1242 : vector<16xf32> to vector<16xf32>
      tpu.vector_store %arg4[%swap3A_1247], %swap3A_1250 {strides = array<i32>} : memref<4096xf32, #tpu.memory_space<vmem>>, vector<16xf32>,
      %broadcast_in_dim3A_1251 = arith.constant 0.000000e+00 : f32
      %broadcast_in_dim3A_1252 = vector.broadcast %broadcast_in_dim3A_1251 : f32 to vector<16xf32>
      %mul3A_1253 = arith.constant 256 : i32
      %mul3A_1254 = arith.muli %scan3A_1222, %mul3A_1253 : i32
      %add3A_1255 = arith.constant 48 : i32
      %add3A_1256 = arith.addi %mul3A_1254, %add3A_1255 : i32
      %swap3A_1257 = arith.index_cast %add3A_1256 : i32 to index
      %swap3A_1258 = tpu.vector_load %arg4[%swap3A_1257] {strides = array<i32>} : memref<4096xf32, #tpu.memory_space<vmem>>, vector<16xf32>,
      %swap3A_1259 = vector.shape_cast %swap3A_1258 : vector<16xf32> to vector<16xf32>
      %swap3A_1260 = vector.shape_cast %broadcast_in_dim3A_1252 : vector<16xf32> to vector<16xf32>
      tpu.vector_store %arg4[%swap3A_1257], %swap3A_1260 {strides = array<i32>} : memref<4096xf32, #tpu.memory_space<vmem>>, vector<16xf32>,
      %broadcast_in_dim3A_1261 = arith.constant 0.000000e+00 : f32
      %broadcast_in_dim3A_1262 = vector.broadcast %broadcast_in_dim3A_1261 : f32 to vector<16xf32>
      %mul3A_1263 = arith.constant 256 : i32
      %mul3A_1264 = arith.muli %scan3A_1222, %mul3A_1263 : i32
      %add3A_1265 = arith.constant 64 : i32
      %add3A_1266 = arith.addi %mul3A_1264, %add3A_1265 : i32
      %swap3A_1267 = arith.index_cast %add3A_1266 : i32 to index
      %swap3A_1268 = tpu.vector_load %arg4[%swap3A_1267] {strides = array<i32>} : memref<4096xf32, #tpu.memory_space<vmem>>, vector<16xf32>,
      %swap3A_1269 = vector.shape_cast %swap3A_1268 : vector<16xf32> to vector<16xf32>
      %swap3A_1270 = vector.shape_cast %broadcast_in_dim3A_1262 : vector<16xf32> to vector<16xf32>
      tpu.vector_store %arg4[%swap3A_1267], %swap3A_1270 {strides = array<i32>} : memref<4096xf32, #tpu.memory_space<vmem>>, vector<16xf32>,
      %broadcast_in_dim3A_1271 = arith.constant 0.000000e+00 : f32
      %broadcast_in_dim3A_1272 = vector.broadcast %broadcast_in_dim3A_1271 : f32 to vector<16xf32>
      %mul3A_1273 = arith.constant 256 : i32
      %mul3A_1274 = arith.muli %scan3A_1222, %mul3A_1273 : i32
      %add3A_1275 = arith.constant 80 : i32
      %add3A_1276 = arith.addi %mul3A_1274, %add3A_1275 : i32
      %swap3A_1277 = arith.index_cast %add3A_1276 : i32 to index
      %swap3A_1278 = tpu.vector_load %arg4[%swap3A_1277] {strides = array<i32>} : memref<4096xf32, #tpu.memory_space<vmem>>, vector<16xf32>,
      %swap3A_1279 = vector.shape_cast %swap3A_1278 : vector<16xf32> to vector<16xf32>
      %swap3A_1280 = vector.shape_cast %broadcast_in_dim3A_1272 : vector<16xf32> to vector<16xf32>
      tpu.vector_store %arg4[%swap3A_1277], %swap3A_1280 {strides = array<i32>} : memref<4096xf32, #tpu.memory_space<vmem>>, vector<16xf32>,
      %broadcast_in_dim3A_1281 = arith.constant 0.000000e+00 : f32
      %broadcast_in_dim3A_1282 = vector.broadcast %broadcast_in_dim3A_1281 : f32 to vector<16xf32>
      %mul3A_1283 = arith.constant 256 : i32
      %mul3A_1284 = arith.muli %scan3A_1222, %mul3A_1283 : i32
      %add3A_1285 = arith.constant 96 : i32
      %add3A_1286 = arith.addi %mul3A_1284, %add3A_1285 : i32
      %swap3A_1287 = arith.index_cast %add3A_1286 : i32 to index
      %swap3A_1288 = tpu.vector_load %arg4[%swap3A_1287] {strides = array<i32>} : memref<4096xf32, #tpu.memory_space<vmem>>, vector<16xf32>,
      %swap3A_1289 = vector.shape_cast %swap3A_1288 : vector<16xf32> to vector<16xf32>
      %swap3A_1290 = vector.shape_cast %broadcast_in_dim3A_1282 : vector<16xf32> to vector<16xf32>
      tpu.vector_store %arg4[%swap3A_1287], %swap3A_1290 {strides = array<i32>} : memref<4096xf32, #tpu.memory_space<vmem>>, vector<16xf32>,
      %broadcast_in_dim3A_1291 = arith.constant 0.000000e+00 : f32
      %broadcast_in_dim3A_1292 = vector.broadcast %broadcast_in_dim3A_1291 : f32 to vector<16xf32>
      %mul3A_1293 = arith.constant 256 : i32
      %mul3A_1294 = arith.muli %scan3A_1222, %mul3A_1293 : i32
      %add3A_1295 = arith.constant 112 : i32
      %add3A_1296 = arith.addi %mul3A_1294, %add3A_1295 : i32
      %swap3A_1297 = arith.index_cast %add3A_1296 : i32 to index
      %swap3A_1298 = tpu.vector_load %arg4[%swap3A_1297] {strides = array<i32>} : memref<4096xf32, #tpu.memory_space<vmem>>, vector<16xf32>,
      %swap3A_1299 = vector.shape_cast %swap3A_1298 : vector<16xf32> to vector<16xf32>
      %swap3A_1300 = vector.shape_cast %broadcast_in_dim3A_1292 : vector<16xf32> to vector<16xf32>
      tpu.vector_store %arg4[%swap3A_1297], %swap3A_1300 {strides = array<i32>} : memref<4096xf32, #tpu.memory_space<vmem>>, vector<16xf32>,
      %broadcast_in_dim3A_1301 = arith.constant 0.000000e+00 : f32
      %broadcast_in_dim3A_1302 = vector.broadcast %broadcast_in_dim3A_1301 : f32 to vector<16xf32>
      %mul3A_1303 = arith.constant 256 : i32
      %mul3A_1304 = arith.muli %scan3A_1222, %mul3A_1303 : i32
      %add3A_1305 = arith.constant 128 : i32
      %add3A_1306 = arith.addi %mul3A_1304, %add3A_1305 : i32
      %swap3A_1307 = arith.index_cast %add3A_1306 : i32 to index
      %swap3A_1308 = tpu.vector_load %arg4[%swap3A_1307] {strides = array<i32>} : memref<4096xf32, #tpu.memory_space<vmem>>, vector<16xf32>,
      %swap3A_1309 = vector.shape_cast %swap3A_1308 : vector<16xf32> to vector<16xf32>
      %swap3A_1310 = vector.shape_cast %broadcast_in_dim3A_1302 : vector<16xf32> to vector<16xf32>
      tpu.vector_store %arg4[%swap3A_1307], %swap3A_1310 {strides = array<i32>} : memref<4096xf32, #tpu.memory_space<vmem>>, vector<16xf32>,
      %broadcast_in_dim3A_1311 = arith.constant 0.000000e+00 : f32
      %broadcast_in_dim3A_1312 = vector.broadcast %broadcast_in_dim3A_1311 : f32 to vector<16xf32>
      %mul3A_1313 = arith.constant 256 : i32
      %mul3A_1314 = arith.muli %scan3A_1222, %mul3A_1313 : i32
      %add3A_1315 = arith.constant 144 : i32
      %add3A_1316 = arith.addi %mul3A_1314, %add3A_1315 : i32
      %swap3A_1317 = arith.index_cast %add3A_1316 : i32 to index
      %swap3A_1318 = tpu.vector_load %arg4[%swap3A_1317] {strides = array<i32>} : memref<4096xf32, #tpu.memory_space<vmem>>, vector<16xf32>,
      %swap3A_1319 = vector.shape_cast %swap3A_1318 : vector<16xf32> to vector<16xf32>
      %swap3A_1320 = vector.shape_cast %broadcast_in_dim3A_1312 : vector<16xf32> to vector<16xf32>
      tpu.vector_store %arg4[%swap3A_1317], %swap3A_1320 {strides = array<i32>} : memref<4096xf32, #tpu.memory_space<vmem>>, vector<16xf32>,
      %broadcast_in_dim3A_1321 = arith.constant 0.000000e+00 : f32
      %broadcast_in_dim3A_1322 = vector.broadcast %broadcast_in_dim3A_1321 : f32 to vector<16xf32>
      %mul3A_1323 = arith.constant 256 : i32
      %mul3A_1324 = arith.muli %scan3A_1222, %mul3A_1323 : i32
      %add3A_1325 = arith.constant 160 : i32
      %add3A_1326 = arith.addi %mul3A_1324, %add3A_1325 : i32
      %swap3A_1327 = arith.index_cast %add3A_1326 : i32 to index
      %swap3A_1328 = tpu.vector_load %arg4[%swap3A_1327] {strides = array<i32>} : memref<4096xf32, #tpu.memory_space<vmem>>, vector<16xf32>,
      %swap3A_1329 = vector.shape_cast %swap3A_1328 : vector<16xf32> to vector<16xf32>
      %swap3A_1330 = vector.shape_cast %broadcast_in_dim3A_1322 : vector<16xf32> to vector<16xf32>
      tpu.vector_store %arg4[%swap3A_1327], %swap3A_1330 {strides = array<i32>} : memref<4096xf32, #tpu.memory_space<vmem>>, vector<16xf32>,
      %broadcast_in_dim3A_1331 = arith.constant 0.000000e+00 : f32
      %broadcast_in_dim3A_1332 = vector.broadcast %broadcast_in_dim3A_1331 : f32 to vector<16xf32>
      %mul3A_1333 = arith.constant 256 : i32
      %mul3A_1334 = arith.muli %scan3A_1222, %mul3A_1333 : i32
      %add3A_1335 = arith.constant 176 : i32
      %add3A_1336 = arith.addi %mul3A_1334, %add3A_1335 : i32
      %swap3A_1337 = arith.index_cast %add3A_1336 : i32 to index
      %swap3A_1338 = tpu.vector_load %arg4[%swap3A_1337] {strides = array<i32>} : memref<4096xf32, #tpu.memory_space<vmem>>, vector<16xf32>,
      %swap3A_1339 = vector.shape_cast %swap3A_1338 : vector<16xf32> to vector<16xf32>
      %swap3A_1340 = vector.shape_cast %broadcast_in_dim3A_1332 : vector<16xf32> to vector<16xf32>
      tpu.vector_store %arg4[%swap3A_1337], %swap3A_1340 {strides = array<i32>} : memref<4096xf32, #tpu.memory_space<vmem>>, vector<16xf32>,
      %broadcast_in_dim3A_1341 = arith.constant 0.000000e+00 : f32
      %broadcast_in_dim3A_1342 = vector.broadcast %broadcast_in_dim3A_1341 : f32 to vector<16xf32>
      %mul3A_1343 = arith.constant 256 : i32
      %mul3A_1344 = arith.muli %scan3A_1222, %mul3A_1343 : i32
      %add3A_1345 = arith.constant 192 : i32
      %add3A_1346 = arith.addi %mul3A_1344, %add3A_1345 : i32
      %swap3A_1347 = arith.index_cast %add3A_1346 : i32 to index
      %swap3A_1348 = tpu.vector_load %arg4[%swap3A_1347] {strides = array<i32>} : memref<4096xf32, #tpu.memory_space<vmem>>, vector<16xf32>,
      %swap3A_1349 = vector.shape_cast %swap3A_1348 : vector<16xf32> to vector<16xf32>
      %swap3A_1350 = vector.shape_cast %broadcast_in_dim3A_1342 : vector<16xf32> to vector<16xf32>
      tpu.vector_store %arg4[%swap3A_1347], %swap3A_1350 {strides = array<i32>} : memref<4096xf32, #tpu.memory_space<vmem>>, vector<16xf32>,
      %broadcast_in_dim3A_1351 = arith.constant 0.000000e+00 : f32
      %broadcast_in_dim3A_1352 = vector.broadcast %broadcast_in_dim3A_1351 : f32 to vector<16xf32>
      %mul3A_1353 = arith.constant 256 : i32
      %mul3A_1354 = arith.muli %scan3A_1222, %mul3A_1353 : i32
      %add3A_1355 = arith.constant 208 : i32
      %add3A_1356 = arith.addi %mul3A_1354, %add3A_1355 : i32
      %swap3A_1357 = arith.index_cast %add3A_1356 : i32 to index
      %swap3A_1358 = tpu.vector_load %arg4[%swap3A_1357] {strides = array<i32>} : memref<4096xf32, #tpu.memory_space<vmem>>, vector<16xf32>,
      %swap3A_1359 = vector.shape_cast %swap3A_1358 : vector<16xf32> to vector<16xf32>
      %swap3A_1360 = vector.shape_cast %broadcast_in_dim3A_1352 : vector<16xf32> to vector<16xf32>
      tpu.vector_store %arg4[%swap3A_1357], %swap3A_1360 {strides = array<i32>} : memref<4096xf32, #tpu.memory_space<vmem>>, vector<16xf32>,
      %broadcast_in_dim3A_1361 = arith.constant 0.000000e+00 : f32
      %broadcast_in_dim3A_1362 = vector.broadcast %broadcast_in_dim3A_1361 : f32 to vector<16xf32>
      %mul3A_1363 = arith.constant 256 : i32
      %mul3A_1364 = arith.muli %scan3A_1222, %mul3A_1363 : i32
      %add3A_1365 = arith.constant 224 : i32
      %add3A_1366 = arith.addi %mul3A_1364, %add3A_1365 : i32
      %swap3A_1367 = arith.index_cast %add3A_1366 : i32 to index
      %swap3A_1368 = tpu.vector_load %arg4[%swap3A_1367] {strides = array<i32>} : memref<4096xf32, #tpu.memory_space<vmem>>, vector<16xf32>,
      %swap3A_1369 = vector.shape_cast %swap3A_1368 : vector<16xf32> to vector<16xf32>
      %swap3A_1370 = vector.shape_cast %broadcast_in_dim3A_1362 : vector<16xf32> to vector<16xf32>
      tpu.vector_store %arg4[%swap3A_1367], %swap3A_1370 {strides = array<i32>} : memref<4096xf32, #tpu.memory_space<vmem>>, vector<16xf32>,
      %broadcast_in_dim3A_1371 = arith.constant 0.000000e+00 : f32
      %broadcast_in_dim3A_1372 = vector.broadcast %broadcast_in_dim3A_1371 : f32 to vector<16xf32>
      %mul3A_1373 = arith.constant 256 : i32
      %mul3A_1374 = arith.muli %scan3A_1222, %mul3A_1373 : i32
      %add3A_1375 = arith.constant 240 : i32
      %add3A_1376 = arith.addi %mul3A_1374, %add3A_1375 : i32
      %swap3A_1377 = arith.index_cast %add3A_1376 : i32 to index
      %swap3A_1378 = tpu.vector_load %arg4[%swap3A_1377] {strides = array<i32>} : memref<4096xf32, #tpu.memory_space<vmem>>, vector<16xf32>,
      %swap3A_1379 = vector.shape_cast %swap3A_1378 : vector<16xf32> to vector<16xf32>
      %swap3A_1380 = vector.shape_cast %broadcast_in_dim3A_1372 : vector<16xf32> to vector<16xf32>
      tpu.vector_store %arg4[%swap3A_1377], %swap3A_1380 {strides = array<i32>} : memref<4096xf32, #tpu.memory_space<vmem>>, vector<16xf32>,
    }
    %scan3A_18 = arith.constant 16 : i32
    %add3A_19 = arith.constant 16777216 : i32
    %add3A_20 = arith.addi %add3A_19, %mul3A_2 : i32
    %add3A_21 = arith.constant 0 : i32
    %add3A_22 = arith.addi %add3A_20, %add3A_21 : i32
    %add3A_23 = arith.constant 16777216 : i32
    %add3A_24 = arith.addi %add3A_23, %mul3A_2 : i32
    %add3A_25 = arith.constant 4096 : i32
    %add3A_26 = arith.addi %add3A_24, %add3A_25 : i32
    %add3A_27 = arith.constant 16777216 : i32
    %add3A_28 = arith.addi %add3A_27, %mul3A_2 : i32
    %add3A_29 = arith.constant 8192 : i32
    %add3A_30 = arith.addi %add3A_28, %add3A_29 : i32
    %add3A_31 = arith.constant 16777216 : i32
    %add3A_32 = arith.addi %add3A_31, %mul3A_2 : i32
    %add3A_33 = arith.constant 12288 : i32
    %add3A_34 = arith.addi %add3A_32, %add3A_33 : i32
    %add3A_35 = arith.constant 16777216 : i32
    %add3A_36 = arith.addi %add3A_35, %mul3A_2 : i32
    %add3A_37 = arith.constant 16384 : i32
    %add3A_38 = arith.addi %add3A_36, %add3A_37 : i32
    %add3A_39 = arith.constant 16777216 : i32
    %add3A_40 = arith.addi %add3A_39, %mul3A_2 : i32
    %add3A_41 = arith.constant 20480 : i32
    %add3A_42 = arith.addi %add3A_40, %add3A_41 : i32
    %add3A_43 = arith.constant 16777216 : i32
    %add3A_44 = arith.addi %add3A_43, %mul3A_2 : i32
    %add3A_45 = arith.constant 24576 : i32
    %add3A_46 = arith.addi %add3A_44, %add3A_45 : i32
    %add3A_47 = arith.constant 16777216 : i32
    %add3A_48 = arith.addi %add3A_47, %mul3A_2 : i32
    %add3A_49 = arith.constant 28672 : i32
    %add3A_50 = arith.addi %add3A_48, %add3A_49 : i32
    %add3A_51 = arith.constant 16777216 : i32
    %add3A_52 = arith.addi %add3A_51, %mul3A_2 : i32
    %add3A_53 = arith.constant 32768 : i32
    %add3A_54 = arith.addi %add3A_52, %add3A_53 : i32
    %add3A_55 = arith.constant 16777216 : i32
    %add3A_56 = arith.addi %add3A_55, %mul3A_2 : i32
    %add3A_57 = arith.constant 36864 : i32
    %add3A_58 = arith.addi %add3A_56, %add3A_57 : i32
    %add3A_59 = arith.constant 16777216 : i32
    %add3A_60 = arith.addi %add3A_59, %mul3A_2 : i32
    %add3A_61 = arith.constant 40960 : i32
    %add3A_62 = arith.addi %add3A_60, %add3A_61 : i32
    %add3A_63 = arith.constant 16777216 : i32
    %add3A_64 = arith.addi %add3A_63, %mul3A_2 : i32
    %add3A_65 = arith.constant 45056 : i32
    %add3A_66 = arith.addi %add3A_64, %add3A_65 : i32
    %add3A_67 = arith.constant 16777216 : i32
    %add3A_68 = arith.addi %add3A_67, %mul3A_2 : i32
    %add3A_69 = arith.constant 49152 : i32
    %add3A_70 = arith.addi %add3A_68, %add3A_69 : i32
    %add3A_71 = arith.constant 16777216 : i32
    %add3A_72 = arith.addi %add3A_71, %mul3A_2 : i32
    %add3A_73 = arith.constant 53248 : i32
    %add3A_74 = arith.addi %add3A_72, %add3A_73 : i32
    %add3A_75 = arith.constant 16777216 : i32
    %add3A_76 = arith.addi %add3A_75, %mul3A_2 : i32
    %add3A_77 = arith.constant 57344 : i32
    %add3A_78 = arith.addi %add3A_76, %add3A_77 : i32
    %add3A_79 = arith.constant 16777216 : i32
    %add3A_80 = arith.addi %add3A_79, %mul3A_2 : i32
    %add3A_81 = arith.constant 61440 : i32
    %add3A_82 = arith.addi %add3A_80, %add3A_81 : i32
    %add3A_83 = arith.constant 16777216 : i32
    %add3A_84 = arith.addi %add3A_83, %mul3A_2 : i32
    %add3A_85 = arith.constant 65536 : i32
    %add3A_86 = arith.addi %add3A_84, %add3A_85 : i32
    %add3A_87 = arith.constant 16777216 : i32
    %add3A_88 = arith.addi %add3A_87, %mul3A_2 : i32
    %add3A_89 = arith.constant 69632 : i32
    %add3A_90 = arith.addi %add3A_88, %add3A_89 : i32
    %add3A_91 = arith.constant 16777216 : i32
    %add3A_92 = arith.addi %add3A_91, %mul3A_2 : i32
    %add3A_93 = arith.constant 73728 : i32
    %add3A_94 = arith.addi %add3A_92, %add3A_93 : i32
    %add3A_95 = arith.constant 16777216 : i32
    %add3A_96 = arith.addi %add3A_95, %mul3A_2 : i32
    %add3A_97 = arith.constant 77824 : i32
    %add3A_98 = arith.addi %add3A_96, %add3A_97 : i32
    %add3A_99 = arith.constant 16777216 : i32
    %add3A_100 = arith.addi %add3A_99, %mul3A_2 : i32
    %add3A_101 = arith.constant 81920 : i32
    %add3A_102 = arith.addi %add3A_100, %add3A_101 : i32
    %add3A_103 = arith.constant 16777216 : i32
    %add3A_104 = arith.addi %add3A_103, %mul3A_2 : i32
    %add3A_105 = arith.constant 86016 : i32
    %add3A_106 = arith.addi %add3A_104, %add3A_105 : i32
    %add3A_107 = arith.constant 16777216 : i32
    %add3A_108 = arith.addi %add3A_107, %mul3A_2 : i32
    %add3A_109 = arith.constant 90112 : i32
    %add3A_110 = arith.addi %add3A_108, %add3A_109 : i32
    %add3A_111 = arith.constant 16777216 : i32
    %add3A_112 = arith.addi %add3A_111, %mul3A_2 : i32
    %add3A_113 = arith.constant 94208 : i32
    %add3A_114 = arith.addi %add3A_112, %add3A_113 : i32
    %add3A_115 = arith.constant 16777216 : i32
    %add3A_116 = arith.addi %add3A_115, %mul3A_2 : i32
    %add3A_117 = arith.constant 98304 : i32
    %add3A_118 = arith.addi %add3A_116, %add3A_117 : i32
    %add3A_119 = arith.constant 16777216 : i32
    %add3A_120 = arith.addi %add3A_119, %mul3A_2 : i32
    %add3A_121 = arith.constant 102400 : i32
    %add3A_122 = arith.addi %add3A_120, %add3A_121 : i32
    %add3A_123 = arith.constant 16777216 : i32
    %add3A_124 = arith.addi %add3A_123, %mul3A_2 : i32
    %add3A_125 = arith.constant 106496 : i32
    %add3A_126 = arith.addi %add3A_124, %add3A_125 : i32
    %add3A_127 = arith.constant 16777216 : i32
    %add3A_128 = arith.addi %add3A_127, %mul3A_2 : i32
    %add3A_129 = arith.constant 110592 : i32
    %add3A_130 = arith.addi %add3A_128, %add3A_129 : i32
    %add3A_131 = arith.constant 16777216 : i32
    %add3A_132 = arith.addi %add3A_131, %mul3A_2 : i32
    %add3A_133 = arith.constant 114688 : i32
    %add3A_134 = arith.addi %add3A_132, %add3A_133 : i32
    %add3A_135 = arith.constant 16777216 : i32
    %add3A_136 = arith.addi %add3A_135, %mul3A_2 : i32
    %add3A_137 = arith.constant 118784 : i32
    %add3A_138 = arith.addi %add3A_136, %add3A_137 : i32
    %add3A_139 = arith.constant 16777216 : i32
    %add3A_140 = arith.addi %add3A_139, %mul3A_2 : i32
    %add3A_141 = arith.constant 122880 : i32
    %add3A_142 = arith.addi %add3A_140, %add3A_141 : i32
    %add3A_143 = arith.constant 16777216 : i32
    %add3A_144 = arith.addi %add3A_143, %mul3A_2 : i32
    %add3A_145 = arith.constant 126976 : i32
    %add3A_146 = arith.addi %add3A_144, %add3A_145 : i32
    %add3A_147 = arith.constant 16777216 : i32
    %add3A_148 = arith.addi %add3A_147, %mul3A_2 : i32
    %add3A_149 = arith.constant 131072 : i32
    %add3A_150 = arith.addi %add3A_148, %add3A_149 : i32
    %add3A_151 = arith.constant 16777216 : i32
    %add3A_152 = arith.addi %add3A_151, %mul3A_2 : i32
    %add3A_153 = arith.constant 135168 : i32
    %add3A_154 = arith.addi %add3A_152, %add3A_153 : i32
    %add3A_155 = arith.constant 16777216 : i32
    %add3A_156 = arith.addi %add3A_155, %mul3A_2 : i32
    %add3A_157 = arith.constant 139264 : i32
    %add3A_158 = arith.addi %add3A_156, %add3A_157 : i32
    %add3A_159 = arith.constant 16777216 : i32
    %add3A_160 = arith.addi %add3A_159, %mul3A_2 : i32
    %add3A_161 = arith.constant 143360 : i32
    %add3A_162 = arith.addi %add3A_160, %add3A_161 : i32
    %add3A_163 = arith.constant 16777216 : i32
    %add3A_164 = arith.addi %add3A_163, %mul3A_2 : i32
    %add3A_165 = arith.constant 147456 : i32
    %add3A_166 = arith.addi %add3A_164, %add3A_165 : i32
    %add3A_167 = arith.constant 16777216 : i32
    %add3A_168 = arith.addi %add3A_167, %mul3A_2 : i32
    %add3A_169 = arith.constant 151552 : i32
    %add3A_170 = arith.addi %add3A_168, %add3A_169 : i32
    %add3A_171 = arith.constant 16777216 : i32
    %add3A_172 = arith.addi %add3A_171, %mul3A_2 : i32
    %add3A_173 = arith.constant 155648 : i32
    %add3A_174 = arith.addi %add3A_172, %add3A_173 : i32
    %add3A_175 = arith.constant 16777216 : i32
    %add3A_176 = arith.addi %add3A_175, %mul3A_2 : i32
    %add3A_177 = arith.constant 159744 : i32
    %add3A_178 = arith.addi %add3A_176, %add3A_177 : i32
    %add3A_179 = arith.constant 16777216 : i32
    %add3A_180 = arith.addi %add3A_179, %mul3A_2 : i32
    %add3A_181 = arith.constant 163840 : i32
    %add3A_182 = arith.addi %add3A_180, %add3A_181 : i32
    %add3A_183 = arith.constant 16777216 : i32
    %add3A_184 = arith.addi %add3A_183, %mul3A_2 : i32
    %add3A_185 = arith.constant 167936 : i32
    %add3A_186 = arith.addi %add3A_184, %add3A_185 : i32
    %add3A_187 = arith.constant 16777216 : i32
    %add3A_188 = arith.addi %add3A_187, %mul3A_2 : i32
    %add3A_189 = arith.constant 172032 : i32
    %add3A_190 = arith.addi %add3A_188, %add3A_189 : i32
    %add3A_191 = arith.constant 16777216 : i32
    %add3A_192 = arith.addi %add3A_191, %mul3A_2 : i32
    %add3A_193 = arith.constant 176128 : i32
    %add3A_194 = arith.addi %add3A_192, %add3A_193 : i32
    %add3A_195 = arith.constant 16777216 : i32
    %add3A_196 = arith.addi %add3A_195, %mul3A_2 : i32
    %add3A_197 = arith.constant 180224 : i32
    %add3A_198 = arith.addi %add3A_196, %add3A_197 : i32
    %add3A_199 = arith.constant 16777216 : i32
    %add3A_200 = arith.addi %add3A_199, %mul3A_2 : i32
    %add3A_201 = arith.constant 184320 : i32
    %add3A_202 = arith.addi %add3A_200, %add3A_201 : i32
    %add3A_203 = arith.constant 16777216 : i32
    %add3A_204 = arith.addi %add3A_203, %mul3A_2 : i32
    %add3A_205 = arith.constant 188416 : i32
    %add3A_206 = arith.addi %add3A_204, %add3A_205 : i32
    %add3A_207 = arith.constant 16777216 : i32
    %add3A_208 = arith.addi %add3A_207, %mul3A_2 : i32
    %add3A_209 = arith.constant 192512 : i32
    %add3A_210 = arith.addi %add3A_208, %add3A_209 : i32
    %add3A_211 = arith.constant 16777216 : i32
    %add3A_212 = arith.addi %add3A_211, %mul3A_2 : i32
    %add3A_213 = arith.constant 196608 : i32
    %add3A_214 = arith.addi %add3A_212, %add3A_213 : i32
    %add3A_215 = arith.constant 16777216 : i32
    %add3A_216 = arith.addi %add3A_215, %mul3A_2 : i32
    %add3A_217 = arith.constant 200704 : i32
    %add3A_218 = arith.addi %add3A_216, %add3A_217 : i32
    %add3A_219 = arith.constant 16777216 : i32
    %add3A_220 = arith.addi %add3A_219, %mul3A_2 : i32
    %add3A_221 = arith.constant 204800 : i32
    %add3A_222 = arith.addi %add3A_220, %add3A_221 : i32
    %add3A_223 = arith.constant 16777216 : i32
    %add3A_224 = arith.addi %add3A_223, %mul3A_2 : i32
    %add3A_225 = arith.constant 208896 : i32
    %add3A_226 = arith.addi %add3A_224, %add3A_225 : i32
    %add3A_227 = arith.constant 16777216 : i32
    %add3A_228 = arith.addi %add3A_227, %mul3A_2 : i32
    %add3A_229 = arith.constant 212992 : i32
    %add3A_230 = arith.addi %add3A_228, %add3A_229 : i32
    %add3A_231 = arith.constant 16777216 : i32
    %add3A_232 = arith.addi %add3A_231, %mul3A_2 : i32
    %add3A_233 = arith.constant 217088 : i32
    %add3A_234 = arith.addi %add3A_232, %add3A_233 : i32
    %add3A_235 = arith.constant 16777216 : i32
    %add3A_236 = arith.addi %add3A_235, %mul3A_2 : i32
    %add3A_237 = arith.constant 221184 : i32
    %add3A_238 = arith.addi %add3A_236, %add3A_237 : i32
    %add3A_239 = arith.constant 16777216 : i32
    %add3A_240 = arith.addi %add3A_239, %mul3A_2 : i32
    %add3A_241 = arith.constant 225280 : i32
    %add3A_242 = arith.addi %add3A_240, %add3A_241 : i32
    %add3A_243 = arith.constant 16777216 : i32
    %add3A_244 = arith.addi %add3A_243, %mul3A_2 : i32
    %add3A_245 = arith.constant 229376 : i32
    %add3A_246 = arith.addi %add3A_244, %add3A_245 : i32
    %add3A_247 = arith.constant 16777216 : i32
    %add3A_248 = arith.addi %add3A_247, %mul3A_2 : i32
    %add3A_249 = arith.constant 233472 : i32
    %add3A_250 = arith.addi %add3A_248, %add3A_249 : i32
    %add3A_251 = arith.constant 16777216 : i32
    %add3A_252 = arith.addi %add3A_251, %mul3A_2 : i32
    %add3A_253 = arith.constant 237568 : i32
    %add3A_254 = arith.addi %add3A_252, %add3A_253 : i32
    %add3A_255 = arith.constant 16777216 : i32
    %add3A_256 = arith.addi %add3A_255, %mul3A_2 : i32
    %add3A_257 = arith.constant 241664 : i32
    %add3A_258 = arith.addi %add3A_256, %add3A_257 : i32
    %add3A_259 = arith.constant 16777216 : i32
    %add3A_260 = arith.addi %add3A_259, %mul3A_2 : i32
    %add3A_261 = arith.constant 245760 : i32
    %add3A_262 = arith.addi %add3A_260, %add3A_261 : i32
    %add3A_263 = arith.constant 16777216 : i32
    %add3A_264 = arith.addi %add3A_263, %mul3A_2 : i32
    %add3A_265 = arith.constant 249856 : i32
    %add3A_266 = arith.addi %add3A_264, %add3A_265 : i32
    %add3A_267 = arith.constant 16777216 : i32
    %add3A_268 = arith.addi %add3A_267, %mul3A_2 : i32
    %add3A_269 = arith.constant 253952 : i32
    %add3A_270 = arith.addi %add3A_268, %add3A_269 : i32
    %add3A_271 = arith.constant 16777216 : i32
    %add3A_272 = arith.addi %add3A_271, %mul3A_2 : i32
    %add3A_273 = arith.constant 258048 : i32
    %add3A_274 = arith.addi %add3A_272, %add3A_273 : i32
    %add3A_275 = arith.constant 16777216 : i32
    %add3A_276 = arith.addi %add3A_275, %mul3A_2 : i32
    %add3A_277 = arith.constant 262144 : i32
    %add3A_278 = arith.addi %add3A_276, %add3A_277 : i32
    %add3A_279 = arith.constant 16777216 : i32
    %add3A_280 = arith.addi %add3A_279, %mul3A_2 : i32
    %add3A_281 = arith.constant 266240 : i32
    %add3A_282 = arith.addi %add3A_280, %add3A_281 : i32
    %add3A_283 = arith.constant 16777216 : i32
    %add3A_284 = arith.addi %add3A_283, %mul3A_2 : i32
    %add3A_285 = arith.constant 270336 : i32
    %add3A_286 = arith.addi %add3A_284, %add3A_285 : i32
    %add3A_287 = arith.constant 16777216 : i32
    %add3A_288 = arith.addi %add3A_287, %mul3A_2 : i32
    %add3A_289 = arith.constant 274432 : i32
    %add3A_290 = arith.addi %add3A_288, %add3A_289 : i32
    %add3A_291 = arith.constant 16777216 : i32
    %add3A_292 = arith.addi %add3A_291, %mul3A_2 : i32
    %add3A_293 = arith.constant 278528 : i32
    %add3A_294 = arith.addi %add3A_292, %add3A_293 : i32
    %add3A_295 = arith.constant 16777216 : i32
    %add3A_296 = arith.addi %add3A_295, %mul3A_2 : i32
    %add3A_297 = arith.constant 282624 : i32
    %add3A_298 = arith.addi %add3A_296, %add3A_297 : i32
    %add3A_299 = arith.constant 16777216 : i32
    %add3A_300 = arith.addi %add3A_299, %mul3A_2 : i32
    %add3A_301 = arith.constant 286720 : i32
    %add3A_302 = arith.addi %add3A_300, %add3A_301 : i32
    %add3A_303 = arith.constant 16777216 : i32
    %add3A_304 = arith.addi %add3A_303, %mul3A_2 : i32
    %add3A_305 = arith.constant 290816 : i32
    %add3A_306 = arith.addi %add3A_304, %add3A_305 : i32
    %add3A_307 = arith.constant 16777216 : i32
    %add3A_308 = arith.addi %add3A_307, %mul3A_2 : i32
    %add3A_309 = arith.constant 294912 : i32
    %add3A_310 = arith.addi %add3A_308, %add3A_309 : i32
    %add3A_311 = arith.constant 16777216 : i32
    %add3A_312 = arith.addi %add3A_311, %mul3A_2 : i32
    %add3A_313 = arith.constant 299008 : i32
    %add3A_314 = arith.addi %add3A_312, %add3A_313 : i32
    %add3A_315 = arith.constant 16777216 : i32
    %add3A_316 = arith.addi %add3A_315, %mul3A_2 : i32
    %add3A_317 = arith.constant 303104 : i32
    %add3A_318 = arith.addi %add3A_316, %add3A_317 : i32
    %add3A_319 = arith.constant 16777216 : i32
    %add3A_320 = arith.addi %add3A_319, %mul3A_2 : i32
    %add3A_321 = arith.constant 307200 : i32
    %add3A_322 = arith.addi %add3A_320, %add3A_321 : i32
    %add3A_323 = arith.constant 16777216 : i32
    %add3A_324 = arith.addi %add3A_323, %mul3A_2 : i32
    %add3A_325 = arith.constant 311296 : i32
    %add3A_326 = arith.addi %add3A_324, %add3A_325 : i32
    %add3A_327 = arith.constant 16777216 : i32
    %add3A_328 = arith.addi %add3A_327, %mul3A_2 : i32
    %add3A_329 = arith.constant 315392 : i32
    %add3A_330 = arith.addi %add3A_328, %add3A_329 : i32
    %add3A_331 = arith.constant 16777216 : i32
    %add3A_332 = arith.addi %add3A_331, %mul3A_2 : i32
    %add3A_333 = arith.constant 319488 : i32
    %add3A_334 = arith.addi %add3A_332, %add3A_333 : i32
    %add3A_335 = arith.constant 16777216 : i32
    %add3A_336 = arith.addi %add3A_335, %mul3A_2 : i32
    %add3A_337 = arith.constant 323584 : i32
    %add3A_338 = arith.addi %add3A_336, %add3A_337 : i32
    %add3A_339 = arith.constant 16777216 : i32
    %add3A_340 = arith.addi %add3A_339, %mul3A_2 : i32
    %add3A_341 = arith.constant 327680 : i32
    %add3A_342 = arith.addi %add3A_340, %add3A_341 : i32
    %add3A_343 = arith.constant 16777216 : i32
    %add3A_344 = arith.addi %add3A_343, %mul3A_2 : i32
    %add3A_345 = arith.constant 331776 : i32
    %add3A_346 = arith.addi %add3A_344, %add3A_345 : i32
    %add3A_347 = arith.constant 16777216 : i32
    %add3A_348 = arith.addi %add3A_347, %mul3A_2 : i32
    %add3A_349 = arith.constant 335872 : i32
    %add3A_350 = arith.addi %add3A_348, %add3A_349 : i32
    %add3A_351 = arith.constant 16777216 : i32
    %add3A_352 = arith.addi %add3A_351, %mul3A_2 : i32
    %add3A_353 = arith.constant 339968 : i32
    %add3A_354 = arith.addi %add3A_352, %add3A_353 : i32
    %add3A_355 = arith.constant 16777216 : i32
    %add3A_356 = arith.addi %add3A_355, %mul3A_2 : i32
    %add3A_357 = arith.constant 344064 : i32
    %add3A_358 = arith.addi %add3A_356, %add3A_357 : i32
    %add3A_359 = arith.constant 16777216 : i32
    %add3A_360 = arith.addi %add3A_359, %mul3A_2 : i32
    %add3A_361 = arith.constant 348160 : i32
    %add3A_362 = arith.addi %add3A_360, %add3A_361 : i32
    %add3A_363 = arith.constant 16777216 : i32
    %add3A_364 = arith.addi %add3A_363, %mul3A_2 : i32
    %add3A_365 = arith.constant 352256 : i32
    %add3A_366 = arith.addi %add3A_364, %add3A_365 : i32
    %add3A_367 = arith.constant 16777216 : i32
    %add3A_368 = arith.addi %add3A_367, %mul3A_2 : i32
    %add3A_369 = arith.constant 356352 : i32
    %add3A_370 = arith.addi %add3A_368, %add3A_369 : i32
    %add3A_371 = arith.constant 16777216 : i32
    %add3A_372 = arith.addi %add3A_371, %mul3A_2 : i32
    %add3A_373 = arith.constant 360448 : i32
    %add3A_374 = arith.addi %add3A_372, %add3A_373 : i32
    %add3A_375 = arith.constant 16777216 : i32
    %add3A_376 = arith.addi %add3A_375, %mul3A_2 : i32
    %add3A_377 = arith.constant 364544 : i32
    %add3A_378 = arith.addi %add3A_376, %add3A_377 : i32
    %add3A_379 = arith.constant 16777216 : i32
    %add3A_380 = arith.addi %add3A_379, %mul3A_2 : i32
    %add3A_381 = arith.constant 368640 : i32
    %add3A_382 = arith.addi %add3A_380, %add3A_381 : i32
    %add3A_383 = arith.constant 16777216 : i32
    %add3A_384 = arith.addi %add3A_383, %mul3A_2 : i32
    %add3A_385 = arith.constant 372736 : i32
    %add3A_386 = arith.addi %add3A_384, %add3A_385 : i32
    %add3A_387 = arith.constant 16777216 : i32
    %add3A_388 = arith.addi %add3A_387, %mul3A_2 : i32
    %add3A_389 = arith.constant 376832 : i32
    %add3A_390 = arith.addi %add3A_388, %add3A_389 : i32
    %add3A_391 = arith.constant 16777216 : i32
    %add3A_392 = arith.addi %add3A_391, %mul3A_2 : i32
    %add3A_393 = arith.constant 380928 : i32
    %add3A_394 = arith.addi %add3A_392, %add3A_393 : i32
    %add3A_395 = arith.constant 16777216 : i32
    %add3A_396 = arith.addi %add3A_395, %mul3A_2 : i32
    %add3A_397 = arith.constant 385024 : i32
    %add3A_398 = arith.addi %add3A_396, %add3A_397 : i32
    %add3A_399 = arith.constant 16777216 : i32
    %add3A_400 = arith.addi %add3A_399, %mul3A_2 : i32
    %add3A_401 = arith.constant 389120 : i32
    %add3A_402 = arith.addi %add3A_400, %add3A_401 : i32
    %add3A_403 = arith.constant 16777216 : i32
    %add3A_404 = arith.addi %add3A_403, %mul3A_2 : i32
    %add3A_405 = arith.constant 393216 : i32
    %add3A_406 = arith.addi %add3A_404, %add3A_405 : i32
    %add3A_407 = arith.constant 16777216 : i32
    %add3A_408 = arith.addi %add3A_407, %mul3A_2 : i32
    %add3A_409 = arith.constant 397312 : i32
    %add3A_410 = arith.addi %add3A_408, %add3A_409 : i32
    %add3A_411 = arith.constant 16777216 : i32
    %add3A_412 = arith.addi %add3A_411, %mul3A_2 : i32
    %add3A_413 = arith.constant 401408 : i32
    %add3A_414 = arith.addi %add3A_412, %add3A_413 : i32
    %add3A_415 = arith.constant 16777216 : i32
    %add3A_416 = arith.addi %add3A_415, %mul3A_2 : i32
    %add3A_417 = arith.constant 405504 : i32
    %add3A_418 = arith.addi %add3A_416, %add3A_417 : i32
    %add3A_419 = arith.constant 16777216 : i32
    %add3A_420 = arith.addi %add3A_419, %mul3A_2 : i32
    %add3A_421 = arith.constant 409600 : i32
    %add3A_422 = arith.addi %add3A_420, %add3A_421 : i32
    %add3A_423 = arith.constant 16777216 : i32
    %add3A_424 = arith.addi %add3A_423, %mul3A_2 : i32
    %add3A_425 = arith.constant 413696 : i32
    %add3A_426 = arith.addi %add3A_424, %add3A_425 : i32
    %add3A_427 = arith.constant 16777216 : i32
    %add3A_428 = arith.addi %add3A_427, %mul3A_2 : i32
    %add3A_429 = arith.constant 417792 : i32
    %add3A_430 = arith.addi %add3A_428, %add3A_429 : i32
    %add3A_431 = arith.constant 16777216 : i32
    %add3A_432 = arith.addi %add3A_431, %mul3A_2 : i32
    %add3A_433 = arith.constant 421888 : i32
    %add3A_434 = arith.addi %add3A_432, %add3A_433 : i32
    %add3A_435 = arith.constant 16777216 : i32
    %add3A_436 = arith.addi %add3A_435, %mul3A_2 : i32
    %add3A_437 = arith.constant 425984 : i32
    %add3A_438 = arith.addi %add3A_436, %add3A_437 : i32
    %add3A_439 = arith.constant 16777216 : i32
    %add3A_440 = arith.addi %add3A_439, %mul3A_2 : i32
    %add3A_441 = arith.constant 430080 : i32
    %add3A_442 = arith.addi %add3A_440, %add3A_441 : i32
    %add3A_443 = arith.constant 16777216 : i32
    %add3A_444 = arith.addi %add3A_443, %mul3A_2 : i32
    %add3A_445 = arith.constant 434176 : i32
    %add3A_446 = arith.addi %add3A_444, %add3A_445 : i32
    %add3A_447 = arith.constant 16777216 : i32
    %add3A_448 = arith.addi %add3A_447, %mul3A_2 : i32
    %add3A_449 = arith.constant 438272 : i32
    %add3A_450 = arith.addi %add3A_448, %add3A_449 : i32
    %add3A_451 = arith.constant 16777216 : i32
    %add3A_452 = arith.addi %add3A_451, %mul3A_2 : i32
    %add3A_453 = arith.constant 442368 : i32
    %add3A_454 = arith.addi %add3A_452, %add3A_453 : i32
    %add3A_455 = arith.constant 16777216 : i32
    %add3A_456 = arith.addi %add3A_455, %mul3A_2 : i32
    %add3A_457 = arith.constant 446464 : i32
    %add3A_458 = arith.addi %add3A_456, %add3A_457 : i32
    %add3A_459 = arith.constant 16777216 : i32
    %add3A_460 = arith.addi %add3A_459, %mul3A_2 : i32
    %add3A_461 = arith.constant 450560 : i32
    %add3A_462 = arith.addi %add3A_460, %add3A_461 : i32
    %add3A_463 = arith.constant 16777216 : i32
    %add3A_464 = arith.addi %add3A_463, %mul3A_2 : i32
    %add3A_465 = arith.constant 454656 : i32
    %add3A_466 = arith.addi %add3A_464, %add3A_465 : i32
    %add3A_467 = arith.constant 16777216 : i32
    %add3A_468 = arith.addi %add3A_467, %mul3A_2 : i32
    %add3A_469 = arith.constant 458752 : i32
    %add3A_470 = arith.addi %add3A_468, %add3A_469 : i32
    %add3A_471 = arith.constant 16777216 : i32
    %add3A_472 = arith.addi %add3A_471, %mul3A_2 : i32
    %add3A_473 = arith.constant 462848 : i32
    %add3A_474 = arith.addi %add3A_472, %add3A_473 : i32
    %add3A_475 = arith.constant 16777216 : i32
    %add3A_476 = arith.addi %add3A_475, %mul3A_2 : i32
    %add3A_477 = arith.constant 466944 : i32
    %add3A_478 = arith.addi %add3A_476, %add3A_477 : i32
    %add3A_479 = arith.constant 16777216 : i32
    %add3A_480 = arith.addi %add3A_479, %mul3A_2 : i32
    %add3A_481 = arith.constant 471040 : i32
    %add3A_482 = arith.addi %add3A_480, %add3A_481 : i32
    %add3A_483 = arith.constant 16777216 : i32
    %add3A_484 = arith.addi %add3A_483, %mul3A_2 : i32
    %add3A_485 = arith.constant 475136 : i32
    %add3A_486 = arith.addi %add3A_484, %add3A_485 : i32
    %add3A_487 = arith.constant 16777216 : i32
    %add3A_488 = arith.addi %add3A_487, %mul3A_2 : i32
    %add3A_489 = arith.constant 479232 : i32
    %add3A_490 = arith.addi %add3A_488, %add3A_489 : i32
    %add3A_491 = arith.constant 16777216 : i32
    %add3A_492 = arith.addi %add3A_491, %mul3A_2 : i32
    %add3A_493 = arith.constant 483328 : i32
    %add3A_494 = arith.addi %add3A_492, %add3A_493 : i32
    %add3A_495 = arith.constant 16777216 : i32
    %add3A_496 = arith.addi %add3A_495, %mul3A_2 : i32
    %add3A_497 = arith.constant 487424 : i32
    %add3A_498 = arith.addi %add3A_496, %add3A_497 : i32
    %add3A_499 = arith.constant 16777216 : i32
    %add3A_500 = arith.addi %add3A_499, %mul3A_2 : i32
    %add3A_501 = arith.constant 491520 : i32
    %add3A_502 = arith.addi %add3A_500, %add3A_501 : i32
    %add3A_503 = arith.constant 16777216 : i32
    %add3A_504 = arith.addi %add3A_503, %mul3A_2 : i32
    %add3A_505 = arith.constant 495616 : i32
    %add3A_506 = arith.addi %add3A_504, %add3A_505 : i32
    %add3A_507 = arith.constant 16777216 : i32
    %add3A_508 = arith.addi %add3A_507, %mul3A_2 : i32
    %add3A_509 = arith.constant 499712 : i32
    %add3A_510 = arith.addi %add3A_508, %add3A_509 : i32
    %add3A_511 = arith.constant 16777216 : i32
    %add3A_512 = arith.addi %add3A_511, %mul3A_2 : i32
    %add3A_513 = arith.constant 503808 : i32
    %add3A_514 = arith.addi %add3A_512, %add3A_513 : i32
    %add3A_515 = arith.constant 16777216 : i32
    %add3A_516 = arith.addi %add3A_515, %mul3A_2 : i32
    %add3A_517 = arith.constant 507904 : i32
    %add3A_518 = arith.addi %add3A_516, %add3A_517 : i32
    %add3A_519 = arith.constant 16777216 : i32
    %add3A_520 = arith.addi %add3A_519, %mul3A_2 : i32
    %add3A_521 = arith.constant 512000 : i32
    %add3A_522 = arith.addi %add3A_520, %add3A_521 : i32
    %add3A_523 = arith.constant 16777216 : i32
    %add3A_524 = arith.addi %add3A_523, %mul3A_2 : i32
    %add3A_525 = arith.constant 516096 : i32
    %add3A_526 = arith.addi %add3A_524, %add3A_525 : i32
    %add3A_527 = arith.constant 16777216 : i32
    %add3A_528 = arith.addi %add3A_527, %mul3A_2 : i32
    %add3A_529 = arith.constant 520192 : i32
    %add3A_530 = arith.addi %add3A_528, %add3A_529 : i32
    %dma_start3A_531 = tpu.memref_slice %arg3[%add3A_22] : memref<33554432xf32, #tpu.memory_space<hbm>> -> memref<4096xf32, #tpu.memory_space<hbm>>
    %dma_start3A_532 = tpu.memref_slice %arg3[%add3A_22] : memref<33554432xf32, #tpu.memory_space<hbm>> -> memref<4096xf32, #tpu.memory_space<hbm>>
    tpu.enqueue_dma source(%arg4 : memref<4096xf32, #tpu.memory_space<vmem>>) target(%dma_start3A_532 : memref<4096xf32, #tpu.memory_space<hbm>>) target_semaphore(%arg12 : memref<!tpu.dma_semaphore, #tpu.memory_space<semaphore_mem>>)
    %dma_start3A_533 = tpu.memref_slice %arg3[%add3A_26] : memref<33554432xf32, #tpu.memory_space<hbm>> -> memref<4096xf32, #tpu.memory_space<hbm>>
    %dma_start3A_534 = tpu.memref_slice %arg3[%add3A_26] : memref<33554432xf32, #tpu.memory_space<hbm>> -> memref<4096xf32, #tpu.memory_space<hbm>>
    tpu.enqueue_dma source(%arg4 : memref<4096xf32, #tpu.memory_space<vmem>>) target(%dma_start3A_534 : memref<4096xf32, #tpu.memory_space<hbm>>) target_semaphore(%arg12 : memref<!tpu.dma_semaphore, #tpu.memory_space<semaphore_mem>>)
    %dma_start3A_535 = tpu.memref_slice %arg3[%add3A_30] : memref<33554432xf32, #tpu.memory_space<hbm>> -> memref<4096xf32, #tpu.memory_space<hbm>>
    %dma_start3A_536 = tpu.memref_slice %arg3[%add3A_30] : memref<33554432xf32, #tpu.memory_space<hbm>> -> memref<4096xf32, #tpu.memory_space<hbm>>
    tpu.enqueue_dma source(%arg4 : memref<4096xf32, #tpu.memory_space<vmem>>) target(%dma_start3A_536 : memref<4096xf32, #tpu.memory_space<hbm>>) target_semaphore(%arg12 : memref<!tpu.dma_semaphore, #tpu.memory_space<semaphore_mem>>)
    %dma_start3A_537 = tpu.memref_slice %arg3[%add3A_34] : memref<33554432xf32, #tpu.memory_space<hbm>> -> memref<4096xf32, #tpu.memory_space<hbm>>
    %dma_start3A_538 = tpu.memref_slice %arg3[%add3A_34] : memref<33554432xf32, #tpu.memory_space<hbm>> -> memref<4096xf32, #tpu.memory_space<hbm>>
    tpu.enqueue_dma source(%arg4 : memref<4096xf32, #tpu.memory_space<vmem>>) target(%dma_start3A_538 : memref<4096xf32, #tpu.memory_space<hbm>>) target_semaphore(%arg12 : memref<!tpu.dma_semaphore, #tpu.memory_space<semaphore_mem>>)
    %dma_start3A_539 = tpu.memref_slice %arg3[%add3A_38] : memref<33554432xf32, #tpu.memory_space<hbm>> -> memref<4096xf32, #tpu.memory_space<hbm>>
    %dma_start3A_540 = tpu.memref_slice %arg3[%add3A_38] : memref<33554432xf32, #tpu.memory_space<hbm>> -> memref<4096xf32, #tpu.memory_space<hbm>>
    tpu.enqueue_dma source(%arg4 : memref<4096xf32, #tpu.memory_space<vmem>>) target(%dma_start3A_540 : memref<4096xf32, #tpu.memory_space<hbm>>) target_semaphore(%arg12 : memref<!tpu.dma_semaphore, #tpu.memory_space<semaphore_mem>>)
    %dma_start3A_541 = tpu.memref_slice %arg3[%add3A_42] : memref<33554432xf32, #tpu.memory_space<hbm>> -> memref<4096xf32, #tpu.memory_space<hbm>>
    %dma_start3A_542 = tpu.memref_slice %arg3[%add3A_42] : memref<33554432xf32, #tpu.memory_space<hbm>> -> memref<4096xf32, #tpu.memory_space<hbm>>
    tpu.enqueue_dma source(%arg4 : memref<4096xf32, #tpu.memory_space<vmem>>) target(%dma_start3A_542 : memref<4096xf32, #tpu.memory_space<hbm>>) target_semaphore(%arg12 : memref<!tpu.dma_semaphore, #tpu.memory_space<semaphore_mem>>)
    %dma_start3A_543 = tpu.memref_slice %arg3[%add3A_46] : memref<33554432xf32, #tpu.memory_space<hbm>> -> memref<4096xf32, #tpu.memory_space<hbm>>
    %dma_start3A_544 = tpu.memref_slice %arg3[%add3A_46] : memref<33554432xf32, #tpu.memory_space<hbm>> -> memref<4096xf32, #tpu.memory_space<hbm>>
    tpu.enqueue_dma source(%arg4 : memref<4096xf32, #tpu.memory_space<vmem>>) target(%dma_start3A_544 : memref<4096xf32, #tpu.memory_space<hbm>>) target_semaphore(%arg12 : memref<!tpu.dma_semaphore, #tpu.memory_space<semaphore_mem>>)
    %dma_start3A_545 = tpu.memref_slice %arg3[%add3A_50] : memref<33554432xf32, #tpu.memory_space<hbm>> -> memref<4096xf32, #tpu.memory_space<hbm>>
    %dma_start3A_546 = tpu.memref_slice %arg3[%add3A_50] : memref<33554432xf32, #tpu.memory_space<hbm>> -> memref<4096xf32, #tpu.memory_space<hbm>>
    tpu.enqueue_dma source(%arg4 : memref<4096xf32, #tpu.memory_space<vmem>>) target(%dma_start3A_546 : memref<4096xf32, #tpu.memory_space<hbm>>) target_semaphore(%arg12 : memref<!tpu.dma_semaphore, #tpu.memory_space<semaphore_mem>>)
    %dma_start3A_547 = tpu.memref_slice %arg3[%add3A_54] : memref<33554432xf32, #tpu.memory_space<hbm>> -> memref<4096xf32, #tpu.memory_space<hbm>>
    %dma_start3A_548 = tpu.memref_slice %arg3[%add3A_54] : memref<33554432xf32, #tpu.memory_space<hbm>> -> memref<4096xf32, #tpu.memory_space<hbm>>
    tpu.enqueue_dma source(%arg4 : memref<4096xf32, #tpu.memory_space<vmem>>) target(%dma_start3A_548 : memref<4096xf32, #tpu.memory_space<hbm>>) target_semaphore(%arg12 : memref<!tpu.dma_semaphore, #tpu.memory_space<semaphore_mem>>)
    %dma_start3A_549 = tpu.memref_slice %arg3[%add3A_58] : memref<33554432xf32, #tpu.memory_space<hbm>> -> memref<4096xf32, #tpu.memory_space<hbm>>
    %dma_start3A_550 = tpu.memref_slice %arg3[%add3A_58] : memref<33554432xf32, #tpu.memory_space<hbm>> -> memref<4096xf32, #tpu.memory_space<hbm>>
    tpu.enqueue_dma source(%arg4 : memref<4096xf32, #tpu.memory_space<vmem>>) target(%dma_start3A_550 : memref<4096xf32, #tpu.memory_space<hbm>>) target_semaphore(%arg12 : memref<!tpu.dma_semaphore, #tpu.memory_space<semaphore_mem>>)
    %dma_start3A_551 = tpu.memref_slice %arg3[%add3A_62] : memref<33554432xf32, #tpu.memory_space<hbm>> -> memref<4096xf32, #tpu.memory_space<hbm>>
    %dma_start3A_552 = tpu.memref_slice %arg3[%add3A_62] : memref<33554432xf32, #tpu.memory_space<hbm>> -> memref<4096xf32, #tpu.memory_space<hbm>>
    tpu.enqueue_dma source(%arg4 : memref<4096xf32, #tpu.memory_space<vmem>>) target(%dma_start3A_552 : memref<4096xf32, #tpu.memory_space<hbm>>) target_semaphore(%arg12 : memref<!tpu.dma_semaphore, #tpu.memory_space<semaphore_mem>>)
    %dma_start3A_553 = tpu.memref_slice %arg3[%add3A_66] : memref<33554432xf32, #tpu.memory_space<hbm>> -> memref<4096xf32, #tpu.memory_space<hbm>>
    %dma_start3A_554 = tpu.memref_slice %arg3[%add3A_66] : memref<33554432xf32, #tpu.memory_space<hbm>> -> memref<4096xf32, #tpu.memory_space<hbm>>
    tpu.enqueue_dma source(%arg4 : memref<4096xf32, #tpu.memory_space<vmem>>) target(%dma_start3A_554 : memref<4096xf32, #tpu.memory_space<hbm>>) target_semaphore(%arg12 : memref<!tpu.dma_semaphore, #tpu.memory_space<semaphore_mem>>)
    %dma_start3A_555 = tpu.memref_slice %arg3[%add3A_70] : memref<33554432xf32, #tpu.memory_space<hbm>> -> memref<4096xf32, #tpu.memory_space<hbm>>
    %dma_start3A_556 = tpu.memref_slice %arg3[%add3A_70] : memref<33554432xf32, #tpu.memory_space<hbm>> -> memref<4096xf32, #tpu.memory_space<hbm>>
    tpu.enqueue_dma source(%arg4 : memref<4096xf32, #tpu.memory_space<vmem>>) target(%dma_start3A_556 : memref<4096xf32, #tpu.memory_space<hbm>>) target_semaphore(%arg12 : memref<!tpu.dma_semaphore, #tpu.memory_space<semaphore_mem>>)
    %dma_start3A_557 = tpu.memref_slice %arg3[%add3A_74] : memref<33554432xf32, #tpu.memory_space<hbm>> -> memref<4096xf32, #tpu.memory_space<hbm>>
    %dma_start3A_558 = tpu.memref_slice %arg3[%add3A_74] : memref<33554432xf32, #tpu.memory_space<hbm>> -> memref<4096xf32, #tpu.memory_space<hbm>>
    tpu.enqueue_dma source(%arg4 : memref<4096xf32, #tpu.memory_space<vmem>>) target(%dma_start3A_558 : memref<4096xf32, #tpu.memory_space<hbm>>) target_semaphore(%arg12 : memref<!tpu.dma_semaphore, #tpu.memory_space<semaphore_mem>>)
    %dma_start3A_559 = tpu.memref_slice %arg3[%add3A_78] : memref<33554432xf32, #tpu.memory_space<hbm>> -> memref<4096xf32, #tpu.memory_space<hbm>>
    %dma_start3A_560 = tpu.memref_slice %arg3[%add3A_78] : memref<33554432xf32, #tpu.memory_space<hbm>> -> memref<4096xf32, #tpu.memory_space<hbm>>
    tpu.enqueue_dma source(%arg4 : memref<4096xf32, #tpu.memory_space<vmem>>) target(%dma_start3A_560 : memref<4096xf32, #tpu.memory_space<hbm>>) target_semaphore(%arg12 : memref<!tpu.dma_semaphore, #tpu.memory_space<semaphore_mem>>)
    %dma_start3A_561 = tpu.memref_slice %arg3[%add3A_82] : memref<33554432xf32, #tpu.memory_space<hbm>> -> memref<4096xf32, #tpu.memory_space<hbm>>
    %dma_start3A_562 = tpu.memref_slice %arg3[%add3A_82] : memref<33554432xf32, #tpu.memory_space<hbm>> -> memref<4096xf32, #tpu.memory_space<hbm>>
    tpu.enqueue_dma source(%arg4 : memref<4096xf32, #tpu.memory_space<vmem>>) target(%dma_start3A_562 : memref<4096xf32, #tpu.memory_space<hbm>>) target_semaphore(%arg12 : memref<!tpu.dma_semaphore, #tpu.memory_space<semaphore_mem>>)
    %dma_start3A_563 = tpu.memref_slice %arg3[%add3A_86] : memref<33554432xf32, #tpu.memory_space<hbm>> -> memref<4096xf32, #tpu.memory_space<hbm>>
    %dma_start3A_564 = tpu.memref_slice %arg3[%add3A_86] : memref<33554432xf32, #tpu.memory_space<hbm>> -> memref<4096xf32, #tpu.memory_space<hbm>>
    tpu.enqueue_dma source(%arg4 : memref<4096xf32, #tpu.memory_space<vmem>>) target(%dma_start3A_564 : memref<4096xf32, #tpu.memory_space<hbm>>) target_semaphore(%arg12 : memref<!tpu.dma_semaphore, #tpu.memory_space<semaphore_mem>>)
    %dma_start3A_565 = tpu.memref_slice %arg3[%add3A_90] : memref<33554432xf32, #tpu.memory_space<hbm>> -> memref<4096xf32, #tpu.memory_space<hbm>>
    %dma_start3A_566 = tpu.memref_slice %arg3[%add3A_90] : memref<33554432xf32, #tpu.memory_space<hbm>> -> memref<4096xf32, #tpu.memory_space<hbm>>
    tpu.enqueue_dma source(%arg4 : memref<4096xf32, #tpu.memory_space<vmem>>) target(%dma_start3A_566 : memref<4096xf32, #tpu.memory_space<hbm>>) target_semaphore(%arg12 : memref<!tpu.dma_semaphore, #tpu.memory_space<semaphore_mem>>)
    %dma_start3A_567 = tpu.memref_slice %arg3[%add3A_94] : memref<33554432xf32, #tpu.memory_space<hbm>> -> memref<4096xf32, #tpu.memory_space<hbm>>
    %dma_start3A_568 = tpu.memref_slice %arg3[%add3A_94] : memref<33554432xf32, #tpu.memory_space<hbm>> -> memref<4096xf32, #tpu.memory_space<hbm>>
    tpu.enqueue_dma source(%arg4 : memref<4096xf32, #tpu.memory_space<vmem>>) target(%dma_start3A_568 : memref<4096xf32, #tpu.memory_space<hbm>>) target_semaphore(%arg12 : memref<!tpu.dma_semaphore, #tpu.memory_space<semaphore_mem>>)
    %dma_start3A_569 = tpu.memref_slice %arg3[%add3A_98] : memref<33554432xf32, #tpu.memory_space<hbm>> -> memref<4096xf32, #tpu.memory_space<hbm>>
    %dma_start3A_570 = tpu.memref_slice %arg3[%add3A_98] : memref<33554432xf32, #tpu.memory_space<hbm>> -> memref<4096xf32, #tpu.memory_space<hbm>>
    tpu.enqueue_dma source(%arg4 : memref<4096xf32, #tpu.memory_space<vmem>>) target(%dma_start3A_570 : memref<4096xf32, #tpu.memory_space<hbm>>) target_semaphore(%arg12 : memref<!tpu.dma_semaphore, #tpu.memory_space<semaphore_mem>>)
    %dma_start3A_571 = tpu.memref_slice %arg3[%add3A_102] : memref<33554432xf32, #tpu.memory_space<hbm>> -> memref<4096xf32, #tpu.memory_space<hbm>>
    %dma_start3A_572 = tpu.memref_slice %arg3[%add3A_102] : memref<33554432xf32, #tpu.memory_space<hbm>> -> memref<4096xf32, #tpu.memory_space<hbm>>
    tpu.enqueue_dma source(%arg4 : memref<4096xf32, #tpu.memory_space<vmem>>) target(%dma_start3A_572 : memref<4096xf32, #tpu.memory_space<hbm>>) target_semaphore(%arg12 : memref<!tpu.dma_semaphore, #tpu.memory_space<semaphore_mem>>)
    %dma_start3A_573 = tpu.memref_slice %arg3[%add3A_106] : memref<33554432xf32, #tpu.memory_space<hbm>> -> memref<4096xf32, #tpu.memory_space<hbm>>
    %dma_start3A_574 = tpu.memref_slice %arg3[%add3A_106] : memref<33554432xf32, #tpu.memory_space<hbm>> -> memref<4096xf32, #tpu.memory_space<hbm>>
    tpu.enqueue_dma source(%arg4 : memref<4096xf32, #tpu.memory_space<vmem>>) target(%dma_start3A_574 : memref<4096xf32, #tpu.memory_space<hbm>>) target_semaphore(%arg12 : memref<!tpu.dma_semaphore, #tpu.memory_space<semaphore_mem>>)
    %dma_start3A_575 = tpu.memref_slice %arg3[%add3A_110] : memref<33554432xf32, #tpu.memory_space<hbm>> -> memref<4096xf32, #tpu.memory_space<hbm>>
    %dma_start3A_576 = tpu.memref_slice %arg3[%add3A_110] : memref<33554432xf32, #tpu.memory_space<hbm>> -> memref<4096xf32, #tpu.memory_space<hbm>>
    tpu.enqueue_dma source(%arg4 : memref<4096xf32, #tpu.memory_space<vmem>>) target(%dma_start3A_576 : memref<4096xf32, #tpu.memory_space<hbm>>) target_semaphore(%arg12 : memref<!tpu.dma_semaphore, #tpu.memory_space<semaphore_mem>>)
    %dma_start3A_577 = tpu.memref_slice %arg3[%add3A_114] : memref<33554432xf32, #tpu.memory_space<hbm>> -> memref<4096xf32, #tpu.memory_space<hbm>>
    %dma_start3A_578 = tpu.memref_slice %arg3[%add3A_114] : memref<33554432xf32, #tpu.memory_space<hbm>> -> memref<4096xf32, #tpu.memory_space<hbm>>
    tpu.enqueue_dma source(%arg4 : memref<4096xf32, #tpu.memory_space<vmem>>) target(%dma_start3A_578 : memref<4096xf32, #tpu.memory_space<hbm>>) target_semaphore(%arg12 : memref<!tpu.dma_semaphore, #tpu.memory_space<semaphore_mem>>)
    %dma_start3A_579 = tpu.memref_slice %arg3[%add3A_118] : memref<33554432xf32, #tpu.memory_space<hbm>> -> memref<4096xf32, #tpu.memory_space<hbm>>
    %dma_start3A_580 = tpu.memref_slice %arg3[%add3A_118] : memref<33554432xf32, #tpu.memory_space<hbm>> -> memref<4096xf32, #tpu.memory_space<hbm>>
    tpu.enqueue_dma source(%arg4 : memref<4096xf32, #tpu.memory_space<vmem>>) target(%dma_start3A_580 : memref<4096xf32, #tpu.memory_space<hbm>>) target_semaphore(%arg12 : memref<!tpu.dma_semaphore, #tpu.memory_space<semaphore_mem>>)
    %dma_start3A_581 = tpu.memref_slice %arg3[%add3A_122] : memref<33554432xf32, #tpu.memory_space<hbm>> -> memref<4096xf32, #tpu.memory_space<hbm>>
    %dma_start3A_582 = tpu.memref_slice %arg3[%add3A_122] : memref<33554432xf32, #tpu.memory_space<hbm>> -> memref<4096xf32, #tpu.memory_space<hbm>>
    tpu.enqueue_dma source(%arg4 : memref<4096xf32, #tpu.memory_space<vmem>>) target(%dma_start3A_582 : memref<4096xf32, #tpu.memory_space<hbm>>) target_semaphore(%arg12 : memref<!tpu.dma_semaphore, #tpu.memory_space<semaphore_mem>>)
    %dma_start3A_583 = tpu.memref_slice %arg3[%add3A_126] : memref<33554432xf32, #tpu.memory_space<hbm>> -> memref<4096xf32, #tpu.memory_space<hbm>>
    %dma_start3A_584 = tpu.memref_slice %arg3[%add3A_126] : memref<33554432xf32, #tpu.memory_space<hbm>> -> memref<4096xf32, #tpu.memory_space<hbm>>
    tpu.enqueue_dma source(%arg4 : memref<4096xf32, #tpu.memory_space<vmem>>) target(%dma_start3A_584 : memref<4096xf32, #tpu.memory_space<hbm>>) target_semaphore(%arg12 : memref<!tpu.dma_semaphore, #tpu.memory_space<semaphore_mem>>)
    %dma_start3A_585 = tpu.memref_slice %arg3[%add3A_130] : memref<33554432xf32, #tpu.memory_space<hbm>> -> memref<4096xf32, #tpu.memory_space<hbm>>
    %dma_start3A_586 = tpu.memref_slice %arg3[%add3A_130] : memref<33554432xf32, #tpu.memory_space<hbm>> -> memref<4096xf32, #tpu.memory_space<hbm>>
    tpu.enqueue_dma source(%arg4 : memref<4096xf32, #tpu.memory_space<vmem>>) target(%dma_start3A_586 : memref<4096xf32, #tpu.memory_space<hbm>>) target_semaphore(%arg12 : memref<!tpu.dma_semaphore, #tpu.memory_space<semaphore_mem>>)
    %dma_start3A_587 = tpu.memref_slice %arg3[%add3A_134] : memref<33554432xf32, #tpu.memory_space<hbm>> -> memref<4096xf32, #tpu.memory_space<hbm>>
    %dma_start3A_588 = tpu.memref_slice %arg3[%add3A_134] : memref<33554432xf32, #tpu.memory_space<hbm>> -> memref<4096xf32, #tpu.memory_space<hbm>>
    tpu.enqueue_dma source(%arg4 : memref<4096xf32, #tpu.memory_space<vmem>>) target(%dma_start3A_588 : memref<4096xf32, #tpu.memory_space<hbm>>) target_semaphore(%arg12 : memref<!tpu.dma_semaphore, #tpu.memory_space<semaphore_mem>>)
    %dma_start3A_589 = tpu.memref_slice %arg3[%add3A_138] : memref<33554432xf32, #tpu.memory_space<hbm>> -> memref<4096xf32, #tpu.memory_space<hbm>>
    %dma_start3A_590 = tpu.memref_slice %arg3[%add3A_138] : memref<33554432xf32, #tpu.memory_space<hbm>> -> memref<4096xf32, #tpu.memory_space<hbm>>
    tpu.enqueue_dma source(%arg4 : memref<4096xf32, #tpu.memory_space<vmem>>) target(%dma_start3A_590 : memref<4096xf32, #tpu.memory_space<hbm>>) target_semaphore(%arg12 : memref<!tpu.dma_semaphore, #tpu.memory_space<semaphore_mem>>)
    %dma_start3A_591 = tpu.memref_slice %arg3[%add3A_142] : memref<33554432xf32, #tpu.memory_space<hbm>> -> memref<4096xf32, #tpu.memory_space<hbm>>
    %dma_start3A_592 = tpu.memref_slice %arg3[%add3A_142] : memref<33554432xf32, #tpu.memory_space<hbm>> -> memref<4096xf32, #tpu.memory_space<hbm>>
    tpu.enqueue_dma source(%arg4 : memref<4096xf32, #tpu.memory_space<vmem>>) target(%dma_start3A_592 : memref<4096xf32, #tpu.memory_space<hbm>>) target_semaphore(%arg12 : memref<!tpu.dma_semaphore, #tpu.memory_space<semaphore_mem>>)
    %dma_start3A_593 = tpu.memref_slice %arg3[%add3A_146] : memref<33554432xf32, #tpu.memory_space<hbm>> -> memref<4096xf32, #tpu.memory_space<hbm>>
    %dma_start3A_594 = tpu.memref_slice %arg3[%add3A_146] : memref<33554432xf32, #tpu.memory_space<hbm>> -> memref<4096xf32, #tpu.memory_space<hbm>>
    tpu.enqueue_dma source(%arg4 : memref<4096xf32, #tpu.memory_space<vmem>>) target(%dma_start3A_594 : memref<4096xf32, #tpu.memory_space<hbm>>) target_semaphore(%arg12 : memref<!tpu.dma_semaphore, #tpu.memory_space<semaphore_mem>>)
    %dma_start3A_595 = tpu.memref_slice %arg3[%add3A_150] : memref<33554432xf32, #tpu.memory_space<hbm>> -> memref<4096xf32, #tpu.memory_space<hbm>>
    %dma_start3A_596 = tpu.memref_slice %arg3[%add3A_150] : memref<33554432xf32, #tpu.memory_space<hbm>> -> memref<4096xf32, #tpu.memory_space<hbm>>
    tpu.enqueue_dma source(%arg4 : memref<4096xf32, #tpu.memory_space<vmem>>) target(%dma_start3A_596 : memref<4096xf32, #tpu.memory_space<hbm>>) target_semaphore(%arg12 : memref<!tpu.dma_semaphore, #tpu.memory_space<semaphore_mem>>)
    %dma_start3A_597 = tpu.memref_slice %arg3[%add3A_154] : memref<33554432xf32, #tpu.memory_space<hbm>> -> memref<4096xf32, #tpu.memory_space<hbm>>
    %dma_start3A_598 = tpu.memref_slice %arg3[%add3A_154] : memref<33554432xf32, #tpu.memory_space<hbm>> -> memref<4096xf32, #tpu.memory_space<hbm>>
    tpu.enqueue_dma source(%arg4 : memref<4096xf32, #tpu.memory_space<vmem>>) target(%dma_start3A_598 : memref<4096xf32, #tpu.memory_space<hbm>>) target_semaphore(%arg12 : memref<!tpu.dma_semaphore, #tpu.memory_space<semaphore_mem>>)
    %dma_start3A_599 = tpu.memref_slice %arg3[%add3A_158] : memref<33554432xf32, #tpu.memory_space<hbm>> -> memref<4096xf32, #tpu.memory_space<hbm>>
    %dma_start3A_600 = tpu.memref_slice %arg3[%add3A_158] : memref<33554432xf32, #tpu.memory_space<hbm>> -> memref<4096xf32, #tpu.memory_space<hbm>>
    tpu.enqueue_dma source(%arg4 : memref<4096xf32, #tpu.memory_space<vmem>>) target(%dma_start3A_600 : memref<4096xf32, #tpu.memory_space<hbm>>) target_semaphore(%arg12 : memref<!tpu.dma_semaphore, #tpu.memory_space<semaphore_mem>>)
    %dma_start3A_601 = tpu.memref_slice %arg3[%add3A_162] : memref<33554432xf32, #tpu.memory_space<hbm>> -> memref<4096xf32, #tpu.memory_space<hbm>>
    %dma_start3A_602 = tpu.memref_slice %arg3[%add3A_162] : memref<33554432xf32, #tpu.memory_space<hbm>> -> memref<4096xf32, #tpu.memory_space<hbm>>
    tpu.enqueue_dma source(%arg4 : memref<4096xf32, #tpu.memory_space<vmem>>) target(%dma_start3A_602 : memref<4096xf32, #tpu.memory_space<hbm>>) target_semaphore(%arg12 : memref<!tpu.dma_semaphore, #tpu.memory_space<semaphore_mem>>)
    %dma_start3A_603 = tpu.memref_slice %arg3[%add3A_166] : memref<33554432xf32, #tpu.memory_space<hbm>> -> memref<4096xf32, #tpu.memory_space<hbm>>
    %dma_start3A_604 = tpu.memref_slice %arg3[%add3A_166] : memref<33554432xf32, #tpu.memory_space<hbm>> -> memref<4096xf32, #tpu.memory_space<hbm>>
    tpu.enqueue_dma source(%arg4 : memref<4096xf32, #tpu.memory_space<vmem>>) target(%dma_start3A_604 : memref<4096xf32, #tpu.memory_space<hbm>>) target_semaphore(%arg12 : memref<!tpu.dma_semaphore, #tpu.memory_space<semaphore_mem>>)
    %dma_start3A_605 = tpu.memref_slice %arg3[%add3A_170] : memref<33554432xf32, #tpu.memory_space<hbm>> -> memref<4096xf32, #tpu.memory_space<hbm>>
    %dma_start3A_606 = tpu.memref_slice %arg3[%add3A_170] : memref<33554432xf32, #tpu.memory_space<hbm>> -> memref<4096xf32, #tpu.memory_space<hbm>>
    tpu.enqueue_dma source(%arg4 : memref<4096xf32, #tpu.memory_space<vmem>>) target(%dma_start3A_606 : memref<4096xf32, #tpu.memory_space<hbm>>) target_semaphore(%arg12 : memref<!tpu.dma_semaphore, #tpu.memory_space<semaphore_mem>>)
    %dma_start3A_607 = tpu.memref_slice %arg3[%add3A_174] : memref<33554432xf32, #tpu.memory_space<hbm>> -> memref<4096xf32, #tpu.memory_space<hbm>>
    %dma_start3A_608 = tpu.memref_slice %arg3[%add3A_174] : memref<33554432xf32, #tpu.memory_space<hbm>> -> memref<4096xf32, #tpu.memory_space<hbm>>
    tpu.enqueue_dma source(%arg4 : memref<4096xf32, #tpu.memory_space<vmem>>) target(%dma_start3A_608 : memref<4096xf32, #tpu.memory_space<hbm>>) target_semaphore(%arg12 : memref<!tpu.dma_semaphore, #tpu.memory_space<semaphore_mem>>)
    %dma_start3A_609 = tpu.memref_slice %arg3[%add3A_178] : memref<33554432xf32, #tpu.memory_space<hbm>> -> memref<4096xf32, #tpu.memory_space<hbm>>
    %dma_start3A_610 = tpu.memref_slice %arg3[%add3A_178] : memref<33554432xf32, #tpu.memory_space<hbm>> -> memref<4096xf32, #tpu.memory_space<hbm>>
    tpu.enqueue_dma source(%arg4 : memref<4096xf32, #tpu.memory_space<vmem>>) target(%dma_start3A_610 : memref<4096xf32, #tpu.memory_space<hbm>>) target_semaphore(%arg12 : memref<!tpu.dma_semaphore, #tpu.memory_space<semaphore_mem>>)
    %dma_start3A_611 = tpu.memref_slice %arg3[%add3A_182] : memref<33554432xf32, #tpu.memory_space<hbm>> -> memref<4096xf32, #tpu.memory_space<hbm>>
    %dma_start3A_612 = tpu.memref_slice %arg3[%add3A_182] : memref<33554432xf32, #tpu.memory_space<hbm>> -> memref<4096xf32, #tpu.memory_space<hbm>>
    tpu.enqueue_dma source(%arg4 : memref<4096xf32, #tpu.memory_space<vmem>>) target(%dma_start3A_612 : memref<4096xf32, #tpu.memory_space<hbm>>) target_semaphore(%arg12 : memref<!tpu.dma_semaphore, #tpu.memory_space<semaphore_mem>>)
    %dma_start3A_613 = tpu.memref_slice %arg3[%add3A_186] : memref<33554432xf32, #tpu.memory_space<hbm>> -> memref<4096xf32, #tpu.memory_space<hbm>>
    %dma_start3A_614 = tpu.memref_slice %arg3[%add3A_186] : memref<33554432xf32, #tpu.memory_space<hbm>> -> memref<4096xf32, #tpu.memory_space<hbm>>
    tpu.enqueue_dma source(%arg4 : memref<4096xf32, #tpu.memory_space<vmem>>) target(%dma_start3A_614 : memref<4096xf32, #tpu.memory_space<hbm>>) target_semaphore(%arg12 : memref<!tpu.dma_semaphore, #tpu.memory_space<semaphore_mem>>)
    %dma_start3A_615 = tpu.memref_slice %arg3[%add3A_190] : memref<33554432xf32, #tpu.memory_space<hbm>> -> memref<4096xf32, #tpu.memory_space<hbm>>
    %dma_start3A_616 = tpu.memref_slice %arg3[%add3A_190] : memref<33554432xf32, #tpu.memory_space<hbm>> -> memref<4096xf32, #tpu.memory_space<hbm>>
    tpu.enqueue_dma source(%arg4 : memref<4096xf32, #tpu.memory_space<vmem>>) target(%dma_start3A_616 : memref<4096xf32, #tpu.memory_space<hbm>>) target_semaphore(%arg12 : memref<!tpu.dma_semaphore, #tpu.memory_space<semaphore_mem>>)
    %dma_start3A_617 = tpu.memref_slice %arg3[%add3A_194] : memref<33554432xf32, #tpu.memory_space<hbm>> -> memref<4096xf32, #tpu.memory_space<hbm>>
    %dma_start3A_618 = tpu.memref_slice %arg3[%add3A_194] : memref<33554432xf32, #tpu.memory_space<hbm>> -> memref<4096xf32, #tpu.memory_space<hbm>>
    tpu.enqueue_dma source(%arg4 : memref<4096xf32, #tpu.memory_space<vmem>>) target(%dma_start3A_618 : memref<4096xf32, #tpu.memory_space<hbm>>) target_semaphore(%arg12 : memref<!tpu.dma_semaphore, #tpu.memory_space<semaphore_mem>>)
    %dma_start3A_619 = tpu.memref_slice %arg3[%add3A_198] : memref<33554432xf32, #tpu.memory_space<hbm>> -> memref<4096xf32, #tpu.memory_space<hbm>>
    %dma_start3A_620 = tpu.memref_slice %arg3[%add3A_198] : memref<33554432xf32, #tpu.memory_space<hbm>> -> memref<4096xf32, #tpu.memory_space<hbm>>
    tpu.enqueue_dma source(%arg4 : memref<4096xf32, #tpu.memory_space<vmem>>) target(%dma_start3A_620 : memref<4096xf32, #tpu.memory_space<hbm>>) target_semaphore(%arg12 : memref<!tpu.dma_semaphore, #tpu.memory_space<semaphore_mem>>)
    %dma_start3A_621 = tpu.memref_slice %arg3[%add3A_202] : memref<33554432xf32, #tpu.memory_space<hbm>> -> memref<4096xf32, #tpu.memory_space<hbm>>
    %dma_start3A_622 = tpu.memref_slice %arg3[%add3A_202] : memref<33554432xf32, #tpu.memory_space<hbm>> -> memref<4096xf32, #tpu.memory_space<hbm>>
    tpu.enqueue_dma source(%arg4 : memref<4096xf32, #tpu.memory_space<vmem>>) target(%dma_start3A_622 : memref<4096xf32, #tpu.memory_space<hbm>>) target_semaphore(%arg12 : memref<!tpu.dma_semaphore, #tpu.memory_space<semaphore_mem>>)
    %dma_start3A_623 = tpu.memref_slice %arg3[%add3A_206] : memref<33554432xf32, #tpu.memory_space<hbm>> -> memref<4096xf32, #tpu.memory_space<hbm>>
    %dma_start3A_624 = tpu.memref_slice %arg3[%add3A_206] : memref<33554432xf32, #tpu.memory_space<hbm>> -> memref<4096xf32, #tpu.memory_space<hbm>>
    tpu.enqueue_dma source(%arg4 : memref<4096xf32, #tpu.memory_space<vmem>>) target(%dma_start3A_624 : memref<4096xf32, #tpu.memory_space<hbm>>) target_semaphore(%arg12 : memref<!tpu.dma_semaphore, #tpu.memory_space<semaphore_mem>>)
    %dma_start3A_625 = tpu.memref_slice %arg3[%add3A_210] : memref<33554432xf32, #tpu.memory_space<hbm>> -> memref<4096xf32, #tpu.memory_space<hbm>>
    %dma_start3A_626 = tpu.memref_slice %arg3[%add3A_210] : memref<33554432xf32, #tpu.memory_space<hbm>> -> memref<4096xf32, #tpu.memory_space<hbm>>
    tpu.enqueue_dma source(%arg4 : memref<4096xf32, #tpu.memory_space<vmem>>) target(%dma_start3A_626 : memref<4096xf32, #tpu.memory_space<hbm>>) target_semaphore(%arg12 : memref<!tpu.dma_semaphore, #tpu.memory_space<semaphore_mem>>)
    %dma_start3A_627 = tpu.memref_slice %arg3[%add3A_214] : memref<33554432xf32, #tpu.memory_space<hbm>> -> memref<4096xf32, #tpu.memory_space<hbm>>
    %dma_start3A_628 = tpu.memref_slice %arg3[%add3A_214] : memref<33554432xf32, #tpu.memory_space<hbm>> -> memref<4096xf32, #tpu.memory_space<hbm>>
    tpu.enqueue_dma source(%arg4 : memref<4096xf32, #tpu.memory_space<vmem>>) target(%dma_start3A_628 : memref<4096xf32, #tpu.memory_space<hbm>>) target_semaphore(%arg12 : memref<!tpu.dma_semaphore, #tpu.memory_space<semaphore_mem>>)
    %dma_start3A_629 = tpu.memref_slice %arg3[%add3A_218] : memref<33554432xf32, #tpu.memory_space<hbm>> -> memref<4096xf32, #tpu.memory_space<hbm>>
    %dma_start3A_630 = tpu.memref_slice %arg3[%add3A_218] : memref<33554432xf32, #tpu.memory_space<hbm>> -> memref<4096xf32, #tpu.memory_space<hbm>>
    tpu.enqueue_dma source(%arg4 : memref<4096xf32, #tpu.memory_space<vmem>>) target(%dma_start3A_630 : memref<4096xf32, #tpu.memory_space<hbm>>) target_semaphore(%arg12 : memref<!tpu.dma_semaphore, #tpu.memory_space<semaphore_mem>>)
    %dma_start3A_631 = tpu.memref_slice %arg3[%add3A_222] : memref<33554432xf32, #tpu.memory_space<hbm>> -> memref<4096xf32, #tpu.memory_space<hbm>>
    %dma_start3A_632 = tpu.memref_slice %arg3[%add3A_222] : memref<33554432xf32, #tpu.memory_space<hbm>> -> memref<4096xf32, #tpu.memory_space<hbm>>
    tpu.enqueue_dma source(%arg4 : memref<4096xf32, #tpu.memory_space<vmem>>) target(%dma_start3A_632 : memref<4096xf32, #tpu.memory_space<hbm>>) target_semaphore(%arg12 : memref<!tpu.dma_semaphore, #tpu.memory_space<semaphore_mem>>)
    %dma_start3A_633 = tpu.memref_slice %arg3[%add3A_226] : memref<33554432xf32, #tpu.memory_space<hbm>> -> memref<4096xf32, #tpu.memory_space<hbm>>
    %dma_start3A_634 = tpu.memref_slice %arg3[%add3A_226] : memref<33554432xf32, #tpu.memory_space<hbm>> -> memref<4096xf32, #tpu.memory_space<hbm>>
    tpu.enqueue_dma source(%arg4 : memref<4096xf32, #tpu.memory_space<vmem>>) target(%dma_start3A_634 : memref<4096xf32, #tpu.memory_space<hbm>>) target_semaphore(%arg12 : memref<!tpu.dma_semaphore, #tpu.memory_space<semaphore_mem>>)
    %dma_start3A_635 = tpu.memref_slice %arg3[%add3A_230] : memref<33554432xf32, #tpu.memory_space<hbm>> -> memref<4096xf32, #tpu.memory_space<hbm>>
    %dma_start3A_636 = tpu.memref_slice %arg3[%add3A_230] : memref<33554432xf32, #tpu.memory_space<hbm>> -> memref<4096xf32, #tpu.memory_space<hbm>>
    tpu.enqueue_dma source(%arg4 : memref<4096xf32, #tpu.memory_space<vmem>>) target(%dma_start3A_636 : memref<4096xf32, #tpu.memory_space<hbm>>) target_semaphore(%arg12 : memref<!tpu.dma_semaphore, #tpu.memory_space<semaphore_mem>>)
    %dma_start3A_637 = tpu.memref_slice %arg3[%add3A_234] : memref<33554432xf32, #tpu.memory_space<hbm>> -> memref<4096xf32, #tpu.memory_space<hbm>>
    %dma_start3A_638 = tpu.memref_slice %arg3[%add3A_234] : memref<33554432xf32, #tpu.memory_space<hbm>> -> memref<4096xf32, #tpu.memory_space<hbm>>
    tpu.enqueue_dma source(%arg4 : memref<4096xf32, #tpu.memory_space<vmem>>) target(%dma_start3A_638 : memref<4096xf32, #tpu.memory_space<hbm>>) target_semaphore(%arg12 : memref<!tpu.dma_semaphore, #tpu.memory_space<semaphore_mem>>)
    %dma_start3A_639 = tpu.memref_slice %arg3[%add3A_238] : memref<33554432xf32, #tpu.memory_space<hbm>> -> memref<4096xf32, #tpu.memory_space<hbm>>
    %dma_start3A_640 = tpu.memref_slice %arg3[%add3A_238] : memref<33554432xf32, #tpu.memory_space<hbm>> -> memref<4096xf32, #tpu.memory_space<hbm>>
    tpu.enqueue_dma source(%arg4 : memref<4096xf32, #tpu.memory_space<vmem>>) target(%dma_start3A_640 : memref<4096xf32, #tpu.memory_space<hbm>>) target_semaphore(%arg12 : memref<!tpu.dma_semaphore, #tpu.memory_space<semaphore_mem>>)
    %dma_start3A_641 = tpu.memref_slice %arg3[%add3A_242] : memref<33554432xf32, #tpu.memory_space<hbm>> -> memref<4096xf32, #tpu.memory_space<hbm>>
    %dma_start3A_642 = tpu.memref_slice %arg3[%add3A_242] : memref<33554432xf32, #tpu.memory_space<hbm>> -> memref<4096xf32, #tpu.memory_space<hbm>>
    tpu.enqueue_dma source(%arg4 : memref<4096xf32, #tpu.memory_space<vmem>>) target(%dma_start3A_642 : memref<4096xf32, #tpu.memory_space<hbm>>) target_semaphore(%arg12 : memref<!tpu.dma_semaphore, #tpu.memory_space<semaphore_mem>>)
    %dma_start3A_643 = tpu.memref_slice %arg3[%add3A_246] : memref<33554432xf32, #tpu.memory_space<hbm>> -> memref<4096xf32, #tpu.memory_space<hbm>>
    %dma_start3A_644 = tpu.memref_slice %arg3[%add3A_246] : memref<33554432xf32, #tpu.memory_space<hbm>> -> memref<4096xf32, #tpu.memory_space<hbm>>
    tpu.enqueue_dma source(%arg4 : memref<4096xf32, #tpu.memory_space<vmem>>) target(%dma_start3A_644 : memref<4096xf32, #tpu.memory_space<hbm>>) target_semaphore(%arg12 : memref<!tpu.dma_semaphore, #tpu.memory_space<semaphore_mem>>)
    %dma_start3A_645 = tpu.memref_slice %arg3[%add3A_250] : memref<33554432xf32, #tpu.memory_space<hbm>> -> memref<4096xf32, #tpu.memory_space<hbm>>
    %dma_start3A_646 = tpu.memref_slice %arg3[%add3A_250] : memref<33554432xf32, #tpu.memory_space<hbm>> -> memref<4096xf32, #tpu.memory_space<hbm>>
    tpu.enqueue_dma source(%arg4 : memref<4096xf32, #tpu.memory_space<vmem>>) target(%dma_start3A_646 : memref<4096xf32, #tpu.memory_space<hbm>>) target_semaphore(%arg12 : memref<!tpu.dma_semaphore, #tpu.memory_space<semaphore_mem>>)
    %dma_start3A_647 = tpu.memref_slice %arg3[%add3A_254] : memref<33554432xf32, #tpu.memory_space<hbm>> -> memref<4096xf32, #tpu.memory_space<hbm>>
    %dma_start3A_648 = tpu.memref_slice %arg3[%add3A_254] : memref<33554432xf32, #tpu.memory_space<hbm>> -> memref<4096xf32, #tpu.memory_space<hbm>>
    tpu.enqueue_dma source(%arg4 : memref<4096xf32, #tpu.memory_space<vmem>>) target(%dma_start3A_648 : memref<4096xf32, #tpu.memory_space<hbm>>) target_semaphore(%arg12 : memref<!tpu.dma_semaphore, #tpu.memory_space<semaphore_mem>>)
    %dma_start3A_649 = tpu.memref_slice %arg3[%add3A_258] : memref<33554432xf32, #tpu.memory_space<hbm>> -> memref<4096xf32, #tpu.memory_space<hbm>>
    %dma_start3A_650 = tpu.memref_slice %arg3[%add3A_258] : memref<33554432xf32, #tpu.memory_space<hbm>> -> memref<4096xf32, #tpu.memory_space<hbm>>
    tpu.enqueue_dma source(%arg4 : memref<4096xf32, #tpu.memory_space<vmem>>) target(%dma_start3A_650 : memref<4096xf32, #tpu.memory_space<hbm>>) target_semaphore(%arg12 : memref<!tpu.dma_semaphore, #tpu.memory_space<semaphore_mem>>)
    %dma_start3A_651 = tpu.memref_slice %arg3[%add3A_262] : memref<33554432xf32, #tpu.memory_space<hbm>> -> memref<4096xf32, #tpu.memory_space<hbm>>
    %dma_start3A_652 = tpu.memref_slice %arg3[%add3A_262] : memref<33554432xf32, #tpu.memory_space<hbm>> -> memref<4096xf32, #tpu.memory_space<hbm>>
    tpu.enqueue_dma source(%arg4 : memref<4096xf32, #tpu.memory_space<vmem>>) target(%dma_start3A_652 : memref<4096xf32, #tpu.memory_space<hbm>>) target_semaphore(%arg12 : memref<!tpu.dma_semaphore, #tpu.memory_space<semaphore_mem>>)
    %dma_start3A_653 = tpu.memref_slice %arg3[%add3A_266] : memref<33554432xf32, #tpu.memory_space<hbm>> -> memref<4096xf32, #tpu.memory_space<hbm>>
    %dma_start3A_654 = tpu.memref_slice %arg3[%add3A_266] : memref<33554432xf32, #tpu.memory_space<hbm>> -> memref<4096xf32, #tpu.memory_space<hbm>>
    tpu.enqueue_dma source(%arg4 : memref<4096xf32, #tpu.memory_space<vmem>>) target(%dma_start3A_654 : memref<4096xf32, #tpu.memory_space<hbm>>) target_semaphore(%arg12 : memref<!tpu.dma_semaphore, #tpu.memory_space<semaphore_mem>>)
    %dma_start3A_655 = tpu.memref_slice %arg3[%add3A_270] : memref<33554432xf32, #tpu.memory_space<hbm>> -> memref<4096xf32, #tpu.memory_space<hbm>>
    %dma_start3A_656 = tpu.memref_slice %arg3[%add3A_270] : memref<33554432xf32, #tpu.memory_space<hbm>> -> memref<4096xf32, #tpu.memory_space<hbm>>
    tpu.enqueue_dma source(%arg4 : memref<4096xf32, #tpu.memory_space<vmem>>) target(%dma_start3A_656 : memref<4096xf32, #tpu.memory_space<hbm>>) target_semaphore(%arg12 : memref<!tpu.dma_semaphore, #tpu.memory_space<semaphore_mem>>)
    %dma_start3A_657 = tpu.memref_slice %arg3[%add3A_274] : memref<33554432xf32, #tpu.memory_space<hbm>> -> memref<4096xf32, #tpu.memory_space<hbm>>
    %dma_start3A_658 = tpu.memref_slice %arg3[%add3A_274] : memref<33554432xf32, #tpu.memory_space<hbm>> -> memref<4096xf32, #tpu.memory_space<hbm>>
    tpu.enqueue_dma source(%arg4 : memref<4096xf32, #tpu.memory_space<vmem>>) target(%dma_start3A_658 : memref<4096xf32, #tpu.memory_space<hbm>>) target_semaphore(%arg12 : memref<!tpu.dma_semaphore, #tpu.memory_space<semaphore_mem>>)
    %dma_start3A_659 = tpu.memref_slice %arg3[%add3A_278] : memref<33554432xf32, #tpu.memory_space<hbm>> -> memref<4096xf32, #tpu.memory_space<hbm>>
    %dma_start3A_660 = tpu.memref_slice %arg3[%add3A_278] : memref<33554432xf32, #tpu.memory_space<hbm>> -> memref<4096xf32, #tpu.memory_space<hbm>>
    tpu.enqueue_dma source(%arg4 : memref<4096xf32, #tpu.memory_space<vmem>>) target(%dma_start3A_660 : memref<4096xf32, #tpu.memory_space<hbm>>) target_semaphore(%arg12 : memref<!tpu.dma_semaphore, #tpu.memory_space<semaphore_mem>>)
    %dma_start3A_661 = tpu.memref_slice %arg3[%add3A_282] : memref<33554432xf32, #tpu.memory_space<hbm>> -> memref<4096xf32, #tpu.memory_space<hbm>>
    %dma_start3A_662 = tpu.memref_slice %arg3[%add3A_282] : memref<33554432xf32, #tpu.memory_space<hbm>> -> memref<4096xf32, #tpu.memory_space<hbm>>
    tpu.enqueue_dma source(%arg4 : memref<4096xf32, #tpu.memory_space<vmem>>) target(%dma_start3A_662 : memref<4096xf32, #tpu.memory_space<hbm>>) target_semaphore(%arg12 : memref<!tpu.dma_semaphore, #tpu.memory_space<semaphore_mem>>)
    %dma_start3A_663 = tpu.memref_slice %arg3[%add3A_286] : memref<33554432xf32, #tpu.memory_space<hbm>> -> memref<4096xf32, #tpu.memory_space<hbm>>
    %dma_start3A_664 = tpu.memref_slice %arg3[%add3A_286] : memref<33554432xf32, #tpu.memory_space<hbm>> -> memref<4096xf32, #tpu.memory_space<hbm>>
    tpu.enqueue_dma source(%arg4 : memref<4096xf32, #tpu.memory_space<vmem>>) target(%dma_start3A_664 : memref<4096xf32, #tpu.memory_space<hbm>>) target_semaphore(%arg12 : memref<!tpu.dma_semaphore, #tpu.memory_space<semaphore_mem>>)
    %dma_start3A_665 = tpu.memref_slice %arg3[%add3A_290] : memref<33554432xf32, #tpu.memory_space<hbm>> -> memref<4096xf32, #tpu.memory_space<hbm>>
    %dma_start3A_666 = tpu.memref_slice %arg3[%add3A_290] : memref<33554432xf32, #tpu.memory_space<hbm>> -> memref<4096xf32, #tpu.memory_space<hbm>>
    tpu.enqueue_dma source(%arg4 : memref<4096xf32, #tpu.memory_space<vmem>>) target(%dma_start3A_666 : memref<4096xf32, #tpu.memory_space<hbm>>) target_semaphore(%arg12 : memref<!tpu.dma_semaphore, #tpu.memory_space<semaphore_mem>>)
    %dma_start3A_667 = tpu.memref_slice %arg3[%add3A_294] : memref<33554432xf32, #tpu.memory_space<hbm>> -> memref<4096xf32, #tpu.memory_space<hbm>>
    %dma_start3A_668 = tpu.memref_slice %arg3[%add3A_294] : memref<33554432xf32, #tpu.memory_space<hbm>> -> memref<4096xf32, #tpu.memory_space<hbm>>
    tpu.enqueue_dma source(%arg4 : memref<4096xf32, #tpu.memory_space<vmem>>) target(%dma_start3A_668 : memref<4096xf32, #tpu.memory_space<hbm>>) target_semaphore(%arg12 : memref<!tpu.dma_semaphore, #tpu.memory_space<semaphore_mem>>)
    %dma_start3A_669 = tpu.memref_slice %arg3[%add3A_298] : memref<33554432xf32, #tpu.memory_space<hbm>> -> memref<4096xf32, #tpu.memory_space<hbm>>
    %dma_start3A_670 = tpu.memref_slice %arg3[%add3A_298] : memref<33554432xf32, #tpu.memory_space<hbm>> -> memref<4096xf32, #tpu.memory_space<hbm>>
    tpu.enqueue_dma source(%arg4 : memref<4096xf32, #tpu.memory_space<vmem>>) target(%dma_start3A_670 : memref<4096xf32, #tpu.memory_space<hbm>>) target_semaphore(%arg12 : memref<!tpu.dma_semaphore, #tpu.memory_space<semaphore_mem>>)
    %dma_start3A_671 = tpu.memref_slice %arg3[%add3A_302] : memref<33554432xf32, #tpu.memory_space<hbm>> -> memref<4096xf32, #tpu.memory_space<hbm>>
    %dma_start3A_672 = tpu.memref_slice %arg3[%add3A_302] : memref<33554432xf32, #tpu.memory_space<hbm>> -> memref<4096xf32, #tpu.memory_space<hbm>>
    tpu.enqueue_dma source(%arg4 : memref<4096xf32, #tpu.memory_space<vmem>>) target(%dma_start3A_672 : memref<4096xf32, #tpu.memory_space<hbm>>) target_semaphore(%arg12 : memref<!tpu.dma_semaphore, #tpu.memory_space<semaphore_mem>>)
    %dma_start3A_673 = tpu.memref_slice %arg3[%add3A_306] : memref<33554432xf32, #tpu.memory_space<hbm>> -> memref<4096xf32, #tpu.memory_space<hbm>>
    %dma_start3A_674 = tpu.memref_slice %arg3[%add3A_306] : memref<33554432xf32, #tpu.memory_space<hbm>> -> memref<4096xf32, #tpu.memory_space<hbm>>
    tpu.enqueue_dma source(%arg4 : memref<4096xf32, #tpu.memory_space<vmem>>) target(%dma_start3A_674 : memref<4096xf32, #tpu.memory_space<hbm>>) target_semaphore(%arg12 : memref<!tpu.dma_semaphore, #tpu.memory_space<semaphore_mem>>)
    %dma_start3A_675 = tpu.memref_slice %arg3[%add3A_310] : memref<33554432xf32, #tpu.memory_space<hbm>> -> memref<4096xf32, #tpu.memory_space<hbm>>
    %dma_start3A_676 = tpu.memref_slice %arg3[%add3A_310] : memref<33554432xf32, #tpu.memory_space<hbm>> -> memref<4096xf32, #tpu.memory_space<hbm>>
    tpu.enqueue_dma source(%arg4 : memref<4096xf32, #tpu.memory_space<vmem>>) target(%dma_start3A_676 : memref<4096xf32, #tpu.memory_space<hbm>>) target_semaphore(%arg12 : memref<!tpu.dma_semaphore, #tpu.memory_space<semaphore_mem>>)
    %dma_start3A_677 = tpu.memref_slice %arg3[%add3A_314] : memref<33554432xf32, #tpu.memory_space<hbm>> -> memref<4096xf32, #tpu.memory_space<hbm>>
    %dma_start3A_678 = tpu.memref_slice %arg3[%add3A_314] : memref<33554432xf32, #tpu.memory_space<hbm>> -> memref<4096xf32, #tpu.memory_space<hbm>>
    tpu.enqueue_dma source(%arg4 : memref<4096xf32, #tpu.memory_space<vmem>>) target(%dma_start3A_678 : memref<4096xf32, #tpu.memory_space<hbm>>) target_semaphore(%arg12 : memref<!tpu.dma_semaphore, #tpu.memory_space<semaphore_mem>>)
    %dma_start3A_679 = tpu.memref_slice %arg3[%add3A_318] : memref<33554432xf32, #tpu.memory_space<hbm>> -> memref<4096xf32, #tpu.memory_space<hbm>>
    %dma_start3A_680 = tpu.memref_slice %arg3[%add3A_318] : memref<33554432xf32, #tpu.memory_space<hbm>> -> memref<4096xf32, #tpu.memory_space<hbm>>
    tpu.enqueue_dma source(%arg4 : memref<4096xf32, #tpu.memory_space<vmem>>) target(%dma_start3A_680 : memref<4096xf32, #tpu.memory_space<hbm>>) target_semaphore(%arg12 : memref<!tpu.dma_semaphore, #tpu.memory_space<semaphore_mem>>)
    %dma_start3A_681 = tpu.memref_slice %arg3[%add3A_322] : memref<33554432xf32, #tpu.memory_space<hbm>> -> memref<4096xf32, #tpu.memory_space<hbm>>
    %dma_start3A_682 = tpu.memref_slice %arg3[%add3A_322] : memref<33554432xf32, #tpu.memory_space<hbm>> -> memref<4096xf32, #tpu.memory_space<hbm>>
    tpu.enqueue_dma source(%arg4 : memref<4096xf32, #tpu.memory_space<vmem>>) target(%dma_start3A_682 : memref<4096xf32, #tpu.memory_space<hbm>>) target_semaphore(%arg12 : memref<!tpu.dma_semaphore, #tpu.memory_space<semaphore_mem>>)
    %dma_start3A_683 = tpu.memref_slice %arg3[%add3A_326] : memref<33554432xf32, #tpu.memory_space<hbm>> -> memref<4096xf32, #tpu.memory_space<hbm>>
    %dma_start3A_684 = tpu.memref_slice %arg3[%add3A_326] : memref<33554432xf32, #tpu.memory_space<hbm>> -> memref<4096xf32, #tpu.memory_space<hbm>>
    tpu.enqueue_dma source(%arg4 : memref<4096xf32, #tpu.memory_space<vmem>>) target(%dma_start3A_684 : memref<4096xf32, #tpu.memory_space<hbm>>) target_semaphore(%arg12 : memref<!tpu.dma_semaphore, #tpu.memory_space<semaphore_mem>>)
    %dma_start3A_685 = tpu.memref_slice %arg3[%add3A_330] : memref<33554432xf32, #tpu.memory_space<hbm>> -> memref<4096xf32, #tpu.memory_space<hbm>>
    %dma_start3A_686 = tpu.memref_slice %arg3[%add3A_330] : memref<33554432xf32, #tpu.memory_space<hbm>> -> memref<4096xf32, #tpu.memory_space<hbm>>
    tpu.enqueue_dma source(%arg4 : memref<4096xf32, #tpu.memory_space<vmem>>) target(%dma_start3A_686 : memref<4096xf32, #tpu.memory_space<hbm>>) target_semaphore(%arg12 : memref<!tpu.dma_semaphore, #tpu.memory_space<semaphore_mem>>)
    %dma_start3A_687 = tpu.memref_slice %arg3[%add3A_334] : memref<33554432xf32, #tpu.memory_space<hbm>> -> memref<4096xf32, #tpu.memory_space<hbm>>
    %dma_start3A_688 = tpu.memref_slice %arg3[%add3A_334] : memref<33554432xf32, #tpu.memory_space<hbm>> -> memref<4096xf32, #tpu.memory_space<hbm>>
    tpu.enqueue_dma source(%arg4 : memref<4096xf32, #tpu.memory_space<vmem>>) target(%dma_start3A_688 : memref<4096xf32, #tpu.memory_space<hbm>>) target_semaphore(%arg12 : memref<!tpu.dma_semaphore, #tpu.memory_space<semaphore_mem>>)
    %dma_start3A_689 = tpu.memref_slice %arg3[%add3A_338] : memref<33554432xf32, #tpu.memory_space<hbm>> -> memref<4096xf32, #tpu.memory_space<hbm>>
    %dma_start3A_690 = tpu.memref_slice %arg3[%add3A_338] : memref<33554432xf32, #tpu.memory_space<hbm>> -> memref<4096xf32, #tpu.memory_space<hbm>>
    tpu.enqueue_dma source(%arg4 : memref<4096xf32, #tpu.memory_space<vmem>>) target(%dma_start3A_690 : memref<4096xf32, #tpu.memory_space<hbm>>) target_semaphore(%arg12 : memref<!tpu.dma_semaphore, #tpu.memory_space<semaphore_mem>>)
    %dma_start3A_691 = tpu.memref_slice %arg3[%add3A_342] : memref<33554432xf32, #tpu.memory_space<hbm>> -> memref<4096xf32, #tpu.memory_space<hbm>>
    %dma_start3A_692 = tpu.memref_slice %arg3[%add3A_342] : memref<33554432xf32, #tpu.memory_space<hbm>> -> memref<4096xf32, #tpu.memory_space<hbm>>
    tpu.enqueue_dma source(%arg4 : memref<4096xf32, #tpu.memory_space<vmem>>) target(%dma_start3A_692 : memref<4096xf32, #tpu.memory_space<hbm>>) target_semaphore(%arg12 : memref<!tpu.dma_semaphore, #tpu.memory_space<semaphore_mem>>)
    %dma_start3A_693 = tpu.memref_slice %arg3[%add3A_346] : memref<33554432xf32, #tpu.memory_space<hbm>> -> memref<4096xf32, #tpu.memory_space<hbm>>
    %dma_start3A_694 = tpu.memref_slice %arg3[%add3A_346] : memref<33554432xf32, #tpu.memory_space<hbm>> -> memref<4096xf32, #tpu.memory_space<hbm>>
    tpu.enqueue_dma source(%arg4 : memref<4096xf32, #tpu.memory_space<vmem>>) target(%dma_start3A_694 : memref<4096xf32, #tpu.memory_space<hbm>>) target_semaphore(%arg12 : memref<!tpu.dma_semaphore, #tpu.memory_space<semaphore_mem>>)
    %dma_start3A_695 = tpu.memref_slice %arg3[%add3A_350] : memref<33554432xf32, #tpu.memory_space<hbm>> -> memref<4096xf32, #tpu.memory_space<hbm>>
    %dma_start3A_696 = tpu.memref_slice %arg3[%add3A_350] : memref<33554432xf32, #tpu.memory_space<hbm>> -> memref<4096xf32, #tpu.memory_space<hbm>>
    tpu.enqueue_dma source(%arg4 : memref<4096xf32, #tpu.memory_space<vmem>>) target(%dma_start3A_696 : memref<4096xf32, #tpu.memory_space<hbm>>) target_semaphore(%arg12 : memref<!tpu.dma_semaphore, #tpu.memory_space<semaphore_mem>>)
    %dma_start3A_697 = tpu.memref_slice %arg3[%add3A_354] : memref<33554432xf32, #tpu.memory_space<hbm>> -> memref<4096xf32, #tpu.memory_space<hbm>>
    %dma_start3A_698 = tpu.memref_slice %arg3[%add3A_354] : memref<33554432xf32, #tpu.memory_space<hbm>> -> memref<4096xf32, #tpu.memory_space<hbm>>
    tpu.enqueue_dma source(%arg4 : memref<4096xf32, #tpu.memory_space<vmem>>) target(%dma_start3A_698 : memref<4096xf32, #tpu.memory_space<hbm>>) target_semaphore(%arg12 : memref<!tpu.dma_semaphore, #tpu.memory_space<semaphore_mem>>)
    %dma_start3A_699 = tpu.memref_slice %arg3[%add3A_358] : memref<33554432xf32, #tpu.memory_space<hbm>> -> memref<4096xf32, #tpu.memory_space<hbm>>
    %dma_start3A_700 = tpu.memref_slice %arg3[%add3A_358] : memref<33554432xf32, #tpu.memory_space<hbm>> -> memref<4096xf32, #tpu.memory_space<hbm>>
    tpu.enqueue_dma source(%arg4 : memref<4096xf32, #tpu.memory_space<vmem>>) target(%dma_start3A_700 : memref<4096xf32, #tpu.memory_space<hbm>>) target_semaphore(%arg12 : memref<!tpu.dma_semaphore, #tpu.memory_space<semaphore_mem>>)
    %dma_start3A_701 = tpu.memref_slice %arg3[%add3A_362] : memref<33554432xf32, #tpu.memory_space<hbm>> -> memref<4096xf32, #tpu.memory_space<hbm>>
    %dma_start3A_702 = tpu.memref_slice %arg3[%add3A_362] : memref<33554432xf32, #tpu.memory_space<hbm>> -> memref<4096xf32, #tpu.memory_space<hbm>>
    tpu.enqueue_dma source(%arg4 : memref<4096xf32, #tpu.memory_space<vmem>>) target(%dma_start3A_702 : memref<4096xf32, #tpu.memory_space<hbm>>) target_semaphore(%arg12 : memref<!tpu.dma_semaphore, #tpu.memory_space<semaphore_mem>>)
    %dma_start3A_703 = tpu.memref_slice %arg3[%add3A_366] : memref<33554432xf32, #tpu.memory_space<hbm>> -> memref<4096xf32, #tpu.memory_space<hbm>>
    %dma_start3A_704 = tpu.memref_slice %arg3[%add3A_366] : memref<33554432xf32, #tpu.memory_space<hbm>> -> memref<4096xf32, #tpu.memory_space<hbm>>
    tpu.enqueue_dma source(%arg4 : memref<4096xf32, #tpu.memory_space<vmem>>) target(%dma_start3A_704 : memref<4096xf32, #tpu.memory_space<hbm>>) target_semaphore(%arg12 : memref<!tpu.dma_semaphore, #tpu.memory_space<semaphore_mem>>)
    %dma_start3A_705 = tpu.memref_slice %arg3[%add3A_370] : memref<33554432xf32, #tpu.memory_space<hbm>> -> memref<4096xf32, #tpu.memory_space<hbm>>
    %dma_start3A_706 = tpu.memref_slice %arg3[%add3A_370] : memref<33554432xf32, #tpu.memory_space<hbm>> -> memref<4096xf32, #tpu.memory_space<hbm>>
    tpu.enqueue_dma source(%arg4 : memref<4096xf32, #tpu.memory_space<vmem>>) target(%dma_start3A_706 : memref<4096xf32, #tpu.memory_space<hbm>>) target_semaphore(%arg12 : memref<!tpu.dma_semaphore, #tpu.memory_space<semaphore_mem>>)
    %dma_start3A_707 = tpu.memref_slice %arg3[%add3A_374] : memref<33554432xf32, #tpu.memory_space<hbm>> -> memref<4096xf32, #tpu.memory_space<hbm>>
    %dma_start3A_708 = tpu.memref_slice %arg3[%add3A_374] : memref<33554432xf32, #tpu.memory_space<hbm>> -> memref<4096xf32, #tpu.memory_space<hbm>>
    tpu.enqueue_dma source(%arg4 : memref<4096xf32, #tpu.memory_space<vmem>>) target(%dma_start3A_708 : memref<4096xf32, #tpu.memory_space<hbm>>) target_semaphore(%arg12 : memref<!tpu.dma_semaphore, #tpu.memory_space<semaphore_mem>>)
    %dma_start3A_709 = tpu.memref_slice %arg3[%add3A_378] : memref<33554432xf32, #tpu.memory_space<hbm>> -> memref<4096xf32, #tpu.memory_space<hbm>>
    %dma_start3A_710 = tpu.memref_slice %arg3[%add3A_378] : memref<33554432xf32, #tpu.memory_space<hbm>> -> memref<4096xf32, #tpu.memory_space<hbm>>
    tpu.enqueue_dma source(%arg4 : memref<4096xf32, #tpu.memory_space<vmem>>) target(%dma_start3A_710 : memref<4096xf32, #tpu.memory_space<hbm>>) target_semaphore(%arg12 : memref<!tpu.dma_semaphore, #tpu.memory_space<semaphore_mem>>)
    %dma_start3A_711 = tpu.memref_slice %arg3[%add3A_382] : memref<33554432xf32, #tpu.memory_space<hbm>> -> memref<4096xf32, #tpu.memory_space<hbm>>
    %dma_start3A_712 = tpu.memref_slice %arg3[%add3A_382] : memref<33554432xf32, #tpu.memory_space<hbm>> -> memref<4096xf32, #tpu.memory_space<hbm>>
    tpu.enqueue_dma source(%arg4 : memref<4096xf32, #tpu.memory_space<vmem>>) target(%dma_start3A_712 : memref<4096xf32, #tpu.memory_space<hbm>>) target_semaphore(%arg12 : memref<!tpu.dma_semaphore, #tpu.memory_space<semaphore_mem>>)
    %dma_start3A_713 = tpu.memref_slice %arg3[%add3A_386] : memref<33554432xf32, #tpu.memory_space<hbm>> -> memref<4096xf32, #tpu.memory_space<hbm>>
    %dma_start3A_714 = tpu.memref_slice %arg3[%add3A_386] : memref<33554432xf32, #tpu.memory_space<hbm>> -> memref<4096xf32, #tpu.memory_space<hbm>>
    tpu.enqueue_dma source(%arg4 : memref<4096xf32, #tpu.memory_space<vmem>>) target(%dma_start3A_714 : memref<4096xf32, #tpu.memory_space<hbm>>) target_semaphore(%arg12 : memref<!tpu.dma_semaphore, #tpu.memory_space<semaphore_mem>>)
    %dma_start3A_715 = tpu.memref_slice %arg3[%add3A_390] : memref<33554432xf32, #tpu.memory_space<hbm>> -> memref<4096xf32, #tpu.memory_space<hbm>>
    %dma_start3A_716 = tpu.memref_slice %arg3[%add3A_390] : memref<33554432xf32, #tpu.memory_space<hbm>> -> memref<4096xf32, #tpu.memory_space<hbm>>
    tpu.enqueue_dma source(%arg4 : memref<4096xf32, #tpu.memory_space<vmem>>) target(%dma_start3A_716 : memref<4096xf32, #tpu.memory_space<hbm>>) target_semaphore(%arg12 : memref<!tpu.dma_semaphore, #tpu.memory_space<semaphore_mem>>)
    %dma_start3A_717 = tpu.memref_slice %arg3[%add3A_394] : memref<33554432xf32, #tpu.memory_space<hbm>> -> memref<4096xf32, #tpu.memory_space<hbm>>
    %dma_start3A_718 = tpu.memref_slice %arg3[%add3A_394] : memref<33554432xf32, #tpu.memory_space<hbm>> -> memref<4096xf32, #tpu.memory_space<hbm>>
    tpu.enqueue_dma source(%arg4 : memref<4096xf32, #tpu.memory_space<vmem>>) target(%dma_start3A_718 : memref<4096xf32, #tpu.memory_space<hbm>>) target_semaphore(%arg12 : memref<!tpu.dma_semaphore, #tpu.memory_space<semaphore_mem>>)
    %dma_start3A_719 = tpu.memref_slice %arg3[%add3A_398] : memref<33554432xf32, #tpu.memory_space<hbm>> -> memref<4096xf32, #tpu.memory_space<hbm>>
    %dma_start3A_720 = tpu.memref_slice %arg3[%add3A_398] : memref<33554432xf32, #tpu.memory_space<hbm>> -> memref<4096xf32, #tpu.memory_space<hbm>>
    tpu.enqueue_dma source(%arg4 : memref<4096xf32, #tpu.memory_space<vmem>>) target(%dma_start3A_720 : memref<4096xf32, #tpu.memory_space<hbm>>) target_semaphore(%arg12 : memref<!tpu.dma_semaphore, #tpu.memory_space<semaphore_mem>>)
    %dma_start3A_721 = tpu.memref_slice %arg3[%add3A_402] : memref<33554432xf32, #tpu.memory_space<hbm>> -> memref<4096xf32, #tpu.memory_space<hbm>>
    %dma_start3A_722 = tpu.memref_slice %arg3[%add3A_402] : memref<33554432xf32, #tpu.memory_space<hbm>> -> memref<4096xf32, #tpu.memory_space<hbm>>
    tpu.enqueue_dma source(%arg4 : memref<4096xf32, #tpu.memory_space<vmem>>) target(%dma_start3A_722 : memref<4096xf32, #tpu.memory_space<hbm>>) target_semaphore(%arg12 : memref<!tpu.dma_semaphore, #tpu.memory_space<semaphore_mem>>)
    %dma_start3A_723 = tpu.memref_slice %arg3[%add3A_406] : memref<33554432xf32, #tpu.memory_space<hbm>> -> memref<4096xf32, #tpu.memory_space<hbm>>
    %dma_start3A_724 = tpu.memref_slice %arg3[%add3A_406] : memref<33554432xf32, #tpu.memory_space<hbm>> -> memref<4096xf32, #tpu.memory_space<hbm>>
    tpu.enqueue_dma source(%arg4 : memref<4096xf32, #tpu.memory_space<vmem>>) target(%dma_start3A_724 : memref<4096xf32, #tpu.memory_space<hbm>>) target_semaphore(%arg12 : memref<!tpu.dma_semaphore, #tpu.memory_space<semaphore_mem>>)
    %dma_start3A_725 = tpu.memref_slice %arg3[%add3A_410] : memref<33554432xf32, #tpu.memory_space<hbm>> -> memref<4096xf32, #tpu.memory_space<hbm>>
    %dma_start3A_726 = tpu.memref_slice %arg3[%add3A_410] : memref<33554432xf32, #tpu.memory_space<hbm>> -> memref<4096xf32, #tpu.memory_space<hbm>>
    tpu.enqueue_dma source(%arg4 : memref<4096xf32, #tpu.memory_space<vmem>>) target(%dma_start3A_726 : memref<4096xf32, #tpu.memory_space<hbm>>) target_semaphore(%arg12 : memref<!tpu.dma_semaphore, #tpu.memory_space<semaphore_mem>>)
    %dma_start3A_727 = tpu.memref_slice %arg3[%add3A_414] : memref<33554432xf32, #tpu.memory_space<hbm>> -> memref<4096xf32, #tpu.memory_space<hbm>>
    %dma_start3A_728 = tpu.memref_slice %arg3[%add3A_414] : memref<33554432xf32, #tpu.memory_space<hbm>> -> memref<4096xf32, #tpu.memory_space<hbm>>
    tpu.enqueue_dma source(%arg4 : memref<4096xf32, #tpu.memory_space<vmem>>) target(%dma_start3A_728 : memref<4096xf32, #tpu.memory_space<hbm>>) target_semaphore(%arg12 : memref<!tpu.dma_semaphore, #tpu.memory_space<semaphore_mem>>)
    %dma_start3A_729 = tpu.memref_slice %arg3[%add3A_418] : memref<33554432xf32, #tpu.memory_space<hbm>> -> memref<4096xf32, #tpu.memory_space<hbm>>
    %dma_start3A_730 = tpu.memref_slice %arg3[%add3A_418] : memref<33554432xf32, #tpu.memory_space<hbm>> -> memref<4096xf32, #tpu.memory_space<hbm>>
    tpu.enqueue_dma source(%arg4 : memref<4096xf32, #tpu.memory_space<vmem>>) target(%dma_start3A_730 : memref<4096xf32, #tpu.memory_space<hbm>>) target_semaphore(%arg12 : memref<!tpu.dma_semaphore, #tpu.memory_space<semaphore_mem>>)
    %dma_start3A_731 = tpu.memref_slice %arg3[%add3A_422] : memref<33554432xf32, #tpu.memory_space<hbm>> -> memref<4096xf32, #tpu.memory_space<hbm>>
    %dma_start3A_732 = tpu.memref_slice %arg3[%add3A_422] : memref<33554432xf32, #tpu.memory_space<hbm>> -> memref<4096xf32, #tpu.memory_space<hbm>>
    tpu.enqueue_dma source(%arg4 : memref<4096xf32, #tpu.memory_space<vmem>>) target(%dma_start3A_732 : memref<4096xf32, #tpu.memory_space<hbm>>) target_semaphore(%arg12 : memref<!tpu.dma_semaphore, #tpu.memory_space<semaphore_mem>>)
    %dma_start3A_733 = tpu.memref_slice %arg3[%add3A_426] : memref<33554432xf32, #tpu.memory_space<hbm>> -> memref<4096xf32, #tpu.memory_space<hbm>>
    %dma_start3A_734 = tpu.memref_slice %arg3[%add3A_426] : memref<33554432xf32, #tpu.memory_space<hbm>> -> memref<4096xf32, #tpu.memory_space<hbm>>
    tpu.enqueue_dma source(%arg4 : memref<4096xf32, #tpu.memory_space<vmem>>) target(%dma_start3A_734 : memref<4096xf32, #tpu.memory_space<hbm>>) target_semaphore(%arg12 : memref<!tpu.dma_semaphore, #tpu.memory_space<semaphore_mem>>)
    %dma_start3A_735 = tpu.memref_slice %arg3[%add3A_430] : memref<33554432xf32, #tpu.memory_space<hbm>> -> memref<4096xf32, #tpu.memory_space<hbm>>
    %dma_start3A_736 = tpu.memref_slice %arg3[%add3A_430] : memref<33554432xf32, #tpu.memory_space<hbm>> -> memref<4096xf32, #tpu.memory_space<hbm>>
    tpu.enqueue_dma source(%arg4 : memref<4096xf32, #tpu.memory_space<vmem>>) target(%dma_start3A_736 : memref<4096xf32, #tpu.memory_space<hbm>>) target_semaphore(%arg12 : memref<!tpu.dma_semaphore, #tpu.memory_space<semaphore_mem>>)
    %dma_start3A_737 = tpu.memref_slice %arg3[%add3A_434] : memref<33554432xf32, #tpu.memory_space<hbm>> -> memref<4096xf32, #tpu.memory_space<hbm>>
    %dma_start3A_738 = tpu.memref_slice %arg3[%add3A_434] : memref<33554432xf32, #tpu.memory_space<hbm>> -> memref<4096xf32, #tpu.memory_space<hbm>>
    tpu.enqueue_dma source(%arg4 : memref<4096xf32, #tpu.memory_space<vmem>>) target(%dma_start3A_738 : memref<4096xf32, #tpu.memory_space<hbm>>) target_semaphore(%arg12 : memref<!tpu.dma_semaphore, #tpu.memory_space<semaphore_mem>>)
    %dma_start3A_739 = tpu.memref_slice %arg3[%add3A_438] : memref<33554432xf32, #tpu.memory_space<hbm>> -> memref<4096xf32, #tpu.memory_space<hbm>>
    %dma_start3A_740 = tpu.memref_slice %arg3[%add3A_438] : memref<33554432xf32, #tpu.memory_space<hbm>> -> memref<4096xf32, #tpu.memory_space<hbm>>
    tpu.enqueue_dma source(%arg4 : memref<4096xf32, #tpu.memory_space<vmem>>) target(%dma_start3A_740 : memref<4096xf32, #tpu.memory_space<hbm>>) target_semaphore(%arg12 : memref<!tpu.dma_semaphore, #tpu.memory_space<semaphore_mem>>)
    %dma_start3A_741 = tpu.memref_slice %arg3[%add3A_442] : memref<33554432xf32, #tpu.memory_space<hbm>> -> memref<4096xf32, #tpu.memory_space<hbm>>
    %dma_start3A_742 = tpu.memref_slice %arg3[%add3A_442] : memref<33554432xf32, #tpu.memory_space<hbm>> -> memref<4096xf32, #tpu.memory_space<hbm>>
    tpu.enqueue_dma source(%arg4 : memref<4096xf32, #tpu.memory_space<vmem>>) target(%dma_start3A_742 : memref<4096xf32, #tpu.memory_space<hbm>>) target_semaphore(%arg12 : memref<!tpu.dma_semaphore, #tpu.memory_space<semaphore_mem>>)
    %dma_start3A_743 = tpu.memref_slice %arg3[%add3A_446] : memref<33554432xf32, #tpu.memory_space<hbm>> -> memref<4096xf32, #tpu.memory_space<hbm>>
    %dma_start3A_744 = tpu.memref_slice %arg3[%add3A_446] : memref<33554432xf32, #tpu.memory_space<hbm>> -> memref<4096xf32, #tpu.memory_space<hbm>>
    tpu.enqueue_dma source(%arg4 : memref<4096xf32, #tpu.memory_space<vmem>>) target(%dma_start3A_744 : memref<4096xf32, #tpu.memory_space<hbm>>) target_semaphore(%arg12 : memref<!tpu.dma_semaphore, #tpu.memory_space<semaphore_mem>>)
    %dma_start3A_745 = tpu.memref_slice %arg3[%add3A_450] : memref<33554432xf32, #tpu.memory_space<hbm>> -> memref<4096xf32, #tpu.memory_space<hbm>>
    %dma_start3A_746 = tpu.memref_slice %arg3[%add3A_450] : memref<33554432xf32, #tpu.memory_space<hbm>> -> memref<4096xf32, #tpu.memory_space<hbm>>
    tpu.enqueue_dma source(%arg4 : memref<4096xf32, #tpu.memory_space<vmem>>) target(%dma_start3A_746 : memref<4096xf32, #tpu.memory_space<hbm>>) target_semaphore(%arg12 : memref<!tpu.dma_semaphore, #tpu.memory_space<semaphore_mem>>)
    %dma_start3A_747 = tpu.memref_slice %arg3[%add3A_454] : memref<33554432xf32, #tpu.memory_space<hbm>> -> memref<4096xf32, #tpu.memory_space<hbm>>
    %dma_start3A_748 = tpu.memref_slice %arg3[%add3A_454] : memref<33554432xf32, #tpu.memory_space<hbm>> -> memref<4096xf32, #tpu.memory_space<hbm>>
    tpu.enqueue_dma source(%arg4 : memref<4096xf32, #tpu.memory_space<vmem>>) target(%dma_start3A_748 : memref<4096xf32, #tpu.memory_space<hbm>>) target_semaphore(%arg12 : memref<!tpu.dma_semaphore, #tpu.memory_space<semaphore_mem>>)
    %dma_start3A_749 = tpu.memref_slice %arg3[%add3A_458] : memref<33554432xf32, #tpu.memory_space<hbm>> -> memref<4096xf32, #tpu.memory_space<hbm>>
    %dma_start3A_750 = tpu.memref_slice %arg3[%add3A_458] : memref<33554432xf32, #tpu.memory_space<hbm>> -> memref<4096xf32, #tpu.memory_space<hbm>>
    tpu.enqueue_dma source(%arg4 : memref<4096xf32, #tpu.memory_space<vmem>>) target(%dma_start3A_750 : memref<4096xf32, #tpu.memory_space<hbm>>) target_semaphore(%arg12 : memref<!tpu.dma_semaphore, #tpu.memory_space<semaphore_mem>>)
    %dma_start3A_751 = tpu.memref_slice %arg3[%add3A_462] : memref<33554432xf32, #tpu.memory_space<hbm>> -> memref<4096xf32, #tpu.memory_space<hbm>>
    %dma_start3A_752 = tpu.memref_slice %arg3[%add3A_462] : memref<33554432xf32, #tpu.memory_space<hbm>> -> memref<4096xf32, #tpu.memory_space<hbm>>
    tpu.enqueue_dma source(%arg4 : memref<4096xf32, #tpu.memory_space<vmem>>) target(%dma_start3A_752 : memref<4096xf32, #tpu.memory_space<hbm>>) target_semaphore(%arg12 : memref<!tpu.dma_semaphore, #tpu.memory_space<semaphore_mem>>)
    %dma_start3A_753 = tpu.memref_slice %arg3[%add3A_466] : memref<33554432xf32, #tpu.memory_space<hbm>> -> memref<4096xf32, #tpu.memory_space<hbm>>
    %dma_start3A_754 = tpu.memref_slice %arg3[%add3A_466] : memref<33554432xf32, #tpu.memory_space<hbm>> -> memref<4096xf32, #tpu.memory_space<hbm>>
    tpu.enqueue_dma source(%arg4 : memref<4096xf32, #tpu.memory_space<vmem>>) target(%dma_start3A_754 : memref<4096xf32, #tpu.memory_space<hbm>>) target_semaphore(%arg12 : memref<!tpu.dma_semaphore, #tpu.memory_space<semaphore_mem>>)
    %dma_start3A_755 = tpu.memref_slice %arg3[%add3A_470] : memref<33554432xf32, #tpu.memory_space<hbm>> -> memref<4096xf32, #tpu.memory_space<hbm>>
    %dma_start3A_756 = tpu.memref_slice %arg3[%add3A_470] : memref<33554432xf32, #tpu.memory_space<hbm>> -> memref<4096xf32, #tpu.memory_space<hbm>>
    tpu.enqueue_dma source(%arg4 : memref<4096xf32, #tpu.memory_space<vmem>>) target(%dma_start3A_756 : memref<4096xf32, #tpu.memory_space<hbm>>) target_semaphore(%arg12 : memref<!tpu.dma_semaphore, #tpu.memory_space<semaphore_mem>>)
    %dma_start3A_757 = tpu.memref_slice %arg3[%add3A_474] : memref<33554432xf32, #tpu.memory_space<hbm>> -> memref<4096xf32, #tpu.memory_space<hbm>>
    %dma_start3A_758 = tpu.memref_slice %arg3[%add3A_474] : memref<33554432xf32, #tpu.memory_space<hbm>> -> memref<4096xf32, #tpu.memory_space<hbm>>
    tpu.enqueue_dma source(%arg4 : memref<4096xf32, #tpu.memory_space<vmem>>) target(%dma_start3A_758 : memref<4096xf32, #tpu.memory_space<hbm>>) target_semaphore(%arg12 : memref<!tpu.dma_semaphore, #tpu.memory_space<semaphore_mem>>)
    %dma_start3A_759 = tpu.memref_slice %arg3[%add3A_478] : memref<33554432xf32, #tpu.memory_space<hbm>> -> memref<4096xf32, #tpu.memory_space<hbm>>
    %dma_start3A_760 = tpu.memref_slice %arg3[%add3A_478] : memref<33554432xf32, #tpu.memory_space<hbm>> -> memref<4096xf32, #tpu.memory_space<hbm>>
    tpu.enqueue_dma source(%arg4 : memref<4096xf32, #tpu.memory_space<vmem>>) target(%dma_start3A_760 : memref<4096xf32, #tpu.memory_space<hbm>>) target_semaphore(%arg12 : memref<!tpu.dma_semaphore, #tpu.memory_space<semaphore_mem>>)
    %dma_start3A_761 = tpu.memref_slice %arg3[%add3A_482] : memref<33554432xf32, #tpu.memory_space<hbm>> -> memref<4096xf32, #tpu.memory_space<hbm>>
    %dma_start3A_762 = tpu.memref_slice %arg3[%add3A_482] : memref<33554432xf32, #tpu.memory_space<hbm>> -> memref<4096xf32, #tpu.memory_space<hbm>>
    tpu.enqueue_dma source(%arg4 : memref<4096xf32, #tpu.memory_space<vmem>>) target(%dma_start3A_762 : memref<4096xf32, #tpu.memory_space<hbm>>) target_semaphore(%arg12 : memref<!tpu.dma_semaphore, #tpu.memory_space<semaphore_mem>>)
    %dma_start3A_763 = tpu.memref_slice %arg3[%add3A_486] : memref<33554432xf32, #tpu.memory_space<hbm>> -> memref<4096xf32, #tpu.memory_space<hbm>>
    %dma_start3A_764 = tpu.memref_slice %arg3[%add3A_486] : memref<33554432xf32, #tpu.memory_space<hbm>> -> memref<4096xf32, #tpu.memory_space<hbm>>
    tpu.enqueue_dma source(%arg4 : memref<4096xf32, #tpu.memory_space<vmem>>) target(%dma_start3A_764 : memref<4096xf32, #tpu.memory_space<hbm>>) target_semaphore(%arg12 : memref<!tpu.dma_semaphore, #tpu.memory_space<semaphore_mem>>)
    %dma_start3A_765 = tpu.memref_slice %arg3[%add3A_490] : memref<33554432xf32, #tpu.memory_space<hbm>> -> memref<4096xf32, #tpu.memory_space<hbm>>
    %dma_start3A_766 = tpu.memref_slice %arg3[%add3A_490] : memref<33554432xf32, #tpu.memory_space<hbm>> -> memref<4096xf32, #tpu.memory_space<hbm>>
    tpu.enqueue_dma source(%arg4 : memref<4096xf32, #tpu.memory_space<vmem>>) target(%dma_start3A_766 : memref<4096xf32, #tpu.memory_space<hbm>>) target_semaphore(%arg12 : memref<!tpu.dma_semaphore, #tpu.memory_space<semaphore_mem>>)
    %dma_start3A_767 = tpu.memref_slice %arg3[%add3A_494] : memref<33554432xf32, #tpu.memory_space<hbm>> -> memref<4096xf32, #tpu.memory_space<hbm>>
    %dma_start3A_768 = tpu.memref_slice %arg3[%add3A_494] : memref<33554432xf32, #tpu.memory_space<hbm>> -> memref<4096xf32, #tpu.memory_space<hbm>>
    tpu.enqueue_dma source(%arg4 : memref<4096xf32, #tpu.memory_space<vmem>>) target(%dma_start3A_768 : memref<4096xf32, #tpu.memory_space<hbm>>) target_semaphore(%arg12 : memref<!tpu.dma_semaphore, #tpu.memory_space<semaphore_mem>>)
    %dma_start3A_769 = tpu.memref_slice %arg3[%add3A_498] : memref<33554432xf32, #tpu.memory_space<hbm>> -> memref<4096xf32, #tpu.memory_space<hbm>>
    %dma_start3A_770 = tpu.memref_slice %arg3[%add3A_498] : memref<33554432xf32, #tpu.memory_space<hbm>> -> memref<4096xf32, #tpu.memory_space<hbm>>
    tpu.enqueue_dma source(%arg4 : memref<4096xf32, #tpu.memory_space<vmem>>) target(%dma_start3A_770 : memref<4096xf32, #tpu.memory_space<hbm>>) target_semaphore(%arg12 : memref<!tpu.dma_semaphore, #tpu.memory_space<semaphore_mem>>)
    %dma_start3A_771 = tpu.memref_slice %arg3[%add3A_502] : memref<33554432xf32, #tpu.memory_space<hbm>> -> memref<4096xf32, #tpu.memory_space<hbm>>
    %dma_start3A_772 = tpu.memref_slice %arg3[%add3A_502] : memref<33554432xf32, #tpu.memory_space<hbm>> -> memref<4096xf32, #tpu.memory_space<hbm>>
    tpu.enqueue_dma source(%arg4 : memref<4096xf32, #tpu.memory_space<vmem>>) target(%dma_start3A_772 : memref<4096xf32, #tpu.memory_space<hbm>>) target_semaphore(%arg12 : memref<!tpu.dma_semaphore, #tpu.memory_space<semaphore_mem>>)
    %dma_start3A_773 = tpu.memref_slice %arg3[%add3A_506] : memref<33554432xf32, #tpu.memory_space<hbm>> -> memref<4096xf32, #tpu.memory_space<hbm>>
    %dma_start3A_774 = tpu.memref_slice %arg3[%add3A_506] : memref<33554432xf32, #tpu.memory_space<hbm>> -> memref<4096xf32, #tpu.memory_space<hbm>>
    tpu.enqueue_dma source(%arg4 : memref<4096xf32, #tpu.memory_space<vmem>>) target(%dma_start3A_774 : memref<4096xf32, #tpu.memory_space<hbm>>) target_semaphore(%arg12 : memref<!tpu.dma_semaphore, #tpu.memory_space<semaphore_mem>>)
    %dma_start3A_775 = tpu.memref_slice %arg3[%add3A_510] : memref<33554432xf32, #tpu.memory_space<hbm>> -> memref<4096xf32, #tpu.memory_space<hbm>>
    %dma_start3A_776 = tpu.memref_slice %arg3[%add3A_510] : memref<33554432xf32, #tpu.memory_space<hbm>> -> memref<4096xf32, #tpu.memory_space<hbm>>
    tpu.enqueue_dma source(%arg4 : memref<4096xf32, #tpu.memory_space<vmem>>) target(%dma_start3A_776 : memref<4096xf32, #tpu.memory_space<hbm>>) target_semaphore(%arg12 : memref<!tpu.dma_semaphore, #tpu.memory_space<semaphore_mem>>)
    %dma_start3A_777 = tpu.memref_slice %arg3[%add3A_514] : memref<33554432xf32, #tpu.memory_space<hbm>> -> memref<4096xf32, #tpu.memory_space<hbm>>
    %dma_start3A_778 = tpu.memref_slice %arg3[%add3A_514] : memref<33554432xf32, #tpu.memory_space<hbm>> -> memref<4096xf32, #tpu.memory_space<hbm>>
    tpu.enqueue_dma source(%arg4 : memref<4096xf32, #tpu.memory_space<vmem>>) target(%dma_start3A_778 : memref<4096xf32, #tpu.memory_space<hbm>>) target_semaphore(%arg12 : memref<!tpu.dma_semaphore, #tpu.memory_space<semaphore_mem>>)
    %dma_start3A_779 = tpu.memref_slice %arg3[%add3A_518] : memref<33554432xf32, #tpu.memory_space<hbm>> -> memref<4096xf32, #tpu.memory_space<hbm>>
    %dma_start3A_780 = tpu.memref_slice %arg3[%add3A_518] : memref<33554432xf32, #tpu.memory_space<hbm>> -> memref<4096xf32, #tpu.memory_space<hbm>>
    tpu.enqueue_dma source(%arg4 : memref<4096xf32, #tpu.memory_space<vmem>>) target(%dma_start3A_780 : memref<4096xf32, #tpu.memory_space<hbm>>) target_semaphore(%arg12 : memref<!tpu.dma_semaphore, #tpu.memory_space<semaphore_mem>>)
    %dma_start3A_781 = tpu.memref_slice %arg3[%add3A_522] : memref<33554432xf32, #tpu.memory_space<hbm>> -> memref<4096xf32, #tpu.memory_space<hbm>>
    %dma_start3A_782 = tpu.memref_slice %arg3[%add3A_522] : memref<33554432xf32, #tpu.memory_space<hbm>> -> memref<4096xf32, #tpu.memory_space<hbm>>
    tpu.enqueue_dma source(%arg4 : memref<4096xf32, #tpu.memory_space<vmem>>) target(%dma_start3A_782 : memref<4096xf32, #tpu.memory_space<hbm>>) target_semaphore(%arg12 : memref<!tpu.dma_semaphore, #tpu.memory_space<semaphore_mem>>)
    %dma_start3A_783 = tpu.memref_slice %arg3[%add3A_526] : memref<33554432xf32, #tpu.memory_space<hbm>> -> memref<4096xf32, #tpu.memory_space<hbm>>
    %dma_start3A_784 = tpu.memref_slice %arg3[%add3A_526] : memref<33554432xf32, #tpu.memory_space<hbm>> -> memref<4096xf32, #tpu.memory_space<hbm>>
    tpu.enqueue_dma source(%arg4 : memref<4096xf32, #tpu.memory_space<vmem>>) target(%dma_start3A_784 : memref<4096xf32, #tpu.memory_space<hbm>>) target_semaphore(%arg12 : memref<!tpu.dma_semaphore, #tpu.memory_space<semaphore_mem>>)
    %dma_start3A_785 = tpu.memref_slice %arg3[%add3A_530] : memref<33554432xf32, #tpu.memory_space<hbm>> -> memref<4096xf32, #tpu.memory_space<hbm>>
    %dma_start3A_786 = tpu.memref_slice %arg3[%add3A_530] : memref<33554432xf32, #tpu.memory_space<hbm>> -> memref<4096xf32, #tpu.memory_space<hbm>>
    tpu.enqueue_dma source(%arg4 : memref<4096xf32, #tpu.memory_space<vmem>>) target(%dma_start3A_786 : memref<4096xf32, #tpu.memory_space<hbm>>) target_semaphore(%arg12 : memref<!tpu.dma_semaphore, #tpu.memory_space<semaphore_mem>>)
    %dma_wait3A = tpu.memref_slice %arg2[%add3A_4] : memref<16777216xf32, #tpu.memory_space<hbm>> -> memref<32768xf32, #tpu.memory_space<hbm>>
    %dma_wait3A_787 = tpu.memref_slice %arg2[%add3A_4] : memref<16777216xf32, #tpu.memory_space<hbm>> -> memref<32768xf32, #tpu.memory_space<hbm>>
    tpu.wait_dma2 semaphore(%arg8 : memref<!tpu.dma_semaphore, #tpu.memory_space<semaphore_mem>>) src(%dma_wait3A_787 : memref<32768xf32, #tpu.memory_space<hbm>>) dst(%arg5 : memref<32768xf32, #tpu.memory_space<vmem>>)
    %add3A_788 = arith.constant 0 : i32
    %add3A_789 = arith.addi %mul3A_2, %add3A_788 : i32
    %dma_start3A_790 = tpu.memref_slice %arg3[%add3A_789] : memref<33554432xf32, #tpu.memory_space<hbm>> -> memref<32768xf32, #tpu.memory_space<hbm>>
    %dma_start3A_791 = tpu.memref_slice %arg3[%add3A_789] : memref<33554432xf32, #tpu.memory_space<hbm>> -> memref<32768xf32, #tpu.memory_space<hbm>>
    tpu.enqueue_dma source(%arg5 : memref<32768xf32, #tpu.memory_space<vmem>>) target(%dma_start3A_791 : memref<32768xf32, #tpu.memory_space<hbm>>) target_semaphore(%arg9 : memref<!tpu.dma_semaphore, #tpu.memory_space<semaphore_mem>>)
    %dma_wait3A_792 = tpu.memref_slice %arg3[%add3A_789] : memref<33554432xf32, #tpu.memory_space<hbm>> -> memref<32768xf32, #tpu.memory_space<hbm>>
    %dma_wait3A_793 = tpu.memref_slice %arg3[%add3A_789] : memref<33554432xf32, #tpu.memory_space<hbm>> -> memref<32768xf32, #tpu.memory_space<hbm>>
    tpu.wait_dma2 semaphore(%arg9 : memref<!tpu.dma_semaphore, #tpu.memory_space<semaphore_mem>>) src(%arg5 : memref<32768xf32, #tpu.memory_space<vmem>>) dst(%dma_wait3A_793 : memref<32768xf32, #tpu.memory_space<hbm>>)
    %add3A_794 = arith.constant 98304 : i32
    %add3A_795 = arith.addi %mul3A_2, %add3A_794 : i32
    %dma_start3A_796 = tpu.memref_slice %arg2[%add3A_795] : memref<16777216xf32, #tpu.memory_space<hbm>> -> memref<32768xf32, #tpu.memory_space<hbm>>
    %dma_start3A_797 = tpu.memref_slice %arg2[%add3A_795] : memref<16777216xf32, #tpu.memory_space<hbm>> -> memref<32768xf32, #tpu.memory_space<hbm>>
    tpu.enqueue_dma source(%dma_start3A_797 : memref<32768xf32, #tpu.memory_space<hbm>>) target(%arg5 : memref<32768xf32, #tpu.memory_space<vmem>>) target_semaphore(%arg8 : memref<!tpu.dma_semaphore, #tpu.memory_space<semaphore_mem>>)
    %dma_wait3A_798 = tpu.memref_slice %arg2[%add3A_6] : memref<16777216xf32, #tpu.memory_space<hbm>> -> memref<32768xf32, #tpu.memory_space<hbm>>
    %dma_wait3A_799 = tpu.memref_slice %arg2[%add3A_6] : memref<16777216xf32, #tpu.memory_space<hbm>> -> memref<32768xf32, #tpu.memory_space<hbm>>
    tpu.wait_dma2 semaphore(%arg8 : memref<!tpu.dma_semaphore, #tpu.memory_space<semaphore_mem>>) src(%dma_wait3A_799 : memref<32768xf32, #tpu.memory_space<hbm>>) dst(%arg6 : memref<32768xf32, #tpu.memory_space<vmem>>)
    %add3A_800 = arith.constant 32768 : i32
    %add3A_801 = arith.addi %mul3A_2, %add3A_800 : i32
    %dma_start3A_802 = tpu.memref_slice %arg3[%add3A_801] : memref<33554432xf32, #tpu.memory_space<hbm>> -> memref<32768xf32, #tpu.memory_space<hbm>>
    %dma_start3A_803 = tpu.memref_slice %arg3[%add3A_801] : memref<33554432xf32, #tpu.memory_space<hbm>> -> memref<32768xf32, #tpu.memory_space<hbm>>
    tpu.enqueue_dma source(%arg6 : memref<32768xf32, #tpu.memory_space<vmem>>) target(%dma_start3A_803 : memref<32768xf32, #tpu.memory_space<hbm>>) target_semaphore(%arg10 : memref<!tpu.dma_semaphore, #tpu.memory_space<semaphore_mem>>)
    %dma_wait3A_804 = tpu.memref_slice %arg3[%add3A_801] : memref<33554432xf32, #tpu.memory_space<hbm>> -> memref<32768xf32, #tpu.memory_space<hbm>>
    %dma_wait3A_805 = tpu.memref_slice %arg3[%add3A_801] : memref<33554432xf32, #tpu.memory_space<hbm>> -> memref<32768xf32, #tpu.memory_space<hbm>>
    tpu.wait_dma2 semaphore(%arg10 : memref<!tpu.dma_semaphore, #tpu.memory_space<semaphore_mem>>) src(%arg6 : memref<32768xf32, #tpu.memory_space<vmem>>) dst(%dma_wait3A_805 : memref<32768xf32, #tpu.memory_space<hbm>>)
    %add3A_806 = arith.constant 131072 : i32
    %add3A_807 = arith.addi %mul3A_2, %add3A_806 : i32
    %dma_start3A_808 = tpu.memref_slice %arg2[%add3A_807] : memref<16777216xf32, #tpu.memory_space<hbm>> -> memref<32768xf32, #tpu.memory_space<hbm>>
    %dma_start3A_809 = tpu.memref_slice %arg2[%add3A_807] : memref<16777216xf32, #tpu.memory_space<hbm>> -> memref<32768xf32, #tpu.memory_space<hbm>>
    tpu.enqueue_dma source(%dma_start3A_809 : memref<32768xf32, #tpu.memory_space<hbm>>) target(%arg6 : memref<32768xf32, #tpu.memory_space<vmem>>) target_semaphore(%arg8 : memref<!tpu.dma_semaphore, #tpu.memory_space<semaphore_mem>>)
    %dma_wait3A_810 = tpu.memref_slice %arg2[%add3A_8] : memref<16777216xf32, #tpu.memory_space<hbm>> -> memref<32768xf32, #tpu.memory_space<hbm>>
    %dma_wait3A_811 = tpu.memref_slice %arg2[%add3A_8] : memref<16777216xf32, #tpu.memory_space<hbm>> -> memref<32768xf32, #tpu.memory_space<hbm>>
    tpu.wait_dma2 semaphore(%arg8 : memref<!tpu.dma_semaphore, #tpu.memory_space<semaphore_mem>>) src(%dma_wait3A_811 : memref<32768xf32, #tpu.memory_space<hbm>>) dst(%arg7 : memref<32768xf32, #tpu.memory_space<vmem>>)
    %add3A_812 = arith.constant 65536 : i32
    %add3A_813 = arith.addi %mul3A_2, %add3A_812 : i32
    %dma_start3A_814 = tpu.memref_slice %arg3[%add3A_813] : memref<33554432xf32, #tpu.memory_space<hbm>> -> memref<32768xf32, #tpu.memory_space<hbm>>
    %dma_start3A_815 = tpu.memref_slice %arg3[%add3A_813] : memref<33554432xf32, #tpu.memory_space<hbm>> -> memref<32768xf32, #tpu.memory_space<hbm>>
    tpu.enqueue_dma source(%arg7 : memref<32768xf32, #tpu.memory_space<vmem>>) target(%dma_start3A_815 : memref<32768xf32, #tpu.memory_space<hbm>>) target_semaphore(%arg11 : memref<!tpu.dma_semaphore, #tpu.memory_space<semaphore_mem>>)
    %dma_wait3A_816 = tpu.memref_slice %arg3[%add3A_813] : memref<33554432xf32, #tpu.memory_space<hbm>> -> memref<32768xf32, #tpu.memory_space<hbm>>
    %dma_wait3A_817 = tpu.memref_slice %arg3[%add3A_813] : memref<33554432xf32, #tpu.memory_space<hbm>> -> memref<32768xf32, #tpu.memory_space<hbm>>
    tpu.wait_dma2 semaphore(%arg11 : memref<!tpu.dma_semaphore, #tpu.memory_space<semaphore_mem>>) src(%arg7 : memref<32768xf32, #tpu.memory_space<vmem>>) dst(%dma_wait3A_817 : memref<32768xf32, #tpu.memory_space<hbm>>)
    %add3A_818 = arith.constant 163840 : i32
    %add3A_819 = arith.addi %mul3A_2, %add3A_818 : i32
    %dma_start3A_820 = tpu.memref_slice %arg2[%add3A_819] : memref<16777216xf32, #tpu.memory_space<hbm>> -> memref<32768xf32, #tpu.memory_space<hbm>>
    %dma_start3A_821 = tpu.memref_slice %arg2[%add3A_819] : memref<16777216xf32, #tpu.memory_space<hbm>> -> memref<32768xf32, #tpu.memory_space<hbm>>
    tpu.enqueue_dma source(%dma_start3A_821 : memref<32768xf32, #tpu.memory_space<hbm>>) target(%arg7 : memref<32768xf32, #tpu.memory_space<vmem>>) target_semaphore(%arg8 : memref<!tpu.dma_semaphore, #tpu.memory_space<semaphore_mem>>)
    %dma_wait3A_822 = tpu.memref_slice %arg2[%add3A_795] : memref<16777216xf32, #tpu.memory_space<hbm>> -> memref<32768xf32, #tpu.memory_space<hbm>>
    %dma_wait3A_823 = tpu.memref_slice %arg2[%add3A_795] : memref<16777216xf32, #tpu.memory_space<hbm>> -> memref<32768xf32, #tpu.memory_space<hbm>>
    tpu.wait_dma2 semaphore(%arg8 : memref<!tpu.dma_semaphore, #tpu.memory_space<semaphore_mem>>) src(%dma_wait3A_823 : memref<32768xf32, #tpu.memory_space<hbm>>) dst(%arg5 : memref<32768xf32, #tpu.memory_space<vmem>>)
    %add3A_824 = arith.constant 98304 : i32
    %add3A_825 = arith.addi %mul3A_2, %add3A_824 : i32
    %dma_start3A_826 = tpu.memref_slice %arg3[%add3A_825] : memref<33554432xf32, #tpu.memory_space<hbm>> -> memref<32768xf32, #tpu.memory_space<hbm>>
    %dma_start3A_827 = tpu.memref_slice %arg3[%add3A_825] : memref<33554432xf32, #tpu.memory_space<hbm>> -> memref<32768xf32, #tpu.memory_space<hbm>>
    tpu.enqueue_dma source(%arg5 : memref<32768xf32, #tpu.memory_space<vmem>>) target(%dma_start3A_827 : memref<32768xf32, #tpu.memory_space<hbm>>) target_semaphore(%arg9 : memref<!tpu.dma_semaphore, #tpu.memory_space<semaphore_mem>>)
    %dma_wait3A_828 = tpu.memref_slice %arg3[%add3A_825] : memref<33554432xf32, #tpu.memory_space<hbm>> -> memref<32768xf32, #tpu.memory_space<hbm>>
    %dma_wait3A_829 = tpu.memref_slice %arg3[%add3A_825] : memref<33554432xf32, #tpu.memory_space<hbm>> -> memref<32768xf32, #tpu.memory_space<hbm>>
    tpu.wait_dma2 semaphore(%arg9 : memref<!tpu.dma_semaphore, #tpu.memory_space<semaphore_mem>>) src(%arg5 : memref<32768xf32, #tpu.memory_space<vmem>>) dst(%dma_wait3A_829 : memref<32768xf32, #tpu.memory_space<hbm>>)
    %add3A_830 = arith.constant 196608 : i32
    %add3A_831 = arith.addi %mul3A_2, %add3A_830 : i32
    %dma_start3A_832 = tpu.memref_slice %arg2[%add3A_831] : memref<16777216xf32, #tpu.memory_space<hbm>> -> memref<32768xf32, #tpu.memory_space<hbm>>
    %dma_start3A_833 = tpu.memref_slice %arg2[%add3A_831] : memref<16777216xf32, #tpu.memory_space<hbm>> -> memref<32768xf32, #tpu.memory_space<hbm>>
    tpu.enqueue_dma source(%dma_start3A_833 : memref<32768xf32, #tpu.memory_space<hbm>>) target(%arg5 : memref<32768xf32, #tpu.memory_space<vmem>>) target_semaphore(%arg8 : memref<!tpu.dma_semaphore, #tpu.memory_space<semaphore_mem>>)
    %dma_wait3A_834 = tpu.memref_slice %arg2[%add3A_807] : memref<16777216xf32, #tpu.memory_space<hbm>> -> memref<32768xf32, #tpu.memory_space<hbm>>
    %dma_wait3A_835 = tpu.memref_slice %arg2[%add3A_807] : memref<16777216xf32, #tpu.memory_space<hbm>> -> memref<32768xf32, #tpu.memory_space<hbm>>
    tpu.wait_dma2 semaphore(%arg8 : memref<!tpu.dma_semaphore, #tpu.memory_space<semaphore_mem>>) src(%dma_wait3A_835 : memref<32768xf32, #tpu.memory_space<hbm>>) dst(%arg6 : memref<32768xf32, #tpu.memory_space<vmem>>)
    %add3A_836 = arith.constant 131072 : i32
    %add3A_837 = arith.addi %mul3A_2, %add3A_836 : i32
    %dma_start3A_838 = tpu.memref_slice %arg3[%add3A_837] : memref<33554432xf32, #tpu.memory_space<hbm>> -> memref<32768xf32, #tpu.memory_space<hbm>>
    %dma_start3A_839 = tpu.memref_slice %arg3[%add3A_837] : memref<33554432xf32, #tpu.memory_space<hbm>> -> memref<32768xf32, #tpu.memory_space<hbm>>
    tpu.enqueue_dma source(%arg6 : memref<32768xf32, #tpu.memory_space<vmem>>) target(%dma_start3A_839 : memref<32768xf32, #tpu.memory_space<hbm>>) target_semaphore(%arg10 : memref<!tpu.dma_semaphore, #tpu.memory_space<semaphore_mem>>)
    %dma_wait3A_840 = tpu.memref_slice %arg3[%add3A_837] : memref<33554432xf32, #tpu.memory_space<hbm>> -> memref<32768xf32, #tpu.memory_space<hbm>>
    %dma_wait3A_841 = tpu.memref_slice %arg3[%add3A_837] : memref<33554432xf32, #tpu.memory_space<hbm>> -> memref<32768xf32, #tpu.memory_space<hbm>>
    tpu.wait_dma2 semaphore(%arg10 : memref<!tpu.dma_semaphore, #tpu.memory_space<semaphore_mem>>) src(%arg6 : memref<32768xf32, #tpu.memory_space<vmem>>) dst(%dma_wait3A_841 : memref<32768xf32, #tpu.memory_space<hbm>>)
    %add3A_842 = arith.constant 229376 : i32
    %add3A_843 = arith.addi %mul3A_2, %add3A_842 : i32
    %dma_start3A_844 = tpu.memref_slice %arg2[%add3A_843] : memref<16777216xf32, #tpu.memory_space<hbm>> -> memref<32768xf32, #tpu.memory_space<hbm>>
    %dma_start3A_845 = tpu.memref_slice %arg2[%add3A_843] : memref<16777216xf32, #tpu.memory_space<hbm>> -> memref<32768xf32, #tpu.memory_space<hbm>>
    tpu.enqueue_dma source(%dma_start3A_845 : memref<32768xf32, #tpu.memory_space<hbm>>) target(%arg6 : memref<32768xf32, #tpu.memory_space<vmem>>) target_semaphore(%arg8 : memref<!tpu.dma_semaphore, #tpu.memory_space<semaphore_mem>>)
    %dma_wait3A_846 = tpu.memref_slice %arg2[%add3A_819] : memref<16777216xf32, #tpu.memory_space<hbm>> -> memref<32768xf32, #tpu.memory_space<hbm>>
    %dma_wait3A_847 = tpu.memref_slice %arg2[%add3A_819] : memref<16777216xf32, #tpu.memory_space<hbm>> -> memref<32768xf32, #tpu.memory_space<hbm>>
    tpu.wait_dma2 semaphore(%arg8 : memref<!tpu.dma_semaphore, #tpu.memory_space<semaphore_mem>>) src(%dma_wait3A_847 : memref<32768xf32, #tpu.memory_space<hbm>>) dst(%arg7 : memref<32768xf32, #tpu.memory_space<vmem>>)
    %add3A_848 = arith.constant 163840 : i32
    %add3A_849 = arith.addi %mul3A_2, %add3A_848 : i32
    %dma_start3A_850 = tpu.memref_slice %arg3[%add3A_849] : memref<33554432xf32, #tpu.memory_space<hbm>> -> memref<32768xf32, #tpu.memory_space<hbm>>
    %dma_start3A_851 = tpu.memref_slice %arg3[%add3A_849] : memref<33554432xf32, #tpu.memory_space<hbm>> -> memref<32768xf32, #tpu.memory_space<hbm>>
    tpu.enqueue_dma source(%arg7 : memref<32768xf32, #tpu.memory_space<vmem>>) target(%dma_start3A_851 : memref<32768xf32, #tpu.memory_space<hbm>>) target_semaphore(%arg11 : memref<!tpu.dma_semaphore, #tpu.memory_space<semaphore_mem>>)
    %dma_wait3A_852 = tpu.memref_slice %arg3[%add3A_849] : memref<33554432xf32, #tpu.memory_space<hbm>> -> memref<32768xf32, #tpu.memory_space<hbm>>
    %dma_wait3A_853 = tpu.memref_slice %arg3[%add3A_849] : memref<33554432xf32, #tpu.memory_space<hbm>> -> memref<32768xf32, #tpu.memory_space<hbm>>
    tpu.wait_dma2 semaphore(%arg11 : memref<!tpu.dma_semaphore, #tpu.memory_space<semaphore_mem>>) src(%arg7 : memref<32768xf32, #tpu.memory_space<vmem>>) dst(%dma_wait3A_853 : memref<32768xf32, #tpu.memory_space<hbm>>)
    %add3A_854 = arith.constant 262144 : i32
    %add3A_855 = arith.addi %mul3A_2, %add3A_854 : i32
    %dma_start3A_856 = tpu.memref_slice %arg2[%add3A_855] : memref<16777216xf32, #tpu.memory_space<hbm>> -> memref<32768xf32, #tpu.memory_space<hbm>>
    %dma_start3A_857 = tpu.memref_slice %arg2[%add3A_855] : memref<16777216xf32, #tpu.memory_space<hbm>> -> memref<32768xf32, #tpu.memory_space<hbm>>
    tpu.enqueue_dma source(%dma_start3A_857 : memref<32768xf32, #tpu.memory_space<hbm>>) target(%arg7 : memref<32768xf32, #tpu.memory_space<vmem>>) target_semaphore(%arg8 : memref<!tpu.dma_semaphore, #tpu.memory_space<semaphore_mem>>)
    %dma_wait3A_858 = tpu.memref_slice %arg2[%add3A_831] : memref<16777216xf32, #tpu.memory_space<hbm>> -> memref<32768xf32, #tpu.memory_space<hbm>>
    %dma_wait3A_859 = tpu.memref_slice %arg2[%add3A_831] : memref<16777216xf32, #tpu.memory_space<hbm>> -> memref<32768xf32, #tpu.memory_space<hbm>>
    tpu.wait_dma2 semaphore(%arg8 : memref<!tpu.dma_semaphore, #tpu.memory_space<semaphore_mem>>) src(%dma_wait3A_859 : memref<32768xf32, #tpu.memory_space<hbm>>) dst(%arg5 : memref<32768xf32, #tpu.memory_space<vmem>>)
    %add3A_860 = arith.constant 196608 : i32
    %add3A_861 = arith.addi %mul3A_2, %add3A_860 : i32
    %dma_start3A_862 = tpu.memref_slice %arg3[%add3A_861] : memref<33554432xf32, #tpu.memory_space<hbm>> -> memref<32768xf32, #tpu.memory_space<hbm>>
    %dma_start3A_863 = tpu.memref_slice %arg3[%add3A_861] : memref<33554432xf32, #tpu.memory_space<hbm>> -> memref<32768xf32, #tpu.memory_space<hbm>>
    tpu.enqueue_dma source(%arg5 : memref<32768xf32, #tpu.memory_space<vmem>>) target(%dma_start3A_863 : memref<32768xf32, #tpu.memory_space<hbm>>) target_semaphore(%arg9 : memref<!tpu.dma_semaphore, #tpu.memory_space<semaphore_mem>>)
    %dma_wait3A_864 = tpu.memref_slice %arg3[%add3A_861] : memref<33554432xf32, #tpu.memory_space<hbm>> -> memref<32768xf32, #tpu.memory_space<hbm>>
    %dma_wait3A_865 = tpu.memref_slice %arg3[%add3A_861] : memref<33554432xf32, #tpu.memory_space<hbm>> -> memref<32768xf32, #tpu.memory_space<hbm>>
    tpu.wait_dma2 semaphore(%arg9 : memref<!tpu.dma_semaphore, #tpu.memory_space<semaphore_mem>>) src(%arg5 : memref<32768xf32, #tpu.memory_space<vmem>>) dst(%dma_wait3A_865 : memref<32768xf32, #tpu.memory_space<hbm>>)
    %add3A_866 = arith.constant 294912 : i32
    %add3A_867 = arith.addi %mul3A_2, %add3A_866 : i32
    %dma_start3A_868 = tpu.memref_slice %arg2[%add3A_867] : memref<16777216xf32, #tpu.memory_space<hbm>> -> memref<32768xf32, #tpu.memory_space<hbm>>
    %dma_start3A_869 = tpu.memref_slice %arg2[%add3A_867] : memref<16777216xf32, #tpu.memory_space<hbm>> -> memref<32768xf32, #tpu.memory_space<hbm>>
    tpu.enqueue_dma source(%dma_start3A_869 : memref<32768xf32, #tpu.memory_space<hbm>>) target(%arg5 : memref<32768xf32, #tpu.memory_space<vmem>>) target_semaphore(%arg8 : memref<!tpu.dma_semaphore, #tpu.memory_space<semaphore_mem>>)
    %dma_wait3A_870 = tpu.memref_slice %arg2[%add3A_843] : memref<16777216xf32, #tpu.memory_space<hbm>> -> memref<32768xf32, #tpu.memory_space<hbm>>
    %dma_wait3A_871 = tpu.memref_slice %arg2[%add3A_843] : memref<16777216xf32, #tpu.memory_space<hbm>> -> memref<32768xf32, #tpu.memory_space<hbm>>
    tpu.wait_dma2 semaphore(%arg8 : memref<!tpu.dma_semaphore, #tpu.memory_space<semaphore_mem>>) src(%dma_wait3A_871 : memref<32768xf32, #tpu.memory_space<hbm>>) dst(%arg6 : memref<32768xf32, #tpu.memory_space<vmem>>)
    %add3A_872 = arith.constant 229376 : i32
    %add3A_873 = arith.addi %mul3A_2, %add3A_872 : i32
    %dma_start3A_874 = tpu.memref_slice %arg3[%add3A_873] : memref<33554432xf32, #tpu.memory_space<hbm>> -> memref<32768xf32, #tpu.memory_space<hbm>>
    %dma_start3A_875 = tpu.memref_slice %arg3[%add3A_873] : memref<33554432xf32, #tpu.memory_space<hbm>> -> memref<32768xf32, #tpu.memory_space<hbm>>
    tpu.enqueue_dma source(%arg6 : memref<32768xf32, #tpu.memory_space<vmem>>) target(%dma_start3A_875 : memref<32768xf32, #tpu.memory_space<hbm>>) target_semaphore(%arg10 : memref<!tpu.dma_semaphore, #tpu.memory_space<semaphore_mem>>)
    %dma_wait3A_876 = tpu.memref_slice %arg3[%add3A_873] : memref<33554432xf32, #tpu.memory_space<hbm>> -> memref<32768xf32, #tpu.memory_space<hbm>>
    %dma_wait3A_877 = tpu.memref_slice %arg3[%add3A_873] : memref<33554432xf32, #tpu.memory_space<hbm>> -> memref<32768xf32, #tpu.memory_space<hbm>>
    tpu.wait_dma2 semaphore(%arg10 : memref<!tpu.dma_semaphore, #tpu.memory_space<semaphore_mem>>) src(%arg6 : memref<32768xf32, #tpu.memory_space<vmem>>) dst(%dma_wait3A_877 : memref<32768xf32, #tpu.memory_space<hbm>>)
    %add3A_878 = arith.constant 327680 : i32
    %add3A_879 = arith.addi %mul3A_2, %add3A_878 : i32
    %dma_start3A_880 = tpu.memref_slice %arg2[%add3A_879] : memref<16777216xf32, #tpu.memory_space<hbm>> -> memref<32768xf32, #tpu.memory_space<hbm>>
    %dma_start3A_881 = tpu.memref_slice %arg2[%add3A_879] : memref<16777216xf32, #tpu.memory_space<hbm>> -> memref<32768xf32, #tpu.memory_space<hbm>>
    tpu.enqueue_dma source(%dma_start3A_881 : memref<32768xf32, #tpu.memory_space<hbm>>) target(%arg6 : memref<32768xf32, #tpu.memory_space<vmem>>) target_semaphore(%arg8 : memref<!tpu.dma_semaphore, #tpu.memory_space<semaphore_mem>>)
    %dma_wait3A_882 = tpu.memref_slice %arg2[%add3A_855] : memref<16777216xf32, #tpu.memory_space<hbm>> -> memref<32768xf32, #tpu.memory_space<hbm>>
    %dma_wait3A_883 = tpu.memref_slice %arg2[%add3A_855] : memref<16777216xf32, #tpu.memory_space<hbm>> -> memref<32768xf32, #tpu.memory_space<hbm>>
    tpu.wait_dma2 semaphore(%arg8 : memref<!tpu.dma_semaphore, #tpu.memory_space<semaphore_mem>>) src(%dma_wait3A_883 : memref<32768xf32, #tpu.memory_space<hbm>>) dst(%arg7 : memref<32768xf32, #tpu.memory_space<vmem>>)
    %add3A_884 = arith.constant 262144 : i32
    %add3A_885 = arith.addi %mul3A_2, %add3A_884 : i32
    %dma_start3A_886 = tpu.memref_slice %arg3[%add3A_885] : memref<33554432xf32, #tpu.memory_space<hbm>> -> memref<32768xf32, #tpu.memory_space<hbm>>
    %dma_start3A_887 = tpu.memref_slice %arg3[%add3A_885] : memref<33554432xf32, #tpu.memory_space<hbm>> -> memref<32768xf32, #tpu.memory_space<hbm>>
    tpu.enqueue_dma source(%arg7 : memref<32768xf32, #tpu.memory_space<vmem>>) target(%dma_start3A_887 : memref<32768xf32, #tpu.memory_space<hbm>>) target_semaphore(%arg11 : memref<!tpu.dma_semaphore, #tpu.memory_space<semaphore_mem>>)
    %dma_wait3A_888 = tpu.memref_slice %arg3[%add3A_885] : memref<33554432xf32, #tpu.memory_space<hbm>> -> memref<32768xf32, #tpu.memory_space<hbm>>
    %dma_wait3A_889 = tpu.memref_slice %arg3[%add3A_885] : memref<33554432xf32, #tpu.memory_space<hbm>> -> memref<32768xf32, #tpu.memory_space<hbm>>
    tpu.wait_dma2 semaphore(%arg11 : memref<!tpu.dma_semaphore, #tpu.memory_space<semaphore_mem>>) src(%arg7 : memref<32768xf32, #tpu.memory_space<vmem>>) dst(%dma_wait3A_889 : memref<32768xf32, #tpu.memory_space<hbm>>)
    %add3A_890 = arith.constant 360448 : i32
    %add3A_891 = arith.addi %mul3A_2, %add3A_890 : i32
    %dma_start3A_892 = tpu.memref_slice %arg2[%add3A_891] : memref<16777216xf32, #tpu.memory_space<hbm>> -> memref<32768xf32, #tpu.memory_space<hbm>>
    %dma_start3A_893 = tpu.memref_slice %arg2[%add3A_891] : memref<16777216xf32, #tpu.memory_space<hbm>> -> memref<32768xf32, #tpu.memory_space<hbm>>
    tpu.enqueue_dma source(%dma_start3A_893 : memref<32768xf32, #tpu.memory_space<hbm>>) target(%arg7 : memref<32768xf32, #tpu.memory_space<vmem>>) target_semaphore(%arg8 : memref<!tpu.dma_semaphore, #tpu.memory_space<semaphore_mem>>)
    %dma_wait3A_894 = tpu.memref_slice %arg2[%add3A_867] : memref<16777216xf32, #tpu.memory_space<hbm>> -> memref<32768xf32, #tpu.memory_space<hbm>>
    %dma_wait3A_895 = tpu.memref_slice %arg2[%add3A_867] : memref<16777216xf32, #tpu.memory_space<hbm>> -> memref<32768xf32, #tpu.memory_space<hbm>>
    tpu.wait_dma2 semaphore(%arg8 : memref<!tpu.dma_semaphore, #tpu.memory_space<semaphore_mem>>) src(%dma_wait3A_895 : memref<32768xf32, #tpu.memory_space<hbm>>) dst(%arg5 : memref<32768xf32, #tpu.memory_space<vmem>>)
    %add3A_896 = arith.constant 294912 : i32
    %add3A_897 = arith.addi %mul3A_2, %add3A_896 : i32
    %dma_start3A_898 = tpu.memref_slice %arg3[%add3A_897] : memref<33554432xf32, #tpu.memory_space<hbm>> -> memref<32768xf32, #tpu.memory_space<hbm>>
    %dma_start3A_899 = tpu.memref_slice %arg3[%add3A_897] : memref<33554432xf32, #tpu.memory_space<hbm>> -> memref<32768xf32, #tpu.memory_space<hbm>>
    tpu.enqueue_dma source(%arg5 : memref<32768xf32, #tpu.memory_space<vmem>>) target(%dma_start3A_899 : memref<32768xf32, #tpu.memory_space<hbm>>) target_semaphore(%arg9 : memref<!tpu.dma_semaphore, #tpu.memory_space<semaphore_mem>>)
    %dma_wait3A_900 = tpu.memref_slice %arg3[%add3A_897] : memref<33554432xf32, #tpu.memory_space<hbm>> -> memref<32768xf32, #tpu.memory_space<hbm>>
    %dma_wait3A_901 = tpu.memref_slice %arg3[%add3A_897] : memref<33554432xf32, #tpu.memory_space<hbm>> -> memref<32768xf32, #tpu.memory_space<hbm>>
    tpu.wait_dma2 semaphore(%arg9 : memref<!tpu.dma_semaphore, #tpu.memory_space<semaphore_mem>>) src(%arg5 : memref<32768xf32, #tpu.memory_space<vmem>>) dst(%dma_wait3A_901 : memref<32768xf32, #tpu.memory_space<hbm>>)
    %add3A_902 = arith.constant 393216 : i32
    %add3A_903 = arith.addi %mul3A_2, %add3A_902 : i32
    %dma_start3A_904 = tpu.memref_slice %arg2[%add3A_903] : memref<16777216xf32, #tpu.memory_space<hbm>> -> memref<32768xf32, #tpu.memory_space<hbm>>
    %dma_start3A_905 = tpu.memref_slice %arg2[%add3A_903] : memref<16777216xf32, #tpu.memory_space<hbm>> -> memref<32768xf32, #tpu.memory_space<hbm>>
    tpu.enqueue_dma source(%dma_start3A_905 : memref<32768xf32, #tpu.memory_space<hbm>>) target(%arg5 : memref<32768xf32, #tpu.memory_space<vmem>>) target_semaphore(%arg8 : memref<!tpu.dma_semaphore, #tpu.memory_space<semaphore_mem>>)
    %dma_wait3A_906 = tpu.memref_slice %arg2[%add3A_879] : memref<16777216xf32, #tpu.memory_space<hbm>> -> memref<32768xf32, #tpu.memory_space<hbm>>
    %dma_wait3A_907 = tpu.memref_slice %arg2[%add3A_879] : memref<16777216xf32, #tpu.memory_space<hbm>> -> memref<32768xf32, #tpu.memory_space<hbm>>
    tpu.wait_dma2 semaphore(%arg8 : memref<!tpu.dma_semaphore, #tpu.memory_space<semaphore_mem>>) src(%dma_wait3A_907 : memref<32768xf32, #tpu.memory_space<hbm>>) dst(%arg6 : memref<32768xf32, #tpu.memory_space<vmem>>)
    %add3A_908 = arith.constant 327680 : i32
    %add3A_909 = arith.addi %mul3A_2, %add3A_908 : i32
    %dma_start3A_910 = tpu.memref_slice %arg3[%add3A_909] : memref<33554432xf32, #tpu.memory_space<hbm>> -> memref<32768xf32, #tpu.memory_space<hbm>>
    %dma_start3A_911 = tpu.memref_slice %arg3[%add3A_909] : memref<33554432xf32, #tpu.memory_space<hbm>> -> memref<32768xf32, #tpu.memory_space<hbm>>
    tpu.enqueue_dma source(%arg6 : memref<32768xf32, #tpu.memory_space<vmem>>) target(%dma_start3A_911 : memref<32768xf32, #tpu.memory_space<hbm>>) target_semaphore(%arg10 : memref<!tpu.dma_semaphore, #tpu.memory_space<semaphore_mem>>)
    %dma_wait3A_912 = tpu.memref_slice %arg3[%add3A_909] : memref<33554432xf32, #tpu.memory_space<hbm>> -> memref<32768xf32, #tpu.memory_space<hbm>>
    %dma_wait3A_913 = tpu.memref_slice %arg3[%add3A_909] : memref<33554432xf32, #tpu.memory_space<hbm>> -> memref<32768xf32, #tpu.memory_space<hbm>>
    tpu.wait_dma2 semaphore(%arg10 : memref<!tpu.dma_semaphore, #tpu.memory_space<semaphore_mem>>) src(%arg6 : memref<32768xf32, #tpu.memory_space<vmem>>) dst(%dma_wait3A_913 : memref<32768xf32, #tpu.memory_space<hbm>>)
    %add3A_914 = arith.constant 425984 : i32
    %add3A_915 = arith.addi %mul3A_2, %add3A_914 : i32
    %dma_start3A_916 = tpu.memref_slice %arg2[%add3A_915] : memref<16777216xf32, #tpu.memory_space<hbm>> -> memref<32768xf32, #tpu.memory_space<hbm>>
    %dma_start3A_917 = tpu.memref_slice %arg2[%add3A_915] : memref<16777216xf32, #tpu.memory_space<hbm>> -> memref<32768xf32, #tpu.memory_space<hbm>>
    tpu.enqueue_dma source(%dma_start3A_917 : memref<32768xf32, #tpu.memory_space<hbm>>) target(%arg6 : memref<32768xf32, #tpu.memory_space<vmem>>) target_semaphore(%arg8 : memref<!tpu.dma_semaphore, #tpu.memory_space<semaphore_mem>>)
    %dma_wait3A_918 = tpu.memref_slice %arg2[%add3A_891] : memref<16777216xf32, #tpu.memory_space<hbm>> -> memref<32768xf32, #tpu.memory_space<hbm>>
    %dma_wait3A_919 = tpu.memref_slice %arg2[%add3A_891] : memref<16777216xf32, #tpu.memory_space<hbm>> -> memref<32768xf32, #tpu.memory_space<hbm>>
    tpu.wait_dma2 semaphore(%arg8 : memref<!tpu.dma_semaphore, #tpu.memory_space<semaphore_mem>>) src(%dma_wait3A_919 : memref<32768xf32, #tpu.memory_space<hbm>>) dst(%arg7 : memref<32768xf32, #tpu.memory_space<vmem>>)
    %add3A_920 = arith.constant 360448 : i32
    %add3A_921 = arith.addi %mul3A_2, %add3A_920 : i32
    %dma_start3A_922 = tpu.memref_slice %arg3[%add3A_921] : memref<33554432xf32, #tpu.memory_space<hbm>> -> memref<32768xf32, #tpu.memory_space<hbm>>
    %dma_start3A_923 = tpu.memref_slice %arg3[%add3A_921] : memref<33554432xf32, #tpu.memory_space<hbm>> -> memref<32768xf32, #tpu.memory_space<hbm>>
    tpu.enqueue_dma source(%arg7 : memref<32768xf32, #tpu.memory_space<vmem>>) target(%dma_start3A_923 : memref<32768xf32, #tpu.memory_space<hbm>>) target_semaphore(%arg11 : memref<!tpu.dma_semaphore, #tpu.memory_space<semaphore_mem>>)
    %dma_wait3A_924 = tpu.memref_slice %arg3[%add3A_921] : memref<33554432xf32, #tpu.memory_space<hbm>> -> memref<32768xf32, #tpu.memory_space<hbm>>
    %dma_wait3A_925 = tpu.memref_slice %arg3[%add3A_921] : memref<33554432xf32, #tpu.memory_space<hbm>> -> memref<32768xf32, #tpu.memory_space<hbm>>
    tpu.wait_dma2 semaphore(%arg11 : memref<!tpu.dma_semaphore, #tpu.memory_space<semaphore_mem>>) src(%arg7 : memref<32768xf32, #tpu.memory_space<vmem>>) dst(%dma_wait3A_925 : memref<32768xf32, #tpu.memory_space<hbm>>)
    %add3A_926 = arith.constant 458752 : i32
    %add3A_927 = arith.addi %mul3A_2, %add3A_926 : i32
    %dma_start3A_928 = tpu.memref_slice %arg2[%add3A_927] : memref<16777216xf32, #tpu.memory_space<hbm>> -> memref<32768xf32, #tpu.memory_space<hbm>>
    %dma_start3A_929 = tpu.memref_slice %arg2[%add3A_927] : memref<16777216xf32, #tpu.memory_space<hbm>> -> memref<32768xf32, #tpu.memory_space<hbm>>
    tpu.enqueue_dma source(%dma_start3A_929 : memref<32768xf32, #tpu.memory_space<hbm>>) target(%arg7 : memref<32768xf32, #tpu.memory_space<vmem>>) target_semaphore(%arg8 : memref<!tpu.dma_semaphore, #tpu.memory_space<semaphore_mem>>)
    %dma_wait3A_930 = tpu.memref_slice %arg2[%add3A_903] : memref<16777216xf32, #tpu.memory_space<hbm>> -> memref<32768xf32, #tpu.memory_space<hbm>>
    %dma_wait3A_931 = tpu.memref_slice %arg2[%add3A_903] : memref<16777216xf32, #tpu.memory_space<hbm>> -> memref<32768xf32, #tpu.memory_space<hbm>>
    tpu.wait_dma2 semaphore(%arg8 : memref<!tpu.dma_semaphore, #tpu.memory_space<semaphore_mem>>) src(%dma_wait3A_931 : memref<32768xf32, #tpu.memory_space<hbm>>) dst(%arg5 : memref<32768xf32, #tpu.memory_space<vmem>>)
    %add3A_932 = arith.constant 393216 : i32
    %add3A_933 = arith.addi %mul3A_2, %add3A_932 : i32
    %dma_start3A_934 = tpu.memref_slice %arg3[%add3A_933] : memref<33554432xf32, #tpu.memory_space<hbm>> -> memref<32768xf32, #tpu.memory_space<hbm>>
    %dma_start3A_935 = tpu.memref_slice %arg3[%add3A_933] : memref<33554432xf32, #tpu.memory_space<hbm>> -> memref<32768xf32, #tpu.memory_space<hbm>>
    tpu.enqueue_dma source(%arg5 : memref<32768xf32, #tpu.memory_space<vmem>>) target(%dma_start3A_935 : memref<32768xf32, #tpu.memory_space<hbm>>) target_semaphore(%arg9 : memref<!tpu.dma_semaphore, #tpu.memory_space<semaphore_mem>>)
    %dma_wait3A_936 = tpu.memref_slice %arg3[%add3A_933] : memref<33554432xf32, #tpu.memory_space<hbm>> -> memref<32768xf32, #tpu.memory_space<hbm>>
    %dma_wait3A_937 = tpu.memref_slice %arg3[%add3A_933] : memref<33554432xf32, #tpu.memory_space<hbm>> -> memref<32768xf32, #tpu.memory_space<hbm>>
    tpu.wait_dma2 semaphore(%arg9 : memref<!tpu.dma_semaphore, #tpu.memory_space<semaphore_mem>>) src(%arg5 : memref<32768xf32, #tpu.memory_space<vmem>>) dst(%dma_wait3A_937 : memref<32768xf32, #tpu.memory_space<hbm>>)
    %add3A_938 = arith.constant 491520 : i32
    %add3A_939 = arith.addi %mul3A_2, %add3A_938 : i32
    %dma_start3A_940 = tpu.memref_slice %arg2[%add3A_939] : memref<16777216xf32, #tpu.memory_space<hbm>> -> memref<32768xf32, #tpu.memory_space<hbm>>
    %dma_start3A_941 = tpu.memref_slice %arg2[%add3A_939] : memref<16777216xf32, #tpu.memory_space<hbm>> -> memref<32768xf32, #tpu.memory_space<hbm>>
    tpu.enqueue_dma source(%dma_start3A_941 : memref<32768xf32, #tpu.memory_space<hbm>>) target(%arg5 : memref<32768xf32, #tpu.memory_space<vmem>>) target_semaphore(%arg8 : memref<!tpu.dma_semaphore, #tpu.memory_space<semaphore_mem>>)
    %dma_wait3A_942 = tpu.memref_slice %arg2[%add3A_915] : memref<16777216xf32, #tpu.memory_space<hbm>> -> memref<32768xf32, #tpu.memory_space<hbm>>
    %dma_wait3A_943 = tpu.memref_slice %arg2[%add3A_915] : memref<16777216xf32, #tpu.memory_space<hbm>> -> memref<32768xf32, #tpu.memory_space<hbm>>
    tpu.wait_dma2 semaphore(%arg8 : memref<!tpu.dma_semaphore, #tpu.memory_space<semaphore_mem>>) src(%dma_wait3A_943 : memref<32768xf32, #tpu.memory_space<hbm>>) dst(%arg6 : memref<32768xf32, #tpu.memory_space<vmem>>)
    %add3A_944 = arith.constant 425984 : i32
    %add3A_945 = arith.addi %mul3A_2, %add3A_944 : i32
    %dma_start3A_946 = tpu.memref_slice %arg3[%add3A_945] : memref<33554432xf32, #tpu.memory_space<hbm>> -> memref<32768xf32, #tpu.memory_space<hbm>>
    %dma_start3A_947 = tpu.memref_slice %arg3[%add3A_945] : memref<33554432xf32, #tpu.memory_space<hbm>> -> memref<32768xf32, #tpu.memory_space<hbm>>
    tpu.enqueue_dma source(%arg6 : memref<32768xf32, #tpu.memory_space<vmem>>) target(%dma_start3A_947 : memref<32768xf32, #tpu.memory_space<hbm>>) target_semaphore(%arg10 : memref<!tpu.dma_semaphore, #tpu.memory_space<semaphore_mem>>)
    %dma_wait3A_948 = tpu.memref_slice %arg2[%add3A_927] : memref<16777216xf32, #tpu.memory_space<hbm>> -> memref<32768xf32, #tpu.memory_space<hbm>>
    %dma_wait3A_949 = tpu.memref_slice %arg2[%add3A_927] : memref<16777216xf32, #tpu.memory_space<hbm>> -> memref<32768xf32, #tpu.memory_space<hbm>>
    tpu.wait_dma2 semaphore(%arg8 : memref<!tpu.dma_semaphore, #tpu.memory_space<semaphore_mem>>) src(%dma_wait3A_949 : memref<32768xf32, #tpu.memory_space<hbm>>) dst(%arg7 : memref<32768xf32, #tpu.memory_space<vmem>>)
    %add3A_950 = arith.constant 458752 : i32
    %add3A_951 = arith.addi %mul3A_2, %add3A_950 : i32
    %dma_start3A_952 = tpu.memref_slice %arg3[%add3A_951] : memref<33554432xf32, #tpu.memory_space<hbm>> -> memref<32768xf32, #tpu.memory_space<hbm>>
    %dma_start3A_953 = tpu.memref_slice %arg3[%add3A_951] : memref<33554432xf32, #tpu.memory_space<hbm>> -> memref<32768xf32, #tpu.memory_space<hbm>>
    tpu.enqueue_dma source(%arg7 : memref<32768xf32, #tpu.memory_space<vmem>>) target(%dma_start3A_953 : memref<32768xf32, #tpu.memory_space<hbm>>) target_semaphore(%arg11 : memref<!tpu.dma_semaphore, #tpu.memory_space<semaphore_mem>>)
    %dma_wait3A_954 = tpu.memref_slice %arg2[%add3A_939] : memref<16777216xf32, #tpu.memory_space<hbm>> -> memref<32768xf32, #tpu.memory_space<hbm>>
    %dma_wait3A_955 = tpu.memref_slice %arg2[%add3A_939] : memref<16777216xf32, #tpu.memory_space<hbm>> -> memref<32768xf32, #tpu.memory_space<hbm>>
    tpu.wait_dma2 semaphore(%arg8 : memref<!tpu.dma_semaphore, #tpu.memory_space<semaphore_mem>>) src(%dma_wait3A_955 : memref<32768xf32, #tpu.memory_space<hbm>>) dst(%arg5 : memref<32768xf32, #tpu.memory_space<vmem>>)
    %add3A_956 = arith.constant 491520 : i32
    %add3A_957 = arith.addi %mul3A_2, %add3A_956 : i32
    %dma_start3A_958 = tpu.memref_slice %arg3[%add3A_957] : memref<33554432xf32, #tpu.memory_space<hbm>> -> memref<32768xf32, #tpu.memory_space<hbm>>
    %dma_start3A_959 = tpu.memref_slice %arg3[%add3A_957] : memref<33554432xf32, #tpu.memory_space<hbm>> -> memref<32768xf32, #tpu.memory_space<hbm>>
    tpu.enqueue_dma source(%arg5 : memref<32768xf32, #tpu.memory_space<vmem>>) target(%dma_start3A_959 : memref<32768xf32, #tpu.memory_space<hbm>>) target_semaphore(%arg9 : memref<!tpu.dma_semaphore, #tpu.memory_space<semaphore_mem>>)
    %dma_wait3A_960 = tpu.memref_slice %arg3[%add3A_945] : memref<33554432xf32, #tpu.memory_space<hbm>> -> memref<32768xf32, #tpu.memory_space<hbm>>
    %dma_wait3A_961 = tpu.memref_slice %arg3[%add3A_945] : memref<33554432xf32, #tpu.memory_space<hbm>> -> memref<32768xf32, #tpu.memory_space<hbm>>
    tpu.wait_dma2 semaphore(%arg10 : memref<!tpu.dma_semaphore, #tpu.memory_space<semaphore_mem>>) src(%arg6 : memref<32768xf32, #tpu.memory_space<vmem>>) dst(%dma_wait3A_961 : memref<32768xf32, #tpu.memory_space<hbm>>)
    %dma_wait3A_962 = tpu.memref_slice %arg3[%add3A_951] : memref<33554432xf32, #tpu.memory_space<hbm>> -> memref<32768xf32, #tpu.memory_space<hbm>>
    %dma_wait3A_963 = tpu.memref_slice %arg3[%add3A_951] : memref<33554432xf32, #tpu.memory_space<hbm>> -> memref<32768xf32, #tpu.memory_space<hbm>>
    tpu.wait_dma2 semaphore(%arg11 : memref<!tpu.dma_semaphore, #tpu.memory_space<semaphore_mem>>) src(%arg7 : memref<32768xf32, #tpu.memory_space<vmem>>) dst(%dma_wait3A_963 : memref<32768xf32, #tpu.memory_space<hbm>>)
    %dma_wait3A_964 = tpu.memref_slice %arg3[%add3A_957] : memref<33554432xf32, #tpu.memory_space<hbm>> -> memref<32768xf32, #tpu.memory_space<hbm>>
    %dma_wait3A_965 = tpu.memref_slice %arg3[%add3A_957] : memref<33554432xf32, #tpu.memory_space<hbm>> -> memref<32768xf32, #tpu.memory_space<hbm>>
    tpu.wait_dma2 semaphore(%arg9 : memref<!tpu.dma_semaphore, #tpu.memory_space<semaphore_mem>>) src(%arg5 : memref<32768xf32, #tpu.memory_space<vmem>>) dst(%dma_wait3A_965 : memref<32768xf32, #tpu.memory_space<hbm>>)
    %dma_wait3A_966 = tpu.memref_slice %arg3[%add3A_22] : memref<33554432xf32, #tpu.memory_space<hbm>> -> memref<4096xf32, #tpu.memory_space<hbm>>
    %dma_wait3A_967 = tpu.memref_slice %arg3[%add3A_22] : memref<33554432xf32, #tpu.memory_space<hbm>> -> memref<4096xf32, #tpu.memory_space<hbm>>
    tpu.wait_dma2 semaphore(%arg12 : memref<!tpu.dma_semaphore, #tpu.memory_space<semaphore_mem>>) src(%arg4 : memref<4096xf32, #tpu.memory_space<vmem>>) dst(%dma_wait3A_967 : memref<4096xf32, #tpu.memory_space<hbm>>)
    %dma_wait3A_968 = tpu.memref_slice %arg3[%add3A_26] : memref<33554432xf32, #tpu.memory_space<hbm>> -> memref<4096xf32, #tpu.memory_space<hbm>>
    %dma_wait3A_969 = tpu.memref_slice %arg3[%add3A_26] : memref<33554432xf32, #tpu.memory_space<hbm>> -> memref<4096xf32, #tpu.memory_space<hbm>>
    tpu.wait_dma2 semaphore(%arg12 : memref<!tpu.dma_semaphore, #tpu.memory_space<semaphore_mem>>) src(%arg4 : memref<4096xf32, #tpu.memory_space<vmem>>) dst(%dma_wait3A_969 : memref<4096xf32, #tpu.memory_space<hbm>>)
    %dma_wait3A_970 = tpu.memref_slice %arg3[%add3A_30] : memref<33554432xf32, #tpu.memory_space<hbm>> -> memref<4096xf32, #tpu.memory_space<hbm>>
    %dma_wait3A_971 = tpu.memref_slice %arg3[%add3A_30] : memref<33554432xf32, #tpu.memory_space<hbm>> -> memref<4096xf32, #tpu.memory_space<hbm>>
    tpu.wait_dma2 semaphore(%arg12 : memref<!tpu.dma_semaphore, #tpu.memory_space<semaphore_mem>>) src(%arg4 : memref<4096xf32, #tpu.memory_space<vmem>>) dst(%dma_wait3A_971 : memref<4096xf32, #tpu.memory_space<hbm>>)
    %dma_wait3A_972 = tpu.memref_slice %arg3[%add3A_34] : memref<33554432xf32, #tpu.memory_space<hbm>> -> memref<4096xf32, #tpu.memory_space<hbm>>
    %dma_wait3A_973 = tpu.memref_slice %arg3[%add3A_34] : memref<33554432xf32, #tpu.memory_space<hbm>> -> memref<4096xf32, #tpu.memory_space<hbm>>
    tpu.wait_dma2 semaphore(%arg12 : memref<!tpu.dma_semaphore, #tpu.memory_space<semaphore_mem>>) src(%arg4 : memref<4096xf32, #tpu.memory_space<vmem>>) dst(%dma_wait3A_973 : memref<4096xf32, #tpu.memory_space<hbm>>)
    %dma_wait3A_974 = tpu.memref_slice %arg3[%add3A_38] : memref<33554432xf32, #tpu.memory_space<hbm>> -> memref<4096xf32, #tpu.memory_space<hbm>>
    %dma_wait3A_975 = tpu.memref_slice %arg3[%add3A_38] : memref<33554432xf32, #tpu.memory_space<hbm>> -> memref<4096xf32, #tpu.memory_space<hbm>>
    tpu.wait_dma2 semaphore(%arg12 : memref<!tpu.dma_semaphore, #tpu.memory_space<semaphore_mem>>) src(%arg4 : memref<4096xf32, #tpu.memory_space<vmem>>) dst(%dma_wait3A_975 : memref<4096xf32, #tpu.memory_space<hbm>>)
    %dma_wait3A_976 = tpu.memref_slice %arg3[%add3A_42] : memref<33554432xf32, #tpu.memory_space<hbm>> -> memref<4096xf32, #tpu.memory_space<hbm>>
    %dma_wait3A_977 = tpu.memref_slice %arg3[%add3A_42] : memref<33554432xf32, #tpu.memory_space<hbm>> -> memref<4096xf32, #tpu.memory_space<hbm>>
    tpu.wait_dma2 semaphore(%arg12 : memref<!tpu.dma_semaphore, #tpu.memory_space<semaphore_mem>>) src(%arg4 : memref<4096xf32, #tpu.memory_space<vmem>>) dst(%dma_wait3A_977 : memref<4096xf32, #tpu.memory_space<hbm>>)
    %dma_wait3A_978 = tpu.memref_slice %arg3[%add3A_46] : memref<33554432xf32, #tpu.memory_space<hbm>> -> memref<4096xf32, #tpu.memory_space<hbm>>
    %dma_wait3A_979 = tpu.memref_slice %arg3[%add3A_46] : memref<33554432xf32, #tpu.memory_space<hbm>> -> memref<4096xf32, #tpu.memory_space<hbm>>
    tpu.wait_dma2 semaphore(%arg12 : memref<!tpu.dma_semaphore, #tpu.memory_space<semaphore_mem>>) src(%arg4 : memref<4096xf32, #tpu.memory_space<vmem>>) dst(%dma_wait3A_979 : memref<4096xf32, #tpu.memory_space<hbm>>)
    %dma_wait3A_980 = tpu.memref_slice %arg3[%add3A_50] : memref<33554432xf32, #tpu.memory_space<hbm>> -> memref<4096xf32, #tpu.memory_space<hbm>>
    %dma_wait3A_981 = tpu.memref_slice %arg3[%add3A_50] : memref<33554432xf32, #tpu.memory_space<hbm>> -> memref<4096xf32, #tpu.memory_space<hbm>>
    tpu.wait_dma2 semaphore(%arg12 : memref<!tpu.dma_semaphore, #tpu.memory_space<semaphore_mem>>) src(%arg4 : memref<4096xf32, #tpu.memory_space<vmem>>) dst(%dma_wait3A_981 : memref<4096xf32, #tpu.memory_space<hbm>>)
    %dma_wait3A_982 = tpu.memref_slice %arg3[%add3A_54] : memref<33554432xf32, #tpu.memory_space<hbm>> -> memref<4096xf32, #tpu.memory_space<hbm>>
    %dma_wait3A_983 = tpu.memref_slice %arg3[%add3A_54] : memref<33554432xf32, #tpu.memory_space<hbm>> -> memref<4096xf32, #tpu.memory_space<hbm>>
    tpu.wait_dma2 semaphore(%arg12 : memref<!tpu.dma_semaphore, #tpu.memory_space<semaphore_mem>>) src(%arg4 : memref<4096xf32, #tpu.memory_space<vmem>>) dst(%dma_wait3A_983 : memref<4096xf32, #tpu.memory_space<hbm>>)
    %dma_wait3A_984 = tpu.memref_slice %arg3[%add3A_58] : memref<33554432xf32, #tpu.memory_space<hbm>> -> memref<4096xf32, #tpu.memory_space<hbm>>
    %dma_wait3A_985 = tpu.memref_slice %arg3[%add3A_58] : memref<33554432xf32, #tpu.memory_space<hbm>> -> memref<4096xf32, #tpu.memory_space<hbm>>
    tpu.wait_dma2 semaphore(%arg12 : memref<!tpu.dma_semaphore, #tpu.memory_space<semaphore_mem>>) src(%arg4 : memref<4096xf32, #tpu.memory_space<vmem>>) dst(%dma_wait3A_985 : memref<4096xf32, #tpu.memory_space<hbm>>)
    %dma_wait3A_986 = tpu.memref_slice %arg3[%add3A_62] : memref<33554432xf32, #tpu.memory_space<hbm>> -> memref<4096xf32, #tpu.memory_space<hbm>>
    %dma_wait3A_987 = tpu.memref_slice %arg3[%add3A_62] : memref<33554432xf32, #tpu.memory_space<hbm>> -> memref<4096xf32, #tpu.memory_space<hbm>>
    tpu.wait_dma2 semaphore(%arg12 : memref<!tpu.dma_semaphore, #tpu.memory_space<semaphore_mem>>) src(%arg4 : memref<4096xf32, #tpu.memory_space<vmem>>) dst(%dma_wait3A_987 : memref<4096xf32, #tpu.memory_space<hbm>>)
    %dma_wait3A_988 = tpu.memref_slice %arg3[%add3A_66] : memref<33554432xf32, #tpu.memory_space<hbm>> -> memref<4096xf32, #tpu.memory_space<hbm>>
    %dma_wait3A_989 = tpu.memref_slice %arg3[%add3A_66] : memref<33554432xf32, #tpu.memory_space<hbm>> -> memref<4096xf32, #tpu.memory_space<hbm>>
    tpu.wait_dma2 semaphore(%arg12 : memref<!tpu.dma_semaphore, #tpu.memory_space<semaphore_mem>>) src(%arg4 : memref<4096xf32, #tpu.memory_space<vmem>>) dst(%dma_wait3A_989 : memref<4096xf32, #tpu.memory_space<hbm>>)
    %dma_wait3A_990 = tpu.memref_slice %arg3[%add3A_70] : memref<33554432xf32, #tpu.memory_space<hbm>> -> memref<4096xf32, #tpu.memory_space<hbm>>
    %dma_wait3A_991 = tpu.memref_slice %arg3[%add3A_70] : memref<33554432xf32, #tpu.memory_space<hbm>> -> memref<4096xf32, #tpu.memory_space<hbm>>
    tpu.wait_dma2 semaphore(%arg12 : memref<!tpu.dma_semaphore, #tpu.memory_space<semaphore_mem>>) src(%arg4 : memref<4096xf32, #tpu.memory_space<vmem>>) dst(%dma_wait3A_991 : memref<4096xf32, #tpu.memory_space<hbm>>)
    %dma_wait3A_992 = tpu.memref_slice %arg3[%add3A_74] : memref<33554432xf32, #tpu.memory_space<hbm>> -> memref<4096xf32, #tpu.memory_space<hbm>>
    %dma_wait3A_993 = tpu.memref_slice %arg3[%add3A_74] : memref<33554432xf32, #tpu.memory_space<hbm>> -> memref<4096xf32, #tpu.memory_space<hbm>>
    tpu.wait_dma2 semaphore(%arg12 : memref<!tpu.dma_semaphore, #tpu.memory_space<semaphore_mem>>) src(%arg4 : memref<4096xf32, #tpu.memory_space<vmem>>) dst(%dma_wait3A_993 : memref<4096xf32, #tpu.memory_space<hbm>>)
    %dma_wait3A_994 = tpu.memref_slice %arg3[%add3A_78] : memref<33554432xf32, #tpu.memory_space<hbm>> -> memref<4096xf32, #tpu.memory_space<hbm>>
    %dma_wait3A_995 = tpu.memref_slice %arg3[%add3A_78] : memref<33554432xf32, #tpu.memory_space<hbm>> -> memref<4096xf32, #tpu.memory_space<hbm>>
    tpu.wait_dma2 semaphore(%arg12 : memref<!tpu.dma_semaphore, #tpu.memory_space<semaphore_mem>>) src(%arg4 : memref<4096xf32, #tpu.memory_space<vmem>>) dst(%dma_wait3A_995 : memref<4096xf32, #tpu.memory_space<hbm>>)
    %dma_wait3A_996 = tpu.memref_slice %arg3[%add3A_82] : memref<33554432xf32, #tpu.memory_space<hbm>> -> memref<4096xf32, #tpu.memory_space<hbm>>
    %dma_wait3A_997 = tpu.memref_slice %arg3[%add3A_82] : memref<33554432xf32, #tpu.memory_space<hbm>> -> memref<4096xf32, #tpu.memory_space<hbm>>
    tpu.wait_dma2 semaphore(%arg12 : memref<!tpu.dma_semaphore, #tpu.memory_space<semaphore_mem>>) src(%arg4 : memref<4096xf32, #tpu.memory_space<vmem>>) dst(%dma_wait3A_997 : memref<4096xf32, #tpu.memory_space<hbm>>)
    %dma_wait3A_998 = tpu.memref_slice %arg3[%add3A_86] : memref<33554432xf32, #tpu.memory_space<hbm>> -> memref<4096xf32, #tpu.memory_space<hbm>>
    %dma_wait3A_999 = tpu.memref_slice %arg3[%add3A_86] : memref<33554432xf32, #tpu.memory_space<hbm>> -> memref<4096xf32, #tpu.memory_space<hbm>>
    tpu.wait_dma2 semaphore(%arg12 : memref<!tpu.dma_semaphore, #tpu.memory_space<semaphore_mem>>) src(%arg4 : memref<4096xf32, #tpu.memory_space<vmem>>) dst(%dma_wait3A_999 : memref<4096xf32, #tpu.memory_space<hbm>>)
    %dma_wait3A_1000 = tpu.memref_slice %arg3[%add3A_90] : memref<33554432xf32, #tpu.memory_space<hbm>> -> memref<4096xf32, #tpu.memory_space<hbm>>
    %dma_wait3A_1001 = tpu.memref_slice %arg3[%add3A_90] : memref<33554432xf32, #tpu.memory_space<hbm>> -> memref<4096xf32, #tpu.memory_space<hbm>>
    tpu.wait_dma2 semaphore(%arg12 : memref<!tpu.dma_semaphore, #tpu.memory_space<semaphore_mem>>) src(%arg4 : memref<4096xf32, #tpu.memory_space<vmem>>) dst(%dma_wait3A_1001 : memref<4096xf32, #tpu.memory_space<hbm>>)
    %dma_wait3A_1002 = tpu.memref_slice %arg3[%add3A_94] : memref<33554432xf32, #tpu.memory_space<hbm>> -> memref<4096xf32, #tpu.memory_space<hbm>>
    %dma_wait3A_1003 = tpu.memref_slice %arg3[%add3A_94] : memref<33554432xf32, #tpu.memory_space<hbm>> -> memref<4096xf32, #tpu.memory_space<hbm>>
    tpu.wait_dma2 semaphore(%arg12 : memref<!tpu.dma_semaphore, #tpu.memory_space<semaphore_mem>>) src(%arg4 : memref<4096xf32, #tpu.memory_space<vmem>>) dst(%dma_wait3A_1003 : memref<4096xf32, #tpu.memory_space<hbm>>)
    %dma_wait3A_1004 = tpu.memref_slice %arg3[%add3A_98] : memref<33554432xf32, #tpu.memory_space<hbm>> -> memref<4096xf32, #tpu.memory_space<hbm>>
    %dma_wait3A_1005 = tpu.memref_slice %arg3[%add3A_98] : memref<33554432xf32, #tpu.memory_space<hbm>> -> memref<4096xf32, #tpu.memory_space<hbm>>
    tpu.wait_dma2 semaphore(%arg12 : memref<!tpu.dma_semaphore, #tpu.memory_space<semaphore_mem>>) src(%arg4 : memref<4096xf32, #tpu.memory_space<vmem>>) dst(%dma_wait3A_1005 : memref<4096xf32, #tpu.memory_space<hbm>>)
    %dma_wait3A_1006 = tpu.memref_slice %arg3[%add3A_102] : memref<33554432xf32, #tpu.memory_space<hbm>> -> memref<4096xf32, #tpu.memory_space<hbm>>
    %dma_wait3A_1007 = tpu.memref_slice %arg3[%add3A_102] : memref<33554432xf32, #tpu.memory_space<hbm>> -> memref<4096xf32, #tpu.memory_space<hbm>>
    tpu.wait_dma2 semaphore(%arg12 : memref<!tpu.dma_semaphore, #tpu.memory_space<semaphore_mem>>) src(%arg4 : memref<4096xf32, #tpu.memory_space<vmem>>) dst(%dma_wait3A_1007 : memref<4096xf32, #tpu.memory_space<hbm>>)
    %dma_wait3A_1008 = tpu.memref_slice %arg3[%add3A_106] : memref<33554432xf32, #tpu.memory_space<hbm>> -> memref<4096xf32, #tpu.memory_space<hbm>>
    %dma_wait3A_1009 = tpu.memref_slice %arg3[%add3A_106] : memref<33554432xf32, #tpu.memory_space<hbm>> -> memref<4096xf32, #tpu.memory_space<hbm>>
    tpu.wait_dma2 semaphore(%arg12 : memref<!tpu.dma_semaphore, #tpu.memory_space<semaphore_mem>>) src(%arg4 : memref<4096xf32, #tpu.memory_space<vmem>>) dst(%dma_wait3A_1009 : memref<4096xf32, #tpu.memory_space<hbm>>)
    %dma_wait3A_1010 = tpu.memref_slice %arg3[%add3A_110] : memref<33554432xf32, #tpu.memory_space<hbm>> -> memref<4096xf32, #tpu.memory_space<hbm>>
    %dma_wait3A_1011 = tpu.memref_slice %arg3[%add3A_110] : memref<33554432xf32, #tpu.memory_space<hbm>> -> memref<4096xf32, #tpu.memory_space<hbm>>
    tpu.wait_dma2 semaphore(%arg12 : memref<!tpu.dma_semaphore, #tpu.memory_space<semaphore_mem>>) src(%arg4 : memref<4096xf32, #tpu.memory_space<vmem>>) dst(%dma_wait3A_1011 : memref<4096xf32, #tpu.memory_space<hbm>>)
    %dma_wait3A_1012 = tpu.memref_slice %arg3[%add3A_114] : memref<33554432xf32, #tpu.memory_space<hbm>> -> memref<4096xf32, #tpu.memory_space<hbm>>
    %dma_wait3A_1013 = tpu.memref_slice %arg3[%add3A_114] : memref<33554432xf32, #tpu.memory_space<hbm>> -> memref<4096xf32, #tpu.memory_space<hbm>>
    tpu.wait_dma2 semaphore(%arg12 : memref<!tpu.dma_semaphore, #tpu.memory_space<semaphore_mem>>) src(%arg4 : memref<4096xf32, #tpu.memory_space<vmem>>) dst(%dma_wait3A_1013 : memref<4096xf32, #tpu.memory_space<hbm>>)
    %dma_wait3A_1014 = tpu.memref_slice %arg3[%add3A_118] : memref<33554432xf32, #tpu.memory_space<hbm>> -> memref<4096xf32, #tpu.memory_space<hbm>>
    %dma_wait3A_1015 = tpu.memref_slice %arg3[%add3A_118] : memref<33554432xf32, #tpu.memory_space<hbm>> -> memref<4096xf32, #tpu.memory_space<hbm>>
    tpu.wait_dma2 semaphore(%arg12 : memref<!tpu.dma_semaphore, #tpu.memory_space<semaphore_mem>>) src(%arg4 : memref<4096xf32, #tpu.memory_space<vmem>>) dst(%dma_wait3A_1015 : memref<4096xf32, #tpu.memory_space<hbm>>)
    %dma_wait3A_1016 = tpu.memref_slice %arg3[%add3A_122] : memref<33554432xf32, #tpu.memory_space<hbm>> -> memref<4096xf32, #tpu.memory_space<hbm>>
    %dma_wait3A_1017 = tpu.memref_slice %arg3[%add3A_122] : memref<33554432xf32, #tpu.memory_space<hbm>> -> memref<4096xf32, #tpu.memory_space<hbm>>
    tpu.wait_dma2 semaphore(%arg12 : memref<!tpu.dma_semaphore, #tpu.memory_space<semaphore_mem>>) src(%arg4 : memref<4096xf32, #tpu.memory_space<vmem>>) dst(%dma_wait3A_1017 : memref<4096xf32, #tpu.memory_space<hbm>>)
    %dma_wait3A_1018 = tpu.memref_slice %arg3[%add3A_126] : memref<33554432xf32, #tpu.memory_space<hbm>> -> memref<4096xf32, #tpu.memory_space<hbm>>
    %dma_wait3A_1019 = tpu.memref_slice %arg3[%add3A_126] : memref<33554432xf32, #tpu.memory_space<hbm>> -> memref<4096xf32, #tpu.memory_space<hbm>>
    tpu.wait_dma2 semaphore(%arg12 : memref<!tpu.dma_semaphore, #tpu.memory_space<semaphore_mem>>) src(%arg4 : memref<4096xf32, #tpu.memory_space<vmem>>) dst(%dma_wait3A_1019 : memref<4096xf32, #tpu.memory_space<hbm>>)
    %dma_wait3A_1020 = tpu.memref_slice %arg3[%add3A_130] : memref<33554432xf32, #tpu.memory_space<hbm>> -> memref<4096xf32, #tpu.memory_space<hbm>>
    %dma_wait3A_1021 = tpu.memref_slice %arg3[%add3A_130] : memref<33554432xf32, #tpu.memory_space<hbm>> -> memref<4096xf32, #tpu.memory_space<hbm>>
    tpu.wait_dma2 semaphore(%arg12 : memref<!tpu.dma_semaphore, #tpu.memory_space<semaphore_mem>>) src(%arg4 : memref<4096xf32, #tpu.memory_space<vmem>>) dst(%dma_wait3A_1021 : memref<4096xf32, #tpu.memory_space<hbm>>)
    %dma_wait3A_1022 = tpu.memref_slice %arg3[%add3A_134] : memref<33554432xf32, #tpu.memory_space<hbm>> -> memref<4096xf32, #tpu.memory_space<hbm>>
    %dma_wait3A_1023 = tpu.memref_slice %arg3[%add3A_134] : memref<33554432xf32, #tpu.memory_space<hbm>> -> memref<4096xf32, #tpu.memory_space<hbm>>
    tpu.wait_dma2 semaphore(%arg12 : memref<!tpu.dma_semaphore, #tpu.memory_space<semaphore_mem>>) src(%arg4 : memref<4096xf32, #tpu.memory_space<vmem>>) dst(%dma_wait3A_1023 : memref<4096xf32, #tpu.memory_space<hbm>>)
    %dma_wait3A_1024 = tpu.memref_slice %arg3[%add3A_138] : memref<33554432xf32, #tpu.memory_space<hbm>> -> memref<4096xf32, #tpu.memory_space<hbm>>
    %dma_wait3A_1025 = tpu.memref_slice %arg3[%add3A_138] : memref<33554432xf32, #tpu.memory_space<hbm>> -> memref<4096xf32, #tpu.memory_space<hbm>>
    tpu.wait_dma2 semaphore(%arg12 : memref<!tpu.dma_semaphore, #tpu.memory_space<semaphore_mem>>) src(%arg4 : memref<4096xf32, #tpu.memory_space<vmem>>) dst(%dma_wait3A_1025 : memref<4096xf32, #tpu.memory_space<hbm>>)
    %dma_wait3A_1026 = tpu.memref_slice %arg3[%add3A_142] : memref<33554432xf32, #tpu.memory_space<hbm>> -> memref<4096xf32, #tpu.memory_space<hbm>>
    %dma_wait3A_1027 = tpu.memref_slice %arg3[%add3A_142] : memref<33554432xf32, #tpu.memory_space<hbm>> -> memref<4096xf32, #tpu.memory_space<hbm>>
    tpu.wait_dma2 semaphore(%arg12 : memref<!tpu.dma_semaphore, #tpu.memory_space<semaphore_mem>>) src(%arg4 : memref<4096xf32, #tpu.memory_space<vmem>>) dst(%dma_wait3A_1027 : memref<4096xf32, #tpu.memory_space<hbm>>)
    %dma_wait3A_1028 = tpu.memref_slice %arg3[%add3A_146] : memref<33554432xf32, #tpu.memory_space<hbm>> -> memref<4096xf32, #tpu.memory_space<hbm>>
    %dma_wait3A_1029 = tpu.memref_slice %arg3[%add3A_146] : memref<33554432xf32, #tpu.memory_space<hbm>> -> memref<4096xf32, #tpu.memory_space<hbm>>
    tpu.wait_dma2 semaphore(%arg12 : memref<!tpu.dma_semaphore, #tpu.memory_space<semaphore_mem>>) src(%arg4 : memref<4096xf32, #tpu.memory_space<vmem>>) dst(%dma_wait3A_1029 : memref<4096xf32, #tpu.memory_space<hbm>>)
    %dma_wait3A_1030 = tpu.memref_slice %arg3[%add3A_150] : memref<33554432xf32, #tpu.memory_space<hbm>> -> memref<4096xf32, #tpu.memory_space<hbm>>
    %dma_wait3A_1031 = tpu.memref_slice %arg3[%add3A_150] : memref<33554432xf32, #tpu.memory_space<hbm>> -> memref<4096xf32, #tpu.memory_space<hbm>>
    tpu.wait_dma2 semaphore(%arg12 : memref<!tpu.dma_semaphore, #tpu.memory_space<semaphore_mem>>) src(%arg4 : memref<4096xf32, #tpu.memory_space<vmem>>) dst(%dma_wait3A_1031 : memref<4096xf32, #tpu.memory_space<hbm>>)
    %dma_wait3A_1032 = tpu.memref_slice %arg3[%add3A_154] : memref<33554432xf32, #tpu.memory_space<hbm>> -> memref<4096xf32, #tpu.memory_space<hbm>>
    %dma_wait3A_1033 = tpu.memref_slice %arg3[%add3A_154] : memref<33554432xf32, #tpu.memory_space<hbm>> -> memref<4096xf32, #tpu.memory_space<hbm>>
    tpu.wait_dma2 semaphore(%arg12 : memref<!tpu.dma_semaphore, #tpu.memory_space<semaphore_mem>>) src(%arg4 : memref<4096xf32, #tpu.memory_space<vmem>>) dst(%dma_wait3A_1033 : memref<4096xf32, #tpu.memory_space<hbm>>)
    %dma_wait3A_1034 = tpu.memref_slice %arg3[%add3A_158] : memref<33554432xf32, #tpu.memory_space<hbm>> -> memref<4096xf32, #tpu.memory_space<hbm>>
    %dma_wait3A_1035 = tpu.memref_slice %arg3[%add3A_158] : memref<33554432xf32, #tpu.memory_space<hbm>> -> memref<4096xf32, #tpu.memory_space<hbm>>
    tpu.wait_dma2 semaphore(%arg12 : memref<!tpu.dma_semaphore, #tpu.memory_space<semaphore_mem>>) src(%arg4 : memref<4096xf32, #tpu.memory_space<vmem>>) dst(%dma_wait3A_1035 : memref<4096xf32, #tpu.memory_space<hbm>>)
    %dma_wait3A_1036 = tpu.memref_slice %arg3[%add3A_162] : memref<33554432xf32, #tpu.memory_space<hbm>> -> memref<4096xf32, #tpu.memory_space<hbm>>
    %dma_wait3A_1037 = tpu.memref_slice %arg3[%add3A_162] : memref<33554432xf32, #tpu.memory_space<hbm>> -> memref<4096xf32, #tpu.memory_space<hbm>>
    tpu.wait_dma2 semaphore(%arg12 : memref<!tpu.dma_semaphore, #tpu.memory_space<semaphore_mem>>) src(%arg4 : memref<4096xf32, #tpu.memory_space<vmem>>) dst(%dma_wait3A_1037 : memref<4096xf32, #tpu.memory_space<hbm>>)
    %dma_wait3A_1038 = tpu.memref_slice %arg3[%add3A_166] : memref<33554432xf32, #tpu.memory_space<hbm>> -> memref<4096xf32, #tpu.memory_space<hbm>>
    %dma_wait3A_1039 = tpu.memref_slice %arg3[%add3A_166] : memref<33554432xf32, #tpu.memory_space<hbm>> -> memref<4096xf32, #tpu.memory_space<hbm>>
    tpu.wait_dma2 semaphore(%arg12 : memref<!tpu.dma_semaphore, #tpu.memory_space<semaphore_mem>>) src(%arg4 : memref<4096xf32, #tpu.memory_space<vmem>>) dst(%dma_wait3A_1039 : memref<4096xf32, #tpu.memory_space<hbm>>)
    %dma_wait3A_1040 = tpu.memref_slice %arg3[%add3A_170] : memref<33554432xf32, #tpu.memory_space<hbm>> -> memref<4096xf32, #tpu.memory_space<hbm>>
    %dma_wait3A_1041 = tpu.memref_slice %arg3[%add3A_170] : memref<33554432xf32, #tpu.memory_space<hbm>> -> memref<4096xf32, #tpu.memory_space<hbm>>
    tpu.wait_dma2 semaphore(%arg12 : memref<!tpu.dma_semaphore, #tpu.memory_space<semaphore_mem>>) src(%arg4 : memref<4096xf32, #tpu.memory_space<vmem>>) dst(%dma_wait3A_1041 : memref<4096xf32, #tpu.memory_space<hbm>>)
    %dma_wait3A_1042 = tpu.memref_slice %arg3[%add3A_174] : memref<33554432xf32, #tpu.memory_space<hbm>> -> memref<4096xf32, #tpu.memory_space<hbm>>
    %dma_wait3A_1043 = tpu.memref_slice %arg3[%add3A_174] : memref<33554432xf32, #tpu.memory_space<hbm>> -> memref<4096xf32, #tpu.memory_space<hbm>>
    tpu.wait_dma2 semaphore(%arg12 : memref<!tpu.dma_semaphore, #tpu.memory_space<semaphore_mem>>) src(%arg4 : memref<4096xf32, #tpu.memory_space<vmem>>) dst(%dma_wait3A_1043 : memref<4096xf32, #tpu.memory_space<hbm>>)
    %dma_wait3A_1044 = tpu.memref_slice %arg3[%add3A_178] : memref<33554432xf32, #tpu.memory_space<hbm>> -> memref<4096xf32, #tpu.memory_space<hbm>>
    %dma_wait3A_1045 = tpu.memref_slice %arg3[%add3A_178] : memref<33554432xf32, #tpu.memory_space<hbm>> -> memref<4096xf32, #tpu.memory_space<hbm>>
    tpu.wait_dma2 semaphore(%arg12 : memref<!tpu.dma_semaphore, #tpu.memory_space<semaphore_mem>>) src(%arg4 : memref<4096xf32, #tpu.memory_space<vmem>>) dst(%dma_wait3A_1045 : memref<4096xf32, #tpu.memory_space<hbm>>)
    %dma_wait3A_1046 = tpu.memref_slice %arg3[%add3A_182] : memref<33554432xf32, #tpu.memory_space<hbm>> -> memref<4096xf32, #tpu.memory_space<hbm>>
    %dma_wait3A_1047 = tpu.memref_slice %arg3[%add3A_182] : memref<33554432xf32, #tpu.memory_space<hbm>> -> memref<4096xf32, #tpu.memory_space<hbm>>
    tpu.wait_dma2 semaphore(%arg12 : memref<!tpu.dma_semaphore, #tpu.memory_space<semaphore_mem>>) src(%arg4 : memref<4096xf32, #tpu.memory_space<vmem>>) dst(%dma_wait3A_1047 : memref<4096xf32, #tpu.memory_space<hbm>>)
    %dma_wait3A_1048 = tpu.memref_slice %arg3[%add3A_186] : memref<33554432xf32, #tpu.memory_space<hbm>> -> memref<4096xf32, #tpu.memory_space<hbm>>
    %dma_wait3A_1049 = tpu.memref_slice %arg3[%add3A_186] : memref<33554432xf32, #tpu.memory_space<hbm>> -> memref<4096xf32, #tpu.memory_space<hbm>>
    tpu.wait_dma2 semaphore(%arg12 : memref<!tpu.dma_semaphore, #tpu.memory_space<semaphore_mem>>) src(%arg4 : memref<4096xf32, #tpu.memory_space<vmem>>) dst(%dma_wait3A_1049 : memref<4096xf32, #tpu.memory_space<hbm>>)
    %dma_wait3A_1050 = tpu.memref_slice %arg3[%add3A_190] : memref<33554432xf32, #tpu.memory_space<hbm>> -> memref<4096xf32, #tpu.memory_space<hbm>>
    %dma_wait3A_1051 = tpu.memref_slice %arg3[%add3A_190] : memref<33554432xf32, #tpu.memory_space<hbm>> -> memref<4096xf32, #tpu.memory_space<hbm>>
    tpu.wait_dma2 semaphore(%arg12 : memref<!tpu.dma_semaphore, #tpu.memory_space<semaphore_mem>>) src(%arg4 : memref<4096xf32, #tpu.memory_space<vmem>>) dst(%dma_wait3A_1051 : memref<4096xf32, #tpu.memory_space<hbm>>)
    %dma_wait3A_1052 = tpu.memref_slice %arg3[%add3A_194] : memref<33554432xf32, #tpu.memory_space<hbm>> -> memref<4096xf32, #tpu.memory_space<hbm>>
    %dma_wait3A_1053 = tpu.memref_slice %arg3[%add3A_194] : memref<33554432xf32, #tpu.memory_space<hbm>> -> memref<4096xf32, #tpu.memory_space<hbm>>
    tpu.wait_dma2 semaphore(%arg12 : memref<!tpu.dma_semaphore, #tpu.memory_space<semaphore_mem>>) src(%arg4 : memref<4096xf32, #tpu.memory_space<vmem>>) dst(%dma_wait3A_1053 : memref<4096xf32, #tpu.memory_space<hbm>>)
    %dma_wait3A_1054 = tpu.memref_slice %arg3[%add3A_198] : memref<33554432xf32, #tpu.memory_space<hbm>> -> memref<4096xf32, #tpu.memory_space<hbm>>
    %dma_wait3A_1055 = tpu.memref_slice %arg3[%add3A_198] : memref<33554432xf32, #tpu.memory_space<hbm>> -> memref<4096xf32, #tpu.memory_space<hbm>>
    tpu.wait_dma2 semaphore(%arg12 : memref<!tpu.dma_semaphore, #tpu.memory_space<semaphore_mem>>) src(%arg4 : memref<4096xf32, #tpu.memory_space<vmem>>) dst(%dma_wait3A_1055 : memref<4096xf32, #tpu.memory_space<hbm>>)
    %dma_wait3A_1056 = tpu.memref_slice %arg3[%add3A_202] : memref<33554432xf32, #tpu.memory_space<hbm>> -> memref<4096xf32, #tpu.memory_space<hbm>>
    %dma_wait3A_1057 = tpu.memref_slice %arg3[%add3A_202] : memref<33554432xf32, #tpu.memory_space<hbm>> -> memref<4096xf32, #tpu.memory_space<hbm>>
    tpu.wait_dma2 semaphore(%arg12 : memref<!tpu.dma_semaphore, #tpu.memory_space<semaphore_mem>>) src(%arg4 : memref<4096xf32, #tpu.memory_space<vmem>>) dst(%dma_wait3A_1057 : memref<4096xf32, #tpu.memory_space<hbm>>)
    %dma_wait3A_1058 = tpu.memref_slice %arg3[%add3A_206] : memref<33554432xf32, #tpu.memory_space<hbm>> -> memref<4096xf32, #tpu.memory_space<hbm>>
    %dma_wait3A_1059 = tpu.memref_slice %arg3[%add3A_206] : memref<33554432xf32, #tpu.memory_space<hbm>> -> memref<4096xf32, #tpu.memory_space<hbm>>
    tpu.wait_dma2 semaphore(%arg12 : memref<!tpu.dma_semaphore, #tpu.memory_space<semaphore_mem>>) src(%arg4 : memref<4096xf32, #tpu.memory_space<vmem>>) dst(%dma_wait3A_1059 : memref<4096xf32, #tpu.memory_space<hbm>>)
    %dma_wait3A_1060 = tpu.memref_slice %arg3[%add3A_210] : memref<33554432xf32, #tpu.memory_space<hbm>> -> memref<4096xf32, #tpu.memory_space<hbm>>
    %dma_wait3A_1061 = tpu.memref_slice %arg3[%add3A_210] : memref<33554432xf32, #tpu.memory_space<hbm>> -> memref<4096xf32, #tpu.memory_space<hbm>>
    tpu.wait_dma2 semaphore(%arg12 : memref<!tpu.dma_semaphore, #tpu.memory_space<semaphore_mem>>) src(%arg4 : memref<4096xf32, #tpu.memory_space<vmem>>) dst(%dma_wait3A_1061 : memref<4096xf32, #tpu.memory_space<hbm>>)
    %dma_wait3A_1062 = tpu.memref_slice %arg3[%add3A_214] : memref<33554432xf32, #tpu.memory_space<hbm>> -> memref<4096xf32, #tpu.memory_space<hbm>>
    %dma_wait3A_1063 = tpu.memref_slice %arg3[%add3A_214] : memref<33554432xf32, #tpu.memory_space<hbm>> -> memref<4096xf32, #tpu.memory_space<hbm>>
    tpu.wait_dma2 semaphore(%arg12 : memref<!tpu.dma_semaphore, #tpu.memory_space<semaphore_mem>>) src(%arg4 : memref<4096xf32, #tpu.memory_space<vmem>>) dst(%dma_wait3A_1063 : memref<4096xf32, #tpu.memory_space<hbm>>)
    %dma_wait3A_1064 = tpu.memref_slice %arg3[%add3A_218] : memref<33554432xf32, #tpu.memory_space<hbm>> -> memref<4096xf32, #tpu.memory_space<hbm>>
    %dma_wait3A_1065 = tpu.memref_slice %arg3[%add3A_218] : memref<33554432xf32, #tpu.memory_space<hbm>> -> memref<4096xf32, #tpu.memory_space<hbm>>
    tpu.wait_dma2 semaphore(%arg12 : memref<!tpu.dma_semaphore, #tpu.memory_space<semaphore_mem>>) src(%arg4 : memref<4096xf32, #tpu.memory_space<vmem>>) dst(%dma_wait3A_1065 : memref<4096xf32, #tpu.memory_space<hbm>>)
    %dma_wait3A_1066 = tpu.memref_slice %arg3[%add3A_222] : memref<33554432xf32, #tpu.memory_space<hbm>> -> memref<4096xf32, #tpu.memory_space<hbm>>
    %dma_wait3A_1067 = tpu.memref_slice %arg3[%add3A_222] : memref<33554432xf32, #tpu.memory_space<hbm>> -> memref<4096xf32, #tpu.memory_space<hbm>>
    tpu.wait_dma2 semaphore(%arg12 : memref<!tpu.dma_semaphore, #tpu.memory_space<semaphore_mem>>) src(%arg4 : memref<4096xf32, #tpu.memory_space<vmem>>) dst(%dma_wait3A_1067 : memref<4096xf32, #tpu.memory_space<hbm>>)
    %dma_wait3A_1068 = tpu.memref_slice %arg3[%add3A_226] : memref<33554432xf32, #tpu.memory_space<hbm>> -> memref<4096xf32, #tpu.memory_space<hbm>>
    %dma_wait3A_1069 = tpu.memref_slice %arg3[%add3A_226] : memref<33554432xf32, #tpu.memory_space<hbm>> -> memref<4096xf32, #tpu.memory_space<hbm>>
    tpu.wait_dma2 semaphore(%arg12 : memref<!tpu.dma_semaphore, #tpu.memory_space<semaphore_mem>>) src(%arg4 : memref<4096xf32, #tpu.memory_space<vmem>>) dst(%dma_wait3A_1069 : memref<4096xf32, #tpu.memory_space<hbm>>)
    %dma_wait3A_1070 = tpu.memref_slice %arg3[%add3A_230] : memref<33554432xf32, #tpu.memory_space<hbm>> -> memref<4096xf32, #tpu.memory_space<hbm>>
    %dma_wait3A_1071 = tpu.memref_slice %arg3[%add3A_230] : memref<33554432xf32, #tpu.memory_space<hbm>> -> memref<4096xf32, #tpu.memory_space<hbm>>
    tpu.wait_dma2 semaphore(%arg12 : memref<!tpu.dma_semaphore, #tpu.memory_space<semaphore_mem>>) src(%arg4 : memref<4096xf32, #tpu.memory_space<vmem>>) dst(%dma_wait3A_1071 : memref<4096xf32, #tpu.memory_space<hbm>>)
    %dma_wait3A_1072 = tpu.memref_slice %arg3[%add3A_234] : memref<33554432xf32, #tpu.memory_space<hbm>> -> memref<4096xf32, #tpu.memory_space<hbm>>
    %dma_wait3A_1073 = tpu.memref_slice %arg3[%add3A_234] : memref<33554432xf32, #tpu.memory_space<hbm>> -> memref<4096xf32, #tpu.memory_space<hbm>>
    tpu.wait_dma2 semaphore(%arg12 : memref<!tpu.dma_semaphore, #tpu.memory_space<semaphore_mem>>) src(%arg4 : memref<4096xf32, #tpu.memory_space<vmem>>) dst(%dma_wait3A_1073 : memref<4096xf32, #tpu.memory_space<hbm>>)
    %dma_wait3A_1074 = tpu.memref_slice %arg3[%add3A_238] : memref<33554432xf32, #tpu.memory_space<hbm>> -> memref<4096xf32, #tpu.memory_space<hbm>>
    %dma_wait3A_1075 = tpu.memref_slice %arg3[%add3A_238] : memref<33554432xf32, #tpu.memory_space<hbm>> -> memref<4096xf32, #tpu.memory_space<hbm>>
    tpu.wait_dma2 semaphore(%arg12 : memref<!tpu.dma_semaphore, #tpu.memory_space<semaphore_mem>>) src(%arg4 : memref<4096xf32, #tpu.memory_space<vmem>>) dst(%dma_wait3A_1075 : memref<4096xf32, #tpu.memory_space<hbm>>)
    %dma_wait3A_1076 = tpu.memref_slice %arg3[%add3A_242] : memref<33554432xf32, #tpu.memory_space<hbm>> -> memref<4096xf32, #tpu.memory_space<hbm>>
    %dma_wait3A_1077 = tpu.memref_slice %arg3[%add3A_242] : memref<33554432xf32, #tpu.memory_space<hbm>> -> memref<4096xf32, #tpu.memory_space<hbm>>
    tpu.wait_dma2 semaphore(%arg12 : memref<!tpu.dma_semaphore, #tpu.memory_space<semaphore_mem>>) src(%arg4 : memref<4096xf32, #tpu.memory_space<vmem>>) dst(%dma_wait3A_1077 : memref<4096xf32, #tpu.memory_space<hbm>>)
    %dma_wait3A_1078 = tpu.memref_slice %arg3[%add3A_246] : memref<33554432xf32, #tpu.memory_space<hbm>> -> memref<4096xf32, #tpu.memory_space<hbm>>
    %dma_wait3A_1079 = tpu.memref_slice %arg3[%add3A_246] : memref<33554432xf32, #tpu.memory_space<hbm>> -> memref<4096xf32, #tpu.memory_space<hbm>>
    tpu.wait_dma2 semaphore(%arg12 : memref<!tpu.dma_semaphore, #tpu.memory_space<semaphore_mem>>) src(%arg4 : memref<4096xf32, #tpu.memory_space<vmem>>) dst(%dma_wait3A_1079 : memref<4096xf32, #tpu.memory_space<hbm>>)
    %dma_wait3A_1080 = tpu.memref_slice %arg3[%add3A_250] : memref<33554432xf32, #tpu.memory_space<hbm>> -> memref<4096xf32, #tpu.memory_space<hbm>>
    %dma_wait3A_1081 = tpu.memref_slice %arg3[%add3A_250] : memref<33554432xf32, #tpu.memory_space<hbm>> -> memref<4096xf32, #tpu.memory_space<hbm>>
    tpu.wait_dma2 semaphore(%arg12 : memref<!tpu.dma_semaphore, #tpu.memory_space<semaphore_mem>>) src(%arg4 : memref<4096xf32, #tpu.memory_space<vmem>>) dst(%dma_wait3A_1081 : memref<4096xf32, #tpu.memory_space<hbm>>)
    %dma_wait3A_1082 = tpu.memref_slice %arg3[%add3A_254] : memref<33554432xf32, #tpu.memory_space<hbm>> -> memref<4096xf32, #tpu.memory_space<hbm>>
    %dma_wait3A_1083 = tpu.memref_slice %arg3[%add3A_254] : memref<33554432xf32, #tpu.memory_space<hbm>> -> memref<4096xf32, #tpu.memory_space<hbm>>
    tpu.wait_dma2 semaphore(%arg12 : memref<!tpu.dma_semaphore, #tpu.memory_space<semaphore_mem>>) src(%arg4 : memref<4096xf32, #tpu.memory_space<vmem>>) dst(%dma_wait3A_1083 : memref<4096xf32, #tpu.memory_space<hbm>>)
    %dma_wait3A_1084 = tpu.memref_slice %arg3[%add3A_258] : memref<33554432xf32, #tpu.memory_space<hbm>> -> memref<4096xf32, #tpu.memory_space<hbm>>
    %dma_wait3A_1085 = tpu.memref_slice %arg3[%add3A_258] : memref<33554432xf32, #tpu.memory_space<hbm>> -> memref<4096xf32, #tpu.memory_space<hbm>>
    tpu.wait_dma2 semaphore(%arg12 : memref<!tpu.dma_semaphore, #tpu.memory_space<semaphore_mem>>) src(%arg4 : memref<4096xf32, #tpu.memory_space<vmem>>) dst(%dma_wait3A_1085 : memref<4096xf32, #tpu.memory_space<hbm>>)
    %dma_wait3A_1086 = tpu.memref_slice %arg3[%add3A_262] : memref<33554432xf32, #tpu.memory_space<hbm>> -> memref<4096xf32, #tpu.memory_space<hbm>>
    %dma_wait3A_1087 = tpu.memref_slice %arg3[%add3A_262] : memref<33554432xf32, #tpu.memory_space<hbm>> -> memref<4096xf32, #tpu.memory_space<hbm>>
    tpu.wait_dma2 semaphore(%arg12 : memref<!tpu.dma_semaphore, #tpu.memory_space<semaphore_mem>>) src(%arg4 : memref<4096xf32, #tpu.memory_space<vmem>>) dst(%dma_wait3A_1087 : memref<4096xf32, #tpu.memory_space<hbm>>)
    %dma_wait3A_1088 = tpu.memref_slice %arg3[%add3A_266] : memref<33554432xf32, #tpu.memory_space<hbm>> -> memref<4096xf32, #tpu.memory_space<hbm>>
    %dma_wait3A_1089 = tpu.memref_slice %arg3[%add3A_266] : memref<33554432xf32, #tpu.memory_space<hbm>> -> memref<4096xf32, #tpu.memory_space<hbm>>
    tpu.wait_dma2 semaphore(%arg12 : memref<!tpu.dma_semaphore, #tpu.memory_space<semaphore_mem>>) src(%arg4 : memref<4096xf32, #tpu.memory_space<vmem>>) dst(%dma_wait3A_1089 : memref<4096xf32, #tpu.memory_space<hbm>>)
    %dma_wait3A_1090 = tpu.memref_slice %arg3[%add3A_270] : memref<33554432xf32, #tpu.memory_space<hbm>> -> memref<4096xf32, #tpu.memory_space<hbm>>
    %dma_wait3A_1091 = tpu.memref_slice %arg3[%add3A_270] : memref<33554432xf32, #tpu.memory_space<hbm>> -> memref<4096xf32, #tpu.memory_space<hbm>>
    tpu.wait_dma2 semaphore(%arg12 : memref<!tpu.dma_semaphore, #tpu.memory_space<semaphore_mem>>) src(%arg4 : memref<4096xf32, #tpu.memory_space<vmem>>) dst(%dma_wait3A_1091 : memref<4096xf32, #tpu.memory_space<hbm>>)
    %dma_wait3A_1092 = tpu.memref_slice %arg3[%add3A_274] : memref<33554432xf32, #tpu.memory_space<hbm>> -> memref<4096xf32, #tpu.memory_space<hbm>>
    %dma_wait3A_1093 = tpu.memref_slice %arg3[%add3A_274] : memref<33554432xf32, #tpu.memory_space<hbm>> -> memref<4096xf32, #tpu.memory_space<hbm>>
    tpu.wait_dma2 semaphore(%arg12 : memref<!tpu.dma_semaphore, #tpu.memory_space<semaphore_mem>>) src(%arg4 : memref<4096xf32, #tpu.memory_space<vmem>>) dst(%dma_wait3A_1093 : memref<4096xf32, #tpu.memory_space<hbm>>)
    %dma_wait3A_1094 = tpu.memref_slice %arg3[%add3A_278] : memref<33554432xf32, #tpu.memory_space<hbm>> -> memref<4096xf32, #tpu.memory_space<hbm>>
    %dma_wait3A_1095 = tpu.memref_slice %arg3[%add3A_278] : memref<33554432xf32, #tpu.memory_space<hbm>> -> memref<4096xf32, #tpu.memory_space<hbm>>
    tpu.wait_dma2 semaphore(%arg12 : memref<!tpu.dma_semaphore, #tpu.memory_space<semaphore_mem>>) src(%arg4 : memref<4096xf32, #tpu.memory_space<vmem>>) dst(%dma_wait3A_1095 : memref<4096xf32, #tpu.memory_space<hbm>>)
    %dma_wait3A_1096 = tpu.memref_slice %arg3[%add3A_282] : memref<33554432xf32, #tpu.memory_space<hbm>> -> memref<4096xf32, #tpu.memory_space<hbm>>
    %dma_wait3A_1097 = tpu.memref_slice %arg3[%add3A_282] : memref<33554432xf32, #tpu.memory_space<hbm>> -> memref<4096xf32, #tpu.memory_space<hbm>>
    tpu.wait_dma2 semaphore(%arg12 : memref<!tpu.dma_semaphore, #tpu.memory_space<semaphore_mem>>) src(%arg4 : memref<4096xf32, #tpu.memory_space<vmem>>) dst(%dma_wait3A_1097 : memref<4096xf32, #tpu.memory_space<hbm>>)
    %dma_wait3A_1098 = tpu.memref_slice %arg3[%add3A_286] : memref<33554432xf32, #tpu.memory_space<hbm>> -> memref<4096xf32, #tpu.memory_space<hbm>>
    %dma_wait3A_1099 = tpu.memref_slice %arg3[%add3A_286] : memref<33554432xf32, #tpu.memory_space<hbm>> -> memref<4096xf32, #tpu.memory_space<hbm>>
    tpu.wait_dma2 semaphore(%arg12 : memref<!tpu.dma_semaphore, #tpu.memory_space<semaphore_mem>>) src(%arg4 : memref<4096xf32, #tpu.memory_space<vmem>>) dst(%dma_wait3A_1099 : memref<4096xf32, #tpu.memory_space<hbm>>)
    %dma_wait3A_1100 = tpu.memref_slice %arg3[%add3A_290] : memref<33554432xf32, #tpu.memory_space<hbm>> -> memref<4096xf32, #tpu.memory_space<hbm>>
    %dma_wait3A_1101 = tpu.memref_slice %arg3[%add3A_290] : memref<33554432xf32, #tpu.memory_space<hbm>> -> memref<4096xf32, #tpu.memory_space<hbm>>
    tpu.wait_dma2 semaphore(%arg12 : memref<!tpu.dma_semaphore, #tpu.memory_space<semaphore_mem>>) src(%arg4 : memref<4096xf32, #tpu.memory_space<vmem>>) dst(%dma_wait3A_1101 : memref<4096xf32, #tpu.memory_space<hbm>>)
    %dma_wait3A_1102 = tpu.memref_slice %arg3[%add3A_294] : memref<33554432xf32, #tpu.memory_space<hbm>> -> memref<4096xf32, #tpu.memory_space<hbm>>
    %dma_wait3A_1103 = tpu.memref_slice %arg3[%add3A_294] : memref<33554432xf32, #tpu.memory_space<hbm>> -> memref<4096xf32, #tpu.memory_space<hbm>>
    tpu.wait_dma2 semaphore(%arg12 : memref<!tpu.dma_semaphore, #tpu.memory_space<semaphore_mem>>) src(%arg4 : memref<4096xf32, #tpu.memory_space<vmem>>) dst(%dma_wait3A_1103 : memref<4096xf32, #tpu.memory_space<hbm>>)
    %dma_wait3A_1104 = tpu.memref_slice %arg3[%add3A_298] : memref<33554432xf32, #tpu.memory_space<hbm>> -> memref<4096xf32, #tpu.memory_space<hbm>>
    %dma_wait3A_1105 = tpu.memref_slice %arg3[%add3A_298] : memref<33554432xf32, #tpu.memory_space<hbm>> -> memref<4096xf32, #tpu.memory_space<hbm>>
    tpu.wait_dma2 semaphore(%arg12 : memref<!tpu.dma_semaphore, #tpu.memory_space<semaphore_mem>>) src(%arg4 : memref<4096xf32, #tpu.memory_space<vmem>>) dst(%dma_wait3A_1105 : memref<4096xf32, #tpu.memory_space<hbm>>)
    %dma_wait3A_1106 = tpu.memref_slice %arg3[%add3A_302] : memref<33554432xf32, #tpu.memory_space<hbm>> -> memref<4096xf32, #tpu.memory_space<hbm>>
    %dma_wait3A_1107 = tpu.memref_slice %arg3[%add3A_302] : memref<33554432xf32, #tpu.memory_space<hbm>> -> memref<4096xf32, #tpu.memory_space<hbm>>
    tpu.wait_dma2 semaphore(%arg12 : memref<!tpu.dma_semaphore, #tpu.memory_space<semaphore_mem>>) src(%arg4 : memref<4096xf32, #tpu.memory_space<vmem>>) dst(%dma_wait3A_1107 : memref<4096xf32, #tpu.memory_space<hbm>>)
    %dma_wait3A_1108 = tpu.memref_slice %arg3[%add3A_306] : memref<33554432xf32, #tpu.memory_space<hbm>> -> memref<4096xf32, #tpu.memory_space<hbm>>
    %dma_wait3A_1109 = tpu.memref_slice %arg3[%add3A_306] : memref<33554432xf32, #tpu.memory_space<hbm>> -> memref<4096xf32, #tpu.memory_space<hbm>>
    tpu.wait_dma2 semaphore(%arg12 : memref<!tpu.dma_semaphore, #tpu.memory_space<semaphore_mem>>) src(%arg4 : memref<4096xf32, #tpu.memory_space<vmem>>) dst(%dma_wait3A_1109 : memref<4096xf32, #tpu.memory_space<hbm>>)
    %dma_wait3A_1110 = tpu.memref_slice %arg3[%add3A_310] : memref<33554432xf32, #tpu.memory_space<hbm>> -> memref<4096xf32, #tpu.memory_space<hbm>>
    %dma_wait3A_1111 = tpu.memref_slice %arg3[%add3A_310] : memref<33554432xf32, #tpu.memory_space<hbm>> -> memref<4096xf32, #tpu.memory_space<hbm>>
    tpu.wait_dma2 semaphore(%arg12 : memref<!tpu.dma_semaphore, #tpu.memory_space<semaphore_mem>>) src(%arg4 : memref<4096xf32, #tpu.memory_space<vmem>>) dst(%dma_wait3A_1111 : memref<4096xf32, #tpu.memory_space<hbm>>)
    %dma_wait3A_1112 = tpu.memref_slice %arg3[%add3A_314] : memref<33554432xf32, #tpu.memory_space<hbm>> -> memref<4096xf32, #tpu.memory_space<hbm>>
    %dma_wait3A_1113 = tpu.memref_slice %arg3[%add3A_314] : memref<33554432xf32, #tpu.memory_space<hbm>> -> memref<4096xf32, #tpu.memory_space<hbm>>
    tpu.wait_dma2 semaphore(%arg12 : memref<!tpu.dma_semaphore, #tpu.memory_space<semaphore_mem>>) src(%arg4 : memref<4096xf32, #tpu.memory_space<vmem>>) dst(%dma_wait3A_1113 : memref<4096xf32, #tpu.memory_space<hbm>>)
    %dma_wait3A_1114 = tpu.memref_slice %arg3[%add3A_318] : memref<33554432xf32, #tpu.memory_space<hbm>> -> memref<4096xf32, #tpu.memory_space<hbm>>
    %dma_wait3A_1115 = tpu.memref_slice %arg3[%add3A_318] : memref<33554432xf32, #tpu.memory_space<hbm>> -> memref<4096xf32, #tpu.memory_space<hbm>>
    tpu.wait_dma2 semaphore(%arg12 : memref<!tpu.dma_semaphore, #tpu.memory_space<semaphore_mem>>) src(%arg4 : memref<4096xf32, #tpu.memory_space<vmem>>) dst(%dma_wait3A_1115 : memref<4096xf32, #tpu.memory_space<hbm>>)
    %dma_wait3A_1116 = tpu.memref_slice %arg3[%add3A_322] : memref<33554432xf32, #tpu.memory_space<hbm>> -> memref<4096xf32, #tpu.memory_space<hbm>>
    %dma_wait3A_1117 = tpu.memref_slice %arg3[%add3A_322] : memref<33554432xf32, #tpu.memory_space<hbm>> -> memref<4096xf32, #tpu.memory_space<hbm>>
    tpu.wait_dma2 semaphore(%arg12 : memref<!tpu.dma_semaphore, #tpu.memory_space<semaphore_mem>>) src(%arg4 : memref<4096xf32, #tpu.memory_space<vmem>>) dst(%dma_wait3A_1117 : memref<4096xf32, #tpu.memory_space<hbm>>)
    %dma_wait3A_1118 = tpu.memref_slice %arg3[%add3A_326] : memref<33554432xf32, #tpu.memory_space<hbm>> -> memref<4096xf32, #tpu.memory_space<hbm>>
    %dma_wait3A_1119 = tpu.memref_slice %arg3[%add3A_326] : memref<33554432xf32, #tpu.memory_space<hbm>> -> memref<4096xf32, #tpu.memory_space<hbm>>
    tpu.wait_dma2 semaphore(%arg12 : memref<!tpu.dma_semaphore, #tpu.memory_space<semaphore_mem>>) src(%arg4 : memref<4096xf32, #tpu.memory_space<vmem>>) dst(%dma_wait3A_1119 : memref<4096xf32, #tpu.memory_space<hbm>>)
    %dma_wait3A_1120 = tpu.memref_slice %arg3[%add3A_330] : memref<33554432xf32, #tpu.memory_space<hbm>> -> memref<4096xf32, #tpu.memory_space<hbm>>
    %dma_wait3A_1121 = tpu.memref_slice %arg3[%add3A_330] : memref<33554432xf32, #tpu.memory_space<hbm>> -> memref<4096xf32, #tpu.memory_space<hbm>>
    tpu.wait_dma2 semaphore(%arg12 : memref<!tpu.dma_semaphore, #tpu.memory_space<semaphore_mem>>) src(%arg4 : memref<4096xf32, #tpu.memory_space<vmem>>) dst(%dma_wait3A_1121 : memref<4096xf32, #tpu.memory_space<hbm>>)
    %dma_wait3A_1122 = tpu.memref_slice %arg3[%add3A_334] : memref<33554432xf32, #tpu.memory_space<hbm>> -> memref<4096xf32, #tpu.memory_space<hbm>>
    %dma_wait3A_1123 = tpu.memref_slice %arg3[%add3A_334] : memref<33554432xf32, #tpu.memory_space<hbm>> -> memref<4096xf32, #tpu.memory_space<hbm>>
    tpu.wait_dma2 semaphore(%arg12 : memref<!tpu.dma_semaphore, #tpu.memory_space<semaphore_mem>>) src(%arg4 : memref<4096xf32, #tpu.memory_space<vmem>>) dst(%dma_wait3A_1123 : memref<4096xf32, #tpu.memory_space<hbm>>)
    %dma_wait3A_1124 = tpu.memref_slice %arg3[%add3A_338] : memref<33554432xf32, #tpu.memory_space<hbm>> -> memref<4096xf32, #tpu.memory_space<hbm>>
    %dma_wait3A_1125 = tpu.memref_slice %arg3[%add3A_338] : memref<33554432xf32, #tpu.memory_space<hbm>> -> memref<4096xf32, #tpu.memory_space<hbm>>
    tpu.wait_dma2 semaphore(%arg12 : memref<!tpu.dma_semaphore, #tpu.memory_space<semaphore_mem>>) src(%arg4 : memref<4096xf32, #tpu.memory_space<vmem>>) dst(%dma_wait3A_1125 : memref<4096xf32, #tpu.memory_space<hbm>>)
    %dma_wait3A_1126 = tpu.memref_slice %arg3[%add3A_342] : memref<33554432xf32, #tpu.memory_space<hbm>> -> memref<4096xf32, #tpu.memory_space<hbm>>
    %dma_wait3A_1127 = tpu.memref_slice %arg3[%add3A_342] : memref<33554432xf32, #tpu.memory_space<hbm>> -> memref<4096xf32, #tpu.memory_space<hbm>>
    tpu.wait_dma2 semaphore(%arg12 : memref<!tpu.dma_semaphore, #tpu.memory_space<semaphore_mem>>) src(%arg4 : memref<4096xf32, #tpu.memory_space<vmem>>) dst(%dma_wait3A_1127 : memref<4096xf32, #tpu.memory_space<hbm>>)
    %dma_wait3A_1128 = tpu.memref_slice %arg3[%add3A_346] : memref<33554432xf32, #tpu.memory_space<hbm>> -> memref<4096xf32, #tpu.memory_space<hbm>>
    %dma_wait3A_1129 = tpu.memref_slice %arg3[%add3A_346] : memref<33554432xf32, #tpu.memory_space<hbm>> -> memref<4096xf32, #tpu.memory_space<hbm>>
    tpu.wait_dma2 semaphore(%arg12 : memref<!tpu.dma_semaphore, #tpu.memory_space<semaphore_mem>>) src(%arg4 : memref<4096xf32, #tpu.memory_space<vmem>>) dst(%dma_wait3A_1129 : memref<4096xf32, #tpu.memory_space<hbm>>)
    %dma_wait3A_1130 = tpu.memref_slice %arg3[%add3A_350] : memref<33554432xf32, #tpu.memory_space<hbm>> -> memref<4096xf32, #tpu.memory_space<hbm>>
    %dma_wait3A_1131 = tpu.memref_slice %arg3[%add3A_350] : memref<33554432xf32, #tpu.memory_space<hbm>> -> memref<4096xf32, #tpu.memory_space<hbm>>
    tpu.wait_dma2 semaphore(%arg12 : memref<!tpu.dma_semaphore, #tpu.memory_space<semaphore_mem>>) src(%arg4 : memref<4096xf32, #tpu.memory_space<vmem>>) dst(%dma_wait3A_1131 : memref<4096xf32, #tpu.memory_space<hbm>>)
    %dma_wait3A_1132 = tpu.memref_slice %arg3[%add3A_354] : memref<33554432xf32, #tpu.memory_space<hbm>> -> memref<4096xf32, #tpu.memory_space<hbm>>
    %dma_wait3A_1133 = tpu.memref_slice %arg3[%add3A_354] : memref<33554432xf32, #tpu.memory_space<hbm>> -> memref<4096xf32, #tpu.memory_space<hbm>>
    tpu.wait_dma2 semaphore(%arg12 : memref<!tpu.dma_semaphore, #tpu.memory_space<semaphore_mem>>) src(%arg4 : memref<4096xf32, #tpu.memory_space<vmem>>) dst(%dma_wait3A_1133 : memref<4096xf32, #tpu.memory_space<hbm>>)
    %dma_wait3A_1134 = tpu.memref_slice %arg3[%add3A_358] : memref<33554432xf32, #tpu.memory_space<hbm>> -> memref<4096xf32, #tpu.memory_space<hbm>>
    %dma_wait3A_1135 = tpu.memref_slice %arg3[%add3A_358] : memref<33554432xf32, #tpu.memory_space<hbm>> -> memref<4096xf32, #tpu.memory_space<hbm>>
    tpu.wait_dma2 semaphore(%arg12 : memref<!tpu.dma_semaphore, #tpu.memory_space<semaphore_mem>>) src(%arg4 : memref<4096xf32, #tpu.memory_space<vmem>>) dst(%dma_wait3A_1135 : memref<4096xf32, #tpu.memory_space<hbm>>)
    %dma_wait3A_1136 = tpu.memref_slice %arg3[%add3A_362] : memref<33554432xf32, #tpu.memory_space<hbm>> -> memref<4096xf32, #tpu.memory_space<hbm>>
    %dma_wait3A_1137 = tpu.memref_slice %arg3[%add3A_362] : memref<33554432xf32, #tpu.memory_space<hbm>> -> memref<4096xf32, #tpu.memory_space<hbm>>
    tpu.wait_dma2 semaphore(%arg12 : memref<!tpu.dma_semaphore, #tpu.memory_space<semaphore_mem>>) src(%arg4 : memref<4096xf32, #tpu.memory_space<vmem>>) dst(%dma_wait3A_1137 : memref<4096xf32, #tpu.memory_space<hbm>>)
    %dma_wait3A_1138 = tpu.memref_slice %arg3[%add3A_366] : memref<33554432xf32, #tpu.memory_space<hbm>> -> memref<4096xf32, #tpu.memory_space<hbm>>
    %dma_wait3A_1139 = tpu.memref_slice %arg3[%add3A_366] : memref<33554432xf32, #tpu.memory_space<hbm>> -> memref<4096xf32, #tpu.memory_space<hbm>>
    tpu.wait_dma2 semaphore(%arg12 : memref<!tpu.dma_semaphore, #tpu.memory_space<semaphore_mem>>) src(%arg4 : memref<4096xf32, #tpu.memory_space<vmem>>) dst(%dma_wait3A_1139 : memref<4096xf32, #tpu.memory_space<hbm>>)
    %dma_wait3A_1140 = tpu.memref_slice %arg3[%add3A_370] : memref<33554432xf32, #tpu.memory_space<hbm>> -> memref<4096xf32, #tpu.memory_space<hbm>>
    %dma_wait3A_1141 = tpu.memref_slice %arg3[%add3A_370] : memref<33554432xf32, #tpu.memory_space<hbm>> -> memref<4096xf32, #tpu.memory_space<hbm>>
    tpu.wait_dma2 semaphore(%arg12 : memref<!tpu.dma_semaphore, #tpu.memory_space<semaphore_mem>>) src(%arg4 : memref<4096xf32, #tpu.memory_space<vmem>>) dst(%dma_wait3A_1141 : memref<4096xf32, #tpu.memory_space<hbm>>)
    %dma_wait3A_1142 = tpu.memref_slice %arg3[%add3A_374] : memref<33554432xf32, #tpu.memory_space<hbm>> -> memref<4096xf32, #tpu.memory_space<hbm>>
    %dma_wait3A_1143 = tpu.memref_slice %arg3[%add3A_374] : memref<33554432xf32, #tpu.memory_space<hbm>> -> memref<4096xf32, #tpu.memory_space<hbm>>
    tpu.wait_dma2 semaphore(%arg12 : memref<!tpu.dma_semaphore, #tpu.memory_space<semaphore_mem>>) src(%arg4 : memref<4096xf32, #tpu.memory_space<vmem>>) dst(%dma_wait3A_1143 : memref<4096xf32, #tpu.memory_space<hbm>>)
    %dma_wait3A_1144 = tpu.memref_slice %arg3[%add3A_378] : memref<33554432xf32, #tpu.memory_space<hbm>> -> memref<4096xf32, #tpu.memory_space<hbm>>
    %dma_wait3A_1145 = tpu.memref_slice %arg3[%add3A_378] : memref<33554432xf32, #tpu.memory_space<hbm>> -> memref<4096xf32, #tpu.memory_space<hbm>>
    tpu.wait_dma2 semaphore(%arg12 : memref<!tpu.dma_semaphore, #tpu.memory_space<semaphore_mem>>) src(%arg4 : memref<4096xf32, #tpu.memory_space<vmem>>) dst(%dma_wait3A_1145 : memref<4096xf32, #tpu.memory_space<hbm>>)
    %dma_wait3A_1146 = tpu.memref_slice %arg3[%add3A_382] : memref<33554432xf32, #tpu.memory_space<hbm>> -> memref<4096xf32, #tpu.memory_space<hbm>>
    %dma_wait3A_1147 = tpu.memref_slice %arg3[%add3A_382] : memref<33554432xf32, #tpu.memory_space<hbm>> -> memref<4096xf32, #tpu.memory_space<hbm>>
    tpu.wait_dma2 semaphore(%arg12 : memref<!tpu.dma_semaphore, #tpu.memory_space<semaphore_mem>>) src(%arg4 : memref<4096xf32, #tpu.memory_space<vmem>>) dst(%dma_wait3A_1147 : memref<4096xf32, #tpu.memory_space<hbm>>)
    %dma_wait3A_1148 = tpu.memref_slice %arg3[%add3A_386] : memref<33554432xf32, #tpu.memory_space<hbm>> -> memref<4096xf32, #tpu.memory_space<hbm>>
    %dma_wait3A_1149 = tpu.memref_slice %arg3[%add3A_386] : memref<33554432xf32, #tpu.memory_space<hbm>> -> memref<4096xf32, #tpu.memory_space<hbm>>
    tpu.wait_dma2 semaphore(%arg12 : memref<!tpu.dma_semaphore, #tpu.memory_space<semaphore_mem>>) src(%arg4 : memref<4096xf32, #tpu.memory_space<vmem>>) dst(%dma_wait3A_1149 : memref<4096xf32, #tpu.memory_space<hbm>>)
    %dma_wait3A_1150 = tpu.memref_slice %arg3[%add3A_390] : memref<33554432xf32, #tpu.memory_space<hbm>> -> memref<4096xf32, #tpu.memory_space<hbm>>
    %dma_wait3A_1151 = tpu.memref_slice %arg3[%add3A_390] : memref<33554432xf32, #tpu.memory_space<hbm>> -> memref<4096xf32, #tpu.memory_space<hbm>>
    tpu.wait_dma2 semaphore(%arg12 : memref<!tpu.dma_semaphore, #tpu.memory_space<semaphore_mem>>) src(%arg4 : memref<4096xf32, #tpu.memory_space<vmem>>) dst(%dma_wait3A_1151 : memref<4096xf32, #tpu.memory_space<hbm>>)
    %dma_wait3A_1152 = tpu.memref_slice %arg3[%add3A_394] : memref<33554432xf32, #tpu.memory_space<hbm>> -> memref<4096xf32, #tpu.memory_space<hbm>>
    %dma_wait3A_1153 = tpu.memref_slice %arg3[%add3A_394] : memref<33554432xf32, #tpu.memory_space<hbm>> -> memref<4096xf32, #tpu.memory_space<hbm>>
    tpu.wait_dma2 semaphore(%arg12 : memref<!tpu.dma_semaphore, #tpu.memory_space<semaphore_mem>>) src(%arg4 : memref<4096xf32, #tpu.memory_space<vmem>>) dst(%dma_wait3A_1153 : memref<4096xf32, #tpu.memory_space<hbm>>)
    %dma_wait3A_1154 = tpu.memref_slice %arg3[%add3A_398] : memref<33554432xf32, #tpu.memory_space<hbm>> -> memref<4096xf32, #tpu.memory_space<hbm>>
    %dma_wait3A_1155 = tpu.memref_slice %arg3[%add3A_398] : memref<33554432xf32, #tpu.memory_space<hbm>> -> memref<4096xf32, #tpu.memory_space<hbm>>
    tpu.wait_dma2 semaphore(%arg12 : memref<!tpu.dma_semaphore, #tpu.memory_space<semaphore_mem>>) src(%arg4 : memref<4096xf32, #tpu.memory_space<vmem>>) dst(%dma_wait3A_1155 : memref<4096xf32, #tpu.memory_space<hbm>>)
    %dma_wait3A_1156 = tpu.memref_slice %arg3[%add3A_402] : memref<33554432xf32, #tpu.memory_space<hbm>> -> memref<4096xf32, #tpu.memory_space<hbm>>
    %dma_wait3A_1157 = tpu.memref_slice %arg3[%add3A_402] : memref<33554432xf32, #tpu.memory_space<hbm>> -> memref<4096xf32, #tpu.memory_space<hbm>>
    tpu.wait_dma2 semaphore(%arg12 : memref<!tpu.dma_semaphore, #tpu.memory_space<semaphore_mem>>) src(%arg4 : memref<4096xf32, #tpu.memory_space<vmem>>) dst(%dma_wait3A_1157 : memref<4096xf32, #tpu.memory_space<hbm>>)
    %dma_wait3A_1158 = tpu.memref_slice %arg3[%add3A_406] : memref<33554432xf32, #tpu.memory_space<hbm>> -> memref<4096xf32, #tpu.memory_space<hbm>>
    %dma_wait3A_1159 = tpu.memref_slice %arg3[%add3A_406] : memref<33554432xf32, #tpu.memory_space<hbm>> -> memref<4096xf32, #tpu.memory_space<hbm>>
    tpu.wait_dma2 semaphore(%arg12 : memref<!tpu.dma_semaphore, #tpu.memory_space<semaphore_mem>>) src(%arg4 : memref<4096xf32, #tpu.memory_space<vmem>>) dst(%dma_wait3A_1159 : memref<4096xf32, #tpu.memory_space<hbm>>)
    %dma_wait3A_1160 = tpu.memref_slice %arg3[%add3A_410] : memref<33554432xf32, #tpu.memory_space<hbm>> -> memref<4096xf32, #tpu.memory_space<hbm>>
    %dma_wait3A_1161 = tpu.memref_slice %arg3[%add3A_410] : memref<33554432xf32, #tpu.memory_space<hbm>> -> memref<4096xf32, #tpu.memory_space<hbm>>
    tpu.wait_dma2 semaphore(%arg12 : memref<!tpu.dma_semaphore, #tpu.memory_space<semaphore_mem>>) src(%arg4 : memref<4096xf32, #tpu.memory_space<vmem>>) dst(%dma_wait3A_1161 : memref<4096xf32, #tpu.memory_space<hbm>>)
    %dma_wait3A_1162 = tpu.memref_slice %arg3[%add3A_414] : memref<33554432xf32, #tpu.memory_space<hbm>> -> memref<4096xf32, #tpu.memory_space<hbm>>
    %dma_wait3A_1163 = tpu.memref_slice %arg3[%add3A_414] : memref<33554432xf32, #tpu.memory_space<hbm>> -> memref<4096xf32, #tpu.memory_space<hbm>>
    tpu.wait_dma2 semaphore(%arg12 : memref<!tpu.dma_semaphore, #tpu.memory_space<semaphore_mem>>) src(%arg4 : memref<4096xf32, #tpu.memory_space<vmem>>) dst(%dma_wait3A_1163 : memref<4096xf32, #tpu.memory_space<hbm>>)
    %dma_wait3A_1164 = tpu.memref_slice %arg3[%add3A_418] : memref<33554432xf32, #tpu.memory_space<hbm>> -> memref<4096xf32, #tpu.memory_space<hbm>>
    %dma_wait3A_1165 = tpu.memref_slice %arg3[%add3A_418] : memref<33554432xf32, #tpu.memory_space<hbm>> -> memref<4096xf32, #tpu.memory_space<hbm>>
    tpu.wait_dma2 semaphore(%arg12 : memref<!tpu.dma_semaphore, #tpu.memory_space<semaphore_mem>>) src(%arg4 : memref<4096xf32, #tpu.memory_space<vmem>>) dst(%dma_wait3A_1165 : memref<4096xf32, #tpu.memory_space<hbm>>)
    %dma_wait3A_1166 = tpu.memref_slice %arg3[%add3A_422] : memref<33554432xf32, #tpu.memory_space<hbm>> -> memref<4096xf32, #tpu.memory_space<hbm>>
    %dma_wait3A_1167 = tpu.memref_slice %arg3[%add3A_422] : memref<33554432xf32, #tpu.memory_space<hbm>> -> memref<4096xf32, #tpu.memory_space<hbm>>
    tpu.wait_dma2 semaphore(%arg12 : memref<!tpu.dma_semaphore, #tpu.memory_space<semaphore_mem>>) src(%arg4 : memref<4096xf32, #tpu.memory_space<vmem>>) dst(%dma_wait3A_1167 : memref<4096xf32, #tpu.memory_space<hbm>>)
    %dma_wait3A_1168 = tpu.memref_slice %arg3[%add3A_426] : memref<33554432xf32, #tpu.memory_space<hbm>> -> memref<4096xf32, #tpu.memory_space<hbm>>
    %dma_wait3A_1169 = tpu.memref_slice %arg3[%add3A_426] : memref<33554432xf32, #tpu.memory_space<hbm>> -> memref<4096xf32, #tpu.memory_space<hbm>>
    tpu.wait_dma2 semaphore(%arg12 : memref<!tpu.dma_semaphore, #tpu.memory_space<semaphore_mem>>) src(%arg4 : memref<4096xf32, #tpu.memory_space<vmem>>) dst(%dma_wait3A_1169 : memref<4096xf32, #tpu.memory_space<hbm>>)
    %dma_wait3A_1170 = tpu.memref_slice %arg3[%add3A_430] : memref<33554432xf32, #tpu.memory_space<hbm>> -> memref<4096xf32, #tpu.memory_space<hbm>>
    %dma_wait3A_1171 = tpu.memref_slice %arg3[%add3A_430] : memref<33554432xf32, #tpu.memory_space<hbm>> -> memref<4096xf32, #tpu.memory_space<hbm>>
    tpu.wait_dma2 semaphore(%arg12 : memref<!tpu.dma_semaphore, #tpu.memory_space<semaphore_mem>>) src(%arg4 : memref<4096xf32, #tpu.memory_space<vmem>>) dst(%dma_wait3A_1171 : memref<4096xf32, #tpu.memory_space<hbm>>)
    %dma_wait3A_1172 = tpu.memref_slice %arg3[%add3A_434] : memref<33554432xf32, #tpu.memory_space<hbm>> -> memref<4096xf32, #tpu.memory_space<hbm>>
    %dma_wait3A_1173 = tpu.memref_slice %arg3[%add3A_434] : memref<33554432xf32, #tpu.memory_space<hbm>> -> memref<4096xf32, #tpu.memory_space<hbm>>
    tpu.wait_dma2 semaphore(%arg12 : memref<!tpu.dma_semaphore, #tpu.memory_space<semaphore_mem>>) src(%arg4 : memref<4096xf32, #tpu.memory_space<vmem>>) dst(%dma_wait3A_1173 : memref<4096xf32, #tpu.memory_space<hbm>>)
    %dma_wait3A_1174 = tpu.memref_slice %arg3[%add3A_438] : memref<33554432xf32, #tpu.memory_space<hbm>> -> memref<4096xf32, #tpu.memory_space<hbm>>
    %dma_wait3A_1175 = tpu.memref_slice %arg3[%add3A_438] : memref<33554432xf32, #tpu.memory_space<hbm>> -> memref<4096xf32, #tpu.memory_space<hbm>>
    tpu.wait_dma2 semaphore(%arg12 : memref<!tpu.dma_semaphore, #tpu.memory_space<semaphore_mem>>) src(%arg4 : memref<4096xf32, #tpu.memory_space<vmem>>) dst(%dma_wait3A_1175 : memref<4096xf32, #tpu.memory_space<hbm>>)
    %dma_wait3A_1176 = tpu.memref_slice %arg3[%add3A_442] : memref<33554432xf32, #tpu.memory_space<hbm>> -> memref<4096xf32, #tpu.memory_space<hbm>>
    %dma_wait3A_1177 = tpu.memref_slice %arg3[%add3A_442] : memref<33554432xf32, #tpu.memory_space<hbm>> -> memref<4096xf32, #tpu.memory_space<hbm>>
    tpu.wait_dma2 semaphore(%arg12 : memref<!tpu.dma_semaphore, #tpu.memory_space<semaphore_mem>>) src(%arg4 : memref<4096xf32, #tpu.memory_space<vmem>>) dst(%dma_wait3A_1177 : memref<4096xf32, #tpu.memory_space<hbm>>)
    %dma_wait3A_1178 = tpu.memref_slice %arg3[%add3A_446] : memref<33554432xf32, #tpu.memory_space<hbm>> -> memref<4096xf32, #tpu.memory_space<hbm>>
    %dma_wait3A_1179 = tpu.memref_slice %arg3[%add3A_446] : memref<33554432xf32, #tpu.memory_space<hbm>> -> memref<4096xf32, #tpu.memory_space<hbm>>
    tpu.wait_dma2 semaphore(%arg12 : memref<!tpu.dma_semaphore, #tpu.memory_space<semaphore_mem>>) src(%arg4 : memref<4096xf32, #tpu.memory_space<vmem>>) dst(%dma_wait3A_1179 : memref<4096xf32, #tpu.memory_space<hbm>>)
    %dma_wait3A_1180 = tpu.memref_slice %arg3[%add3A_450] : memref<33554432xf32, #tpu.memory_space<hbm>> -> memref<4096xf32, #tpu.memory_space<hbm>>
    %dma_wait3A_1181 = tpu.memref_slice %arg3[%add3A_450] : memref<33554432xf32, #tpu.memory_space<hbm>> -> memref<4096xf32, #tpu.memory_space<hbm>>
    tpu.wait_dma2 semaphore(%arg12 : memref<!tpu.dma_semaphore, #tpu.memory_space<semaphore_mem>>) src(%arg4 : memref<4096xf32, #tpu.memory_space<vmem>>) dst(%dma_wait3A_1181 : memref<4096xf32, #tpu.memory_space<hbm>>)
    %dma_wait3A_1182 = tpu.memref_slice %arg3[%add3A_454] : memref<33554432xf32, #tpu.memory_space<hbm>> -> memref<4096xf32, #tpu.memory_space<hbm>>
    %dma_wait3A_1183 = tpu.memref_slice %arg3[%add3A_454] : memref<33554432xf32, #tpu.memory_space<hbm>> -> memref<4096xf32, #tpu.memory_space<hbm>>
    tpu.wait_dma2 semaphore(%arg12 : memref<!tpu.dma_semaphore, #tpu.memory_space<semaphore_mem>>) src(%arg4 : memref<4096xf32, #tpu.memory_space<vmem>>) dst(%dma_wait3A_1183 : memref<4096xf32, #tpu.memory_space<hbm>>)
    %dma_wait3A_1184 = tpu.memref_slice %arg3[%add3A_458] : memref<33554432xf32, #tpu.memory_space<hbm>> -> memref<4096xf32, #tpu.memory_space<hbm>>
    %dma_wait3A_1185 = tpu.memref_slice %arg3[%add3A_458] : memref<33554432xf32, #tpu.memory_space<hbm>> -> memref<4096xf32, #tpu.memory_space<hbm>>
    tpu.wait_dma2 semaphore(%arg12 : memref<!tpu.dma_semaphore, #tpu.memory_space<semaphore_mem>>) src(%arg4 : memref<4096xf32, #tpu.memory_space<vmem>>) dst(%dma_wait3A_1185 : memref<4096xf32, #tpu.memory_space<hbm>>)
    %dma_wait3A_1186 = tpu.memref_slice %arg3[%add3A_462] : memref<33554432xf32, #tpu.memory_space<hbm>> -> memref<4096xf32, #tpu.memory_space<hbm>>
    %dma_wait3A_1187 = tpu.memref_slice %arg3[%add3A_462] : memref<33554432xf32, #tpu.memory_space<hbm>> -> memref<4096xf32, #tpu.memory_space<hbm>>
    tpu.wait_dma2 semaphore(%arg12 : memref<!tpu.dma_semaphore, #tpu.memory_space<semaphore_mem>>) src(%arg4 : memref<4096xf32, #tpu.memory_space<vmem>>) dst(%dma_wait3A_1187 : memref<4096xf32, #tpu.memory_space<hbm>>)
    %dma_wait3A_1188 = tpu.memref_slice %arg3[%add3A_466] : memref<33554432xf32, #tpu.memory_space<hbm>> -> memref<4096xf32, #tpu.memory_space<hbm>>
    %dma_wait3A_1189 = tpu.memref_slice %arg3[%add3A_466] : memref<33554432xf32, #tpu.memory_space<hbm>> -> memref<4096xf32, #tpu.memory_space<hbm>>
    tpu.wait_dma2 semaphore(%arg12 : memref<!tpu.dma_semaphore, #tpu.memory_space<semaphore_mem>>) src(%arg4 : memref<4096xf32, #tpu.memory_space<vmem>>) dst(%dma_wait3A_1189 : memref<4096xf32, #tpu.memory_space<hbm>>)
    %dma_wait3A_1190 = tpu.memref_slice %arg3[%add3A_470] : memref<33554432xf32, #tpu.memory_space<hbm>> -> memref<4096xf32, #tpu.memory_space<hbm>>
    %dma_wait3A_1191 = tpu.memref_slice %arg3[%add3A_470] : memref<33554432xf32, #tpu.memory_space<hbm>> -> memref<4096xf32, #tpu.memory_space<hbm>>
    tpu.wait_dma2 semaphore(%arg12 : memref<!tpu.dma_semaphore, #tpu.memory_space<semaphore_mem>>) src(%arg4 : memref<4096xf32, #tpu.memory_space<vmem>>) dst(%dma_wait3A_1191 : memref<4096xf32, #tpu.memory_space<hbm>>)
    %dma_wait3A_1192 = tpu.memref_slice %arg3[%add3A_474] : memref<33554432xf32, #tpu.memory_space<hbm>> -> memref<4096xf32, #tpu.memory_space<hbm>>
    %dma_wait3A_1193 = tpu.memref_slice %arg3[%add3A_474] : memref<33554432xf32, #tpu.memory_space<hbm>> -> memref<4096xf32, #tpu.memory_space<hbm>>
    tpu.wait_dma2 semaphore(%arg12 : memref<!tpu.dma_semaphore, #tpu.memory_space<semaphore_mem>>) src(%arg4 : memref<4096xf32, #tpu.memory_space<vmem>>) dst(%dma_wait3A_1193 : memref<4096xf32, #tpu.memory_space<hbm>>)
    %dma_wait3A_1194 = tpu.memref_slice %arg3[%add3A_478] : memref<33554432xf32, #tpu.memory_space<hbm>> -> memref<4096xf32, #tpu.memory_space<hbm>>
    %dma_wait3A_1195 = tpu.memref_slice %arg3[%add3A_478] : memref<33554432xf32, #tpu.memory_space<hbm>> -> memref<4096xf32, #tpu.memory_space<hbm>>
    tpu.wait_dma2 semaphore(%arg12 : memref<!tpu.dma_semaphore, #tpu.memory_space<semaphore_mem>>) src(%arg4 : memref<4096xf32, #tpu.memory_space<vmem>>) dst(%dma_wait3A_1195 : memref<4096xf32, #tpu.memory_space<hbm>>)
    %dma_wait3A_1196 = tpu.memref_slice %arg3[%add3A_482] : memref<33554432xf32, #tpu.memory_space<hbm>> -> memref<4096xf32, #tpu.memory_space<hbm>>
    %dma_wait3A_1197 = tpu.memref_slice %arg3[%add3A_482] : memref<33554432xf32, #tpu.memory_space<hbm>> -> memref<4096xf32, #tpu.memory_space<hbm>>
    tpu.wait_dma2 semaphore(%arg12 : memref<!tpu.dma_semaphore, #tpu.memory_space<semaphore_mem>>) src(%arg4 : memref<4096xf32, #tpu.memory_space<vmem>>) dst(%dma_wait3A_1197 : memref<4096xf32, #tpu.memory_space<hbm>>)
    %dma_wait3A_1198 = tpu.memref_slice %arg3[%add3A_486] : memref<33554432xf32, #tpu.memory_space<hbm>> -> memref<4096xf32, #tpu.memory_space<hbm>>
    %dma_wait3A_1199 = tpu.memref_slice %arg3[%add3A_486] : memref<33554432xf32, #tpu.memory_space<hbm>> -> memref<4096xf32, #tpu.memory_space<hbm>>
    tpu.wait_dma2 semaphore(%arg12 : memref<!tpu.dma_semaphore, #tpu.memory_space<semaphore_mem>>) src(%arg4 : memref<4096xf32, #tpu.memory_space<vmem>>) dst(%dma_wait3A_1199 : memref<4096xf32, #tpu.memory_space<hbm>>)
    %dma_wait3A_1200 = tpu.memref_slice %arg3[%add3A_490] : memref<33554432xf32, #tpu.memory_space<hbm>> -> memref<4096xf32, #tpu.memory_space<hbm>>
    %dma_wait3A_1201 = tpu.memref_slice %arg3[%add3A_490] : memref<33554432xf32, #tpu.memory_space<hbm>> -> memref<4096xf32, #tpu.memory_space<hbm>>
    tpu.wait_dma2 semaphore(%arg12 : memref<!tpu.dma_semaphore, #tpu.memory_space<semaphore_mem>>) src(%arg4 : memref<4096xf32, #tpu.memory_space<vmem>>) dst(%dma_wait3A_1201 : memref<4096xf32, #tpu.memory_space<hbm>>)
    %dma_wait3A_1202 = tpu.memref_slice %arg3[%add3A_494] : memref<33554432xf32, #tpu.memory_space<hbm>> -> memref<4096xf32, #tpu.memory_space<hbm>>
    %dma_wait3A_1203 = tpu.memref_slice %arg3[%add3A_494] : memref<33554432xf32, #tpu.memory_space<hbm>> -> memref<4096xf32, #tpu.memory_space<hbm>>
    tpu.wait_dma2 semaphore(%arg12 : memref<!tpu.dma_semaphore, #tpu.memory_space<semaphore_mem>>) src(%arg4 : memref<4096xf32, #tpu.memory_space<vmem>>) dst(%dma_wait3A_1203 : memref<4096xf32, #tpu.memory_space<hbm>>)
    %dma_wait3A_1204 = tpu.memref_slice %arg3[%add3A_498] : memref<33554432xf32, #tpu.memory_space<hbm>> -> memref<4096xf32, #tpu.memory_space<hbm>>
    %dma_wait3A_1205 = tpu.memref_slice %arg3[%add3A_498] : memref<33554432xf32, #tpu.memory_space<hbm>> -> memref<4096xf32, #tpu.memory_space<hbm>>
    tpu.wait_dma2 semaphore(%arg12 : memref<!tpu.dma_semaphore, #tpu.memory_space<semaphore_mem>>) src(%arg4 : memref<4096xf32, #tpu.memory_space<vmem>>) dst(%dma_wait3A_1205 : memref<4096xf32, #tpu.memory_space<hbm>>)
    %dma_wait3A_1206 = tpu.memref_slice %arg3[%add3A_502] : memref<33554432xf32, #tpu.memory_space<hbm>> -> memref<4096xf32, #tpu.memory_space<hbm>>
    %dma_wait3A_1207 = tpu.memref_slice %arg3[%add3A_502] : memref<33554432xf32, #tpu.memory_space<hbm>> -> memref<4096xf32, #tpu.memory_space<hbm>>
    tpu.wait_dma2 semaphore(%arg12 : memref<!tpu.dma_semaphore, #tpu.memory_space<semaphore_mem>>) src(%arg4 : memref<4096xf32, #tpu.memory_space<vmem>>) dst(%dma_wait3A_1207 : memref<4096xf32, #tpu.memory_space<hbm>>)
    %dma_wait3A_1208 = tpu.memref_slice %arg3[%add3A_506] : memref<33554432xf32, #tpu.memory_space<hbm>> -> memref<4096xf32, #tpu.memory_space<hbm>>
    %dma_wait3A_1209 = tpu.memref_slice %arg3[%add3A_506] : memref<33554432xf32, #tpu.memory_space<hbm>> -> memref<4096xf32, #tpu.memory_space<hbm>>
    tpu.wait_dma2 semaphore(%arg12 : memref<!tpu.dma_semaphore, #tpu.memory_space<semaphore_mem>>) src(%arg4 : memref<4096xf32, #tpu.memory_space<vmem>>) dst(%dma_wait3A_1209 : memref<4096xf32, #tpu.memory_space<hbm>>)
    %dma_wait3A_1210 = tpu.memref_slice %arg3[%add3A_510] : memref<33554432xf32, #tpu.memory_space<hbm>> -> memref<4096xf32, #tpu.memory_space<hbm>>
    %dma_wait3A_1211 = tpu.memref_slice %arg3[%add3A_510] : memref<33554432xf32, #tpu.memory_space<hbm>> -> memref<4096xf32, #tpu.memory_space<hbm>>
    tpu.wait_dma2 semaphore(%arg12 : memref<!tpu.dma_semaphore, #tpu.memory_space<semaphore_mem>>) src(%arg4 : memref<4096xf32, #tpu.memory_space<vmem>>) dst(%dma_wait3A_1211 : memref<4096xf32, #tpu.memory_space<hbm>>)
    %dma_wait3A_1212 = tpu.memref_slice %arg3[%add3A_514] : memref<33554432xf32, #tpu.memory_space<hbm>> -> memref<4096xf32, #tpu.memory_space<hbm>>
    %dma_wait3A_1213 = tpu.memref_slice %arg3[%add3A_514] : memref<33554432xf32, #tpu.memory_space<hbm>> -> memref<4096xf32, #tpu.memory_space<hbm>>
    tpu.wait_dma2 semaphore(%arg12 : memref<!tpu.dma_semaphore, #tpu.memory_space<semaphore_mem>>) src(%arg4 : memref<4096xf32, #tpu.memory_space<vmem>>) dst(%dma_wait3A_1213 : memref<4096xf32, #tpu.memory_space<hbm>>)
    %dma_wait3A_1214 = tpu.memref_slice %arg3[%add3A_518] : memref<33554432xf32, #tpu.memory_space<hbm>> -> memref<4096xf32, #tpu.memory_space<hbm>>
    %dma_wait3A_1215 = tpu.memref_slice %arg3[%add3A_518] : memref<33554432xf32, #tpu.memory_space<hbm>> -> memref<4096xf32, #tpu.memory_space<hbm>>
    tpu.wait_dma2 semaphore(%arg12 : memref<!tpu.dma_semaphore, #tpu.memory_space<semaphore_mem>>) src(%arg4 : memref<4096xf32, #tpu.memory_space<vmem>>) dst(%dma_wait3A_1215 : memref<4096xf32, #tpu.memory_space<hbm>>)
    %dma_wait3A_1216 = tpu.memref_slice %arg3[%add3A_522] : memref<33554432xf32, #tpu.memory_space<hbm>> -> memref<4096xf32, #tpu.memory_space<hbm>>
    %dma_wait3A_1217 = tpu.memref_slice %arg3[%add3A_522] : memref<33554432xf32, #tpu.memory_space<hbm>> -> memref<4096xf32, #tpu.memory_space<hbm>>
    tpu.wait_dma2 semaphore(%arg12 : memref<!tpu.dma_semaphore, #tpu.memory_space<semaphore_mem>>) src(%arg4 : memref<4096xf32, #tpu.memory_space<vmem>>) dst(%dma_wait3A_1217 : memref<4096xf32, #tpu.memory_space<hbm>>)
    %dma_wait3A_1218 = tpu.memref_slice %arg3[%add3A_526] : memref<33554432xf32, #tpu.memory_space<hbm>> -> memref<4096xf32, #tpu.memory_space<hbm>>
    %dma_wait3A_1219 = tpu.memref_slice %arg3[%add3A_526] : memref<33554432xf32, #tpu.memory_space<hbm>> -> memref<4096xf32, #tpu.memory_space<hbm>>
    tpu.wait_dma2 semaphore(%arg12 : memref<!tpu.dma_semaphore, #tpu.memory_space<semaphore_mem>>) src(%arg4 : memref<4096xf32, #tpu.memory_space<vmem>>) dst(%dma_wait3A_1219 : memref<4096xf32, #tpu.memory_space<hbm>>)
    %dma_wait3A_1220 = tpu.memref_slice %arg3[%add3A_530] : memref<33554432xf32, #tpu.memory_space<hbm>> -> memref<4096xf32, #tpu.memory_space<hbm>>
    %dma_wait3A_1221 = tpu.memref_slice %arg3[%add3A_530] : memref<33554432xf32, #tpu.memory_space<hbm>> -> memref<4096xf32, #tpu.memory_space<hbm>>
    tpu.wait_dma2 semaphore(%arg12 : memref<!tpu.dma_semaphore, #tpu.memory_space<semaphore_mem>>) src(%arg4 : memref<4096xf32, #tpu.memory_space<vmem>>) dst(%dma_wait3A_1221 : memref<4096xf32, #tpu.memory_space<hbm>>)
    return
  }
}

</mosaic_0001>

<sc_bundles>
// kernel: kernel.3.cloned.1.call-start
scs
__scs_entry_jumppad:
0x0: {  	(pc) =	sbr.rel $0x88, $3  }
0x1: {  	(tag) =	ssettag $0x0;
	lr =	simm.s32 $0x1  }
0x2: {  	[smem:$0x3FA0] =	sst lr;
	_ =	strace $0xD0000000  }
0x3: {  	_ = 	snop  }
0x4: {  	_ = 	snop  }
0x5: {  	_ = 	snop  }
0x6: {  	_ = 	snop  }
0x7: {  	_ = 	snop  }
__scs_overlays_trampoline_lowered:
0x8: {  	[smem:$0x3FAF] =	sst s0  }
0x9: {  	[smem:$0x3FB0] =	sst s1  }
0xa: {  	[smem:$0x3FB1] =	sst s2  }
0xb: {  	[smem:$0x3FB2] =	sst s3  }
0xc: {  	[smem:$0x3FB3] =	sst s4  }
0xd: {  	[smem:$0x3FB4] =	sst s5  }
0xe: {  	[smem:$0x3FB5] =	sst s6  }
0xf: {  	[smem:$0x3FB6] =	sst s7  }
0x10: {  	[smem:$0x3FB7] =	sst s8  }
0x11: {  	[smem:$0x3FB8] =	sst s9;
	s0 =	simm.s32 @!p0 $0x0  }
0x12: {  	s1 =	sld [smem:$0x3F9E];
	s0 =	simm.s32 @p0 $0x1  }
0x13: {  	[smem:$0x3FB9] =	sst s0;
	s0 =	simm.s32 @!p1 $0x0  }
0x14: {  	s2 =	sld [smem:$0x3F9D];
	s0 =	simm.s32 @p1 $0x1  }
0x15: {  	[smem:$0x3FBA] =	sst s0;
	s0 =	simm.s32 @!p2 $0x0  }
0x16: {  	s3 =	sld [smem:$0x3FDB];
	s0 =	simm.s32 @p2 $0x1  }
0x17: {  	s4 =	simm.s32 $0x1BF5;
	[smem:$0x3FBC] =	sst s0  }
0x18: {  	s0 =	sld [smem:$0x3F9F];
	_ =	swait.ge [sflag:s4], $0x0  }
0x19: {  	s7 =	sld [smem:$0x3FA0]  }
0x1a: {  	s8 =	sadd.s32 $0xFFFFE003, lr  }
0x1b: {  	s9 =	sadd.s32 $0xFFFFFEF7, lr;
	s5 =	simm.s32 $0xFFFFFFFF;
	p2 =	slt.u32 s8, $0xFFFFF086  }
0x1c: {  	p1 =	slt.u32 s9, $0xF7A;
	s5 =	simm.s32 @!p2 $0x0  }
0x1d: {  	s5 =	simm.s32 @p1 $0x1;
	p0 =	seq.s32 s7, s2  }
0x1e: {  	s7 =	smul.u32 @!p0 $0xF7A, s2;
	p2 =	seq.s32 @!p0 s5, $0x0  }
0x1f: {  	s9 =	smul.u32 $0xF7A, s1;
	s8 =	simm.s32 @!p0 $0x1BF5;
	p2 =	por !p2, p0  }
0x20: {  	[sflag:s8] =	ssyncset.s32 @!p0 $0xFFFFF086;
	s6 =	sadd.s32 @!p0 s3, s7;
	s7 =	simm.s32 @!p0 $0x108  }
0x21: {  	s3 =	sadd.s32 s3, s9;
	s6 =	sadd.s32 @!p0 $0x88, s6;
	s7 =	simm.s32 @p2 $0x1082  }
0x22: {  	[simem:s7], [sflag:s8] =	dma.local @!p0 [hbm:s6], $0xF7A  }
0x23: {  	s9 =	sor.u32 $0xD0000000, s2;
	s6 =	simm.s32 $0x108;
	_ =	swait.ge @!p0 [sflag:s8], $0x0  }
0x24: {  	s3 =	sadd.s32 $0x88, s3;
	s6 =	simm.s32 @!p1 $0x1082;
	[sflag:s4] =	ssyncset.s32 $0xFFFFF086  }
0x25: {  	[simem:s6], [sflag:s4] =	dma.local [hbm:s3], $0xF7A  }
0x26: {  	[smem:$0x3FA0] =	sst s1;
	(tag) =	ssettag s2;
	_ =	strace s9  }
0x27: {  	s1 =	sld [smem:$0x3FB0]  }
0x28: {  	s2 =	sld [smem:$0x3FB1]  }
0x29: {  	s4 =	sld [smem:$0x3FB3]  }
0x2a: {  	p0 =	seq.s32 s5, $0x0;
	s5 =	sld [smem:$0x3FB4]  }
0x2b: {  	s6 =	sld [smem:$0x3FB5]  }
0x2c: {  	s7 =	sld [smem:$0x3FB6]  }
0x2d: {  	s3 =	simm.s32 $0x108;
	s8 =	sld [smem:$0x3FB7]  }
0x2e: {  	s3 =	simm.s32 @!p0 $0x1082;
	s9 =	sld [smem:$0x3FB8]  }
0x2f: {  	lr =	sadd.s32 s0, s3;
	s0 =	sld [smem:$0x3FAF]  }
0x30: {  	s3 =	sld [smem:$0x3FB2]  }
0x31: {  	[smem:$0x3FBB] =	sst s10  }
0x32: {  	s10 =	sld [smem:$0x3FB9];
	_ =	sdelay $0x3  }
0x33: {  	p0 =	seq.s32 s10, $0x1;
	s10 =	sld [smem:$0x3FBB];
	_ =	sdelay $0x3  }
0x34: {  	[smem:$0x3FBB] =	sst s10  }
0x35: {  	s10 =	sld [smem:$0x3FBA];
	_ =	sdelay $0x3  }
0x36: {  	p1 =	seq.s32 s10, $0x1;
	s10 =	sld [smem:$0x3FBB];
	_ =	sdelay $0x3  }
0x37: {  	[smem:$0x3FBB] =	sst s10  }
0x38: {  	s10 =	sld [smem:$0x3FBC]  }
0x39: {  	_ = 	snop;
	(pc) =	sbr.ind lr, $3  }
0x3a: {  	_ = 	snop  }
0x3b: {  	_ = 	snop  }
0x3c: {  	p2 =	seq.s32 s10, $0x1;
	s10 =	sld [smem:$0x3FBB]  }
0x3d: {  	_ =	shalt  }
0x3e: {  	_ =	shalt  }
0x3f: {  	_ =	shalt  }
0x40: {  	_ =	shalt  }
0x41: {  	_ =	shalt  }
0x42: {  	_ =	shalt  }
0x43: {  	_ =	shalt  }
0x44: {  	_ =	shalt  }
0x45: {  	_ =	shalt  }
0x46: {  	_ =	shalt  }
0x47: {  	_ =	shalt  }
0x48: {  	_ =	shalt  }
0x49: {  	_ =	shalt  }
0x4a: {  	_ =	shalt  }
0x4b: {  	_ =	shalt  }
0x4c: {  	_ =	shalt  }
0x4d: {  	_ =	shalt  }
0x4e: {  	_ =	shalt  }
0x4f: {  	_ =	shalt  }
0x50: {  	_ =	shalt  }
0x51: {  	_ =	shalt  }
0x52: {  	_ =	shalt  }
0x53: {  	_ =	shalt  }
0x54: {  	_ =	shalt  }
0x55: {  	_ =	shalt  }
0x56: {  	_ =	shalt  }
0x57: {  	_ =	shalt  }
0x58: {  	_ =	shalt  }
0x59: {  	_ =	shalt  }
0x5a: {  	_ =	shalt  }
0x5b: {  	_ =	shalt  }
0x5c: {  	_ =	shalt  }
0x5d: {  	_ =	shalt  }
0x5e: {  	_ =	shalt  }
0x5f: {  	_ =	shalt  }
0x60: {  	_ =	shalt  }
0x61: {  	_ =	shalt  }
0x62: {  	_ =	shalt  }
0x63: {  	_ =	shalt  }
0x64: {  	_ =	shalt  }
0x65: {  	_ =	shalt  }
0x66: {  	_ =	shalt  }
0x67: {  	_ =	shalt  }
0x68: {  	_ =	shalt  }
0x69: {  	_ =	shalt  }
0x6a: {  	_ =	shalt  }
0x6b: {  	_ =	shalt  }
0x6c: {  	_ =	shalt  }
0x6d: {  	_ =	shalt  }
0x6e: {  	_ =	shalt  }
0x6f: {  	_ =	shalt  }
0x70: {  	_ =	shalt  }
0x71: {  	_ =	shalt  }
0x72: {  	_ =	shalt  }
0x73: {  	_ =	shalt  }
0x74: {  	_ =	shalt  }
0x75: {  	_ =	shalt  }
0x76: {  	_ =	shalt  }
0x77: {  	_ =	shalt  }
0x78: {  	_ =	shalt  }
0x79: {  	_ =	shalt  }
0x7a: {  	_ =	shalt  }
0x7b: {  	_ =	shalt  }
0x7c: {  	_ =	shalt  }
0x7d: {  	_ =	shalt  }
0x7e: {  	_ =	shalt  }
0x7f: {  	_ =	shalt  }
0x80: {  	_ =	shalt  }
0x81: {  	_ =	shalt  }
0x82: {  	_ =	shalt  }
0x83: {  	_ =	shalt  }
0x84: {  	_ =	shalt  }
0x85: {  	_ =	shalt  }
0x86: {  	_ =	shalt  }
0x87: {  	_ =	shalt  }
.Lfunc_end0:
.L_simem_size_0:
called_computation_lowered:
.L_overlay_start_0:
0x88: {  	s2 =	sld [smem:$0x3FD9]  }
0x89: {  	s3 =	sld [smem:$0x3FFE];
	_ =	sdelay $0x1  }
0x8a: {  	s1 =	srdreg.scid  }
0x8b: {  	s0 =	sand.u32 $0x1, s1  }
0x8c: {  	s18 =	sshll.u32 s0, $0xA;
	s2 =	sadd.s32 s3, s2  }
0x8d: {  	s2 =	sadd.s32 s2, s18  }
0x8e: {  	[smem:$0x3FC7] =	sst s2  }
0x8f: {  	_ = 	snop  }
0x90: {  	s2 =	sld [smem:$0x3FC9]  }
0x91: {  	s19 =	sld [smem:$0x3FD0];
	(tm) =	ssettm $0x1  }
0x92: {  	s4 =	sld [smem:$0x3FFB];
	_ =	sdelay $0x3  }
0x93: {  	_ =	strace s4  }
0x94: {  	s4 =	sld [smem:$0x3FFC];
	_ =	sdelay $0x3  }
0x95: {  	_ =	strace s4  }
0x96: {  	s4 =	sld [smem:$0x3FFD];
	_ =	sdelay $0x3  }
0x97: {  	_ =	strace s4  }
0x98: {  	_ =	strace $0x8FFFFFFF  }
0x99: {  	s20 =	sld [smem:$0x3FDB];
	_ =	sdelay $0x1  }
0x9a: {  	s5 =	simm.s32 $_scs_section_size  }
0x9b: {  	s6 =	simm.s32 $_size__tile_overlayer_lowered;
	s7 =	simm.s32 $_tile_overlayer_lowered  }
0x9c: {  	s23 =	simm.s32 $0x1BFF;
	s22 =	sshll.u32 s7, $0x1;
	s4 =	sadd.s32 s5, s20  }
0x9d: {  	s8 =	simm.s32 $0x0;
	s21 =	sshll.u32 s6, $0x1;
	s6 =	sadd.s32 s22, s4  }
0x9e: {  	[timem:s8], [sflag:s23] =	dma.local [hbm:s6], s21  }
0x9f: {  	_ =	swait.ge [sflag:s23], s21  }
0xa0: {  	s5 =	ssub.s32 $0x0, s21;
	[sflag:s23] =	ssyncset.done $0x0  }
0xa1: {  	[sflag:s23] =	ssyncadd.s32 s5;
	_ =	sdelay $0x1  }
0xa2: {  	s24 =	simm.s32 $0x1B8B  }
0xa3: {  	_ =	swait.ge [sflag:s24], $0x1  }
0xa4: {  	[sflag:s24] =	ssyncset.done $0x0  }
0xa5: {  	s25 =	simm.s32 $0x1B8E;
	[sflag:s24] =	ssyncadd.s32 $0xFFFFFFFF  }
0xa6: {  	s26 =	simm.s32 $execute0_lowered;
	[smem:$0x3FD2] =	sst s25  }
0xa7: {  	s5 =	sshll.u32 s26, $0x1;
	_ =	strace $0x80000046;
	[dreg:$0x1] =	wrdreg $0xFFFFFFFF  }
0xa8: {  	s28 =	simm.s32 $_size_execute0_lowered;
	s4 =	sadd.s32 s4, s5;
	[dreg:$0x0] =	wrdreg $0x0  }
0xa9: {  	s5 =	sshll.u32 s28, $0x1;
	[dreg:$0x2] =	wrdreg s4  }
0xaa: {  	[dreg:$0x3] =	wrdreg s5  }
0xab: {  	[dreg:$0x4] =	wrdreg $0xC0  }
0xac: {  	_ =	task [dreg:s8], $0x5FFFF  }
0xad: {  	[dreg:$0x1] =	wrdreg $0xFFFFFFFF  }
0xae: {  	[dreg:$0x0] =	wrdreg $0x60  }
0xaf: {  	[dreg:$0x2] =	wrdreg s2  }
0xb0: {  	[dreg:$0x3] =	wrdreg s19  }
0xb1: {  	[dreg:$0x4] =	wrdreg $0x9  }
0xb2: {  	_ =	task.clear_ibuf [dreg:s8], $0x5FFFF;
	_ =	strace $0x90000046  }
0xb3: {  	s29 =	simm.s32 $0x9;
	_ =	strace $0x80000048  }
0xb4: {  	_ =	swait.ge [sflag:s29], $0x1  }
0xb5: {  	[sflag:s29] =	ssyncadd.s32 $0xFFFFFFFF  }
0xb6: {  	_ =	strace $0x90000048  }
0xb7: {  	_ =	sfence  }
0xb8: {  	s30 =	sld [smem:$0x0];
	_ =	sdelay $0x2  }
0xb9: {  	s31 =	sshll.u32 s1, $0xD;
	s1 =	sshrl.u32 s1, $0x2  }
0xba: {  	s3 =	sand.u32 $0x4000, s31;
	s1 =	sadd.s32 s1, s30  }
0xbb: {  	s0 =	sor.u32 s3, s0;
	s1 =	sshll.u32 s1, $0x11  }
0xbc: {  	s0 =	sor.u32 s1, s0  }
0xbd: {  	s0 =	sadd.s32 $0x8F2B, s0  }
0xbe: {  	[sflag:s0] =	ssyncadd.remote.s32 $0x1  }
0xbf: {  	_ =	sfence.sel $0xFFFF  }
0xc0: {  	[dreg:$0x0] =	wrdreg $0xFFFFFFFF;
	(pc) =	sbr.abs _section_cstart, $3  }
0xc1: {  	[dreg:$0x1] =	wrdreg $0xFFFFFFFF  }
0xc2: {  	_ =	task.clear_ibuf [dreg:s8], $0x2FFFF;
	_ =	strace $0x9FFFFFFF  }
0xc3: {  	(tm) =	ssettm $0x7FFFFFFF  }
tec
execute0_lowered:
.L_overlay_start_1:
0x0: {  	(tag) =	ssettag $0x1  }
0x1: {  	s1 =	srdreg.scid  }
0x2: {  	s3 =	stileid.u32;
	s4 =	sand.u32 $0x1, s1  }
0x3: {  	s26 =	sshll.u32 s3, $0x11;
	s29 =	sshll.u32 s4, $0x10  }
0x4: {  	s13 =	rddreg [dreg:$0x1];
	s7 =	sor.u32 s29, s26  }
0x5: {  	s0 =	rddreg [dreg:$0x0];
	s2 =	simm.s32 $0x0;
	s3 =	sadd.s32 s13, s7  }
0x6: {  	[smem:$0x7FF] =	sst s2;
	s6 =	sadd.s32 $0x200200, s3  }
0x7: {  	_ =	strace $0x80000047;
	s30 =	sadd.s32 $0x200400, s3;
	[dreg:$0x3] =	wrdreg s6  }
0x8: {  	s8 =	sadd.s32 $0x200600, s3;
	[dreg:$0x4] =	wrdreg s30  }
0x9: {  	s9 =	sadd.s32 $0x200800, s3;
	[dreg:$0x5] =	wrdreg s8  }
0xa: {  	s10 =	sadd.s32 $0x200A00, s3;
	[dreg:$0x6] =	wrdreg s9  }
0xb: {  	s11 =	sadd.s32 $0x200C00, s3;
	[dreg:$0x7] =	wrdreg s10  }
0xc: {  	s12 =	sadd.s32 $0x200E00, s3;
	[dreg:$0x8] =	wrdreg s11  }
0xd: {  	s14 =	sadd.s32 $0x200000, s3;
	[dreg:$0x9] =	wrdreg s12  }
0xe: {  	s15 =	sadd.s32 $0x201000, s3;
	[dreg:$0xa] =	wrdreg s14  }
0xf: {  	s16 =	sadd.s32 $0x201200, s3;
	[dreg:$0xb] =	wrdreg s15  }
0x10: {  	s17 =	sadd.s32 $0x201400, s3;
	[dreg:$0xc] =	wrdreg s16  }
0x11: {  	s18 =	sadd.s32 $0x201600, s3;
	[dreg:$0xd] =	wrdreg s17  }
0x12: {  	s19 =	sadd.s32 $0x201800, s3;
	[dreg:$0xe] =	wrdreg s18  }
0x13: {  	s20 =	sadd.s32 $0x201A00, s3;
	[dreg:$0xf] =	wrdreg s19  }
0x14: {  	s21 =	sadd.s32 $0x201C00, s3;
	[dreg:$0x10] =	wrdreg s20  }
0x15: {  	s22 =	sadd.s32 $0x201E00, s3;
	[dreg:$0x11] =	wrdreg s21  }
0x16: {  	s23 =	sadd.s32 $0x202200, s3;
	[dreg:$0x12] =	wrdreg s22  }
0x17: {  	s24 =	sadd.s32 $0x202400, s3;
	[dreg:$0x13] =	wrdreg s23  }
0x18: {  	s25 =	sadd.s32 $0x202600, s3;
	[dreg:$0x14] =	wrdreg s24  }
0x19: {  	s26 =	sadd.s32 $0x202800, s3;
	[dreg:$0x15] =	wrdreg s25  }
0x1a: {  	s29 =	sadd.s32 $0x202A00, s3;
	[dreg:$0x16] =	wrdreg s26  }
0x1b: {  	[dreg:$0x17] =	wrdreg s29;
	s30 =	sadd.s32 $0x202C00, s3  }
0x1c: {  	s8 =	sadd.s32 $0x202000, s3;
	[dreg:$0x18] =	wrdreg s30  }
0x1d: {  	s9 =	sadd.s32 $0x202E00, s3;
	[dreg:$0x19] =	wrdreg s8  }
0x1e: {  	s10 =	sadd.s32 $0x203000, s3;
	[dreg:$0x1a] =	wrdreg s9  }
0x1f: {  	s11 =	sadd.s32 $0x203200, s3;
	[dreg:$0x1b] =	wrdreg s10  }
0x20: {  	s12 =	sadd.s32 $0x203400, s3;
	[dreg:$0x1c] =	wrdreg s11  }
0x21: {  	s14 =	sadd.s32 $0x203600, s3;
	[dreg:$0x1d] =	wrdreg s12  }
0x22: {  	s15 =	sadd.s32 $0x203800, s3;
	[dreg:$0x1e] =	wrdreg s14  }
0x23: {  	s16 =	sadd.s32 $0x203A00, s3;
	[dreg:$0x1f] =	wrdreg s15  }
0x24: {  	s17 =	sadd.s32 $0x203C00, s3;
	[smem:$0x78D] =	sst s16  }
0x25: {  	s18 =	sadd.s32 $0x203E00, s3;
	[smem:$0x78E] =	sst s17  }
0x26: {  	s19 =	sadd.s32 $0x204200, s3;
	[smem:$0x78F] =	sst s18  }
0x27: {  	s20 =	sadd.s32 $0x204400, s3;
	[smem:$0x790] =	sst s19  }
0x28: {  	s21 =	sadd.s32 $0x204600, s3;
	[smem:$0x791] =	sst s20  }
0x29: {  	s22 =	sadd.s32 $0x204800, s3;
	[smem:$0x792] =	sst s21  }
0x2a: {  	s23 =	sadd.s32 $0x204A00, s3;
	[smem:$0x793] =	sst s22  }
0x2b: {  	s24 =	sadd.s32 $0x204C00, s3;
	[smem:$0x794] =	sst s23  }
0x2c: {  	s25 =	sadd.s32 $0x204E00, s3;
	[smem:$0x795] =	sst s24  }
0x2d: {  	s26 =	sadd.s32 $0x204000, s3;
	[smem:$0x796] =	sst s25  }
0x2e: {  	s29 =	sadd.s32 $0x205000, s3;
	[smem:$0x797] =	sst s26  }
0x2f: {  	[smem:$0x798] =	sst s29;
	s30 =	sadd.s32 $0x205200, s3  }
0x30: {  	s8 =	sadd.s32 $0x205400, s3;
	[smem:$0x799] =	sst s30  }
0x31: {  	s9 =	sadd.s32 $0x205600, s3;
	[smem:$0x79A] =	sst s8  }
0x32: {  	s10 =	sadd.s32 $0x205800, s3;
	[smem:$0x79B] =	sst s9  }
0x33: {  	s11 =	sadd.s32 $0x205A00, s3;
	[smem:$0x79C] =	sst s10  }
0x34: {  	s12 =	sadd.s32 $0x205C00, s3;
	[smem:$0x79D] =	sst s11  }
0x35: {  	s14 =	sadd.s32 $0x205E00, s3;
	[smem:$0x79E] =	sst s12  }
0x36: {  	s15 =	sadd.s32 $0x206200, s3;
	[smem:$0x79F] =	sst s14  }
0x37: {  	s16 =	sadd.s32 $0x206400, s3;
	[smem:$0x7A0] =	sst s15  }
0x38: {  	s17 =	sadd.s32 $0x206600, s3;
	[smem:$0x7A1] =	sst s16  }
0x39: {  	s18 =	sadd.s32 $0x206800, s3;
	[smem:$0x7A2] =	sst s17  }
0x3a: {  	s20 =	sadd.s32 $0x206C00, s3;
	[smem:$0x7A3] =	sst s18  }
0x3b: {  	s21 =	sadd.s32 $0x206E00, s3;
	[smem:$0x7A5] =	sst s20  }
0x3c: {  	s22 =	sadd.s32 $0x207200, s3;
	[smem:$0x7A6] =	sst s21  }
0x3d: {  	s4 =	ssub.s32 $0x2, s4;
	s23 =	sadd.s32 $0x206000, s3;
	[smem:$0x7A7] =	sst s22  }
0x3e: {  	s5 =	sor.u32 $0x1000, s7;
	s24 =	sadd.s32 $0x207400, s3;
	[smem:$0x7A8] =	sst s23  }
0x3f: {  	s1 =	sor.u32 $0x2000, s7;
	s25 =	sadd.s32 $0x207600, s3;
	[smem:$0x7A9] =	sst s24  }
0x40: {  	s6 =	sor.u32 $0xC000, s7;
	s26 =	sadd.s32 $0x207800, s3;
	[smem:$0x7AB] =	sst s25  }
0x41: {  	s19 =	sshrl.u32 s4, $0x1;
	s29 =	sadd.s32 s0, s5;
	[smem:$0x7AC] =	sst s26  }
0x42: {  	s5 =	sadd.s32 s13, s5;
	s8 =	sadd.s32 $0x206A00, s3;
	[smem:$0x7AD] =	sst s29  }
0x43: {  	s16 =	ssub.s32 s4, s19;
	s12 =	sor.u32 $0x3000, s7;
	[smem:$0x7B3] =	sst s5  }
0x44: {  	s15 =	sor.u32 $0x4000, s7;
	s30 =	sadd.s32 $0x207A00, s3;
	[smem:$0x7A4] =	sst s8  }
0x45: {  	s17 =	sor.u32 $0x5000, s7;
	s21 =	sadd.s32 $0x207C00, s3;
	[smem:$0x7AE] =	sst s30  }
0x46: {  	s18 =	sor.u32 $0x6000, s7;
	s22 =	sadd.s32 $0x207000, s3;
	[smem:$0x7AF] =	sst s21  }
0x47: {  	s19 =	sor.u32 $0x7000, s7;
	s23 =	sadd.s32 $0x207E00, s3;
	[smem:$0x7B0] =	sst s22  }
0x48: {  	s20 =	sor.u32 $0x8000, s7;
	s24 =	sadd.s32 $0x208000, s3;
	[smem:$0x7B1] =	sst s23  }
0x49: {  	s11 =	sor.u32 $0x9000, s7;
	s25 =	sadd.s32 $0x208200, s3;
	[smem:$0x7B2] =	sst s24  }
0x4a: {  	s9 =	sor.u32 $0xA000, s7;
	s26 =	sadd.s32 $0x208400, s3;
	[smem:$0x7B4] =	sst s25  }
0x4b: {  	s4 =	sor.u32 $0xD000, s7;
	s29 =	sadd.s32 s0, s1;
	[smem:$0x7B5] =	sst s26  }
0x4c: {  	s10 =	sor.u32 $0xE000, s7;
	s1 =	sadd.s32 s13, s1;
	[smem:$0x7B6] =	sst s29  }
0x4d: {  	s14 =	sor.u32 $0xF000, s7;
	s5 =	sadd.s32 $0x209600, s3;
	[smem:$0x7B9] =	sst s1  }
0x4e: {  	s8 =	sor.u32 $0xB000, s7;
	s7 =	sadd.s32 s0, s7;
	[smem:$0x7C2] =	sst s5  }
0x4f: {  	s30 =	sadd.s32 $0x208600, s3;
	[smem:$0x7AA] =	sst s7  }
0x50: {  	s21 =	sadd.s32 $0x208A00, s3;
	[smem:$0x7B7] =	sst s30  }
0x51: {  	s22 =	sadd.s32 $0x208C00, s3;
	[smem:$0x7BA] =	sst s21  }
0x52: {  	s23 =	sadd.s32 $0x208E00, s3;
	[smem:$0x7BB] =	sst s22  }
0x53: {  	s24 =	sadd.s32 $0x209000, s3;
	[smem:$0x7BC] =	sst s23  }
0x54: {  	s25 =	sadd.s32 s0, s12;
	[smem:$0x7BD] =	sst s24  }
0x55: {  	s26 =	sadd.s32 s13, s12;
	[smem:$0x7BE] =	sst s25  }
0x56: {  	s29 =	sadd.s32 $0x209200, s3;
	[smem:$0x7BF] =	sst s26  }
0x57: {  	s12 =	sadd.s32 s0, s15;
	[smem:$0x7C0] =	sst s29  }
0x58: {  	s15 =	sadd.s32 s13, s15;
	[smem:$0x7C4] =	sst s12  }
0x59: {  	s5 =	sadd.s32 $0x20A600, s3;
	[smem:$0x7C5] =	sst s15  }
0x5a: {  	s7 =	sadd.s32 $0x208800, s3;
	[smem:$0x7CE] =	sst s5  }
0x5b: {  	s30 =	sadd.s32 $0x209400, s3;
	[smem:$0x7B8] =	sst s7  }
0x5c: {  	s21 =	sadd.s32 $0x209A00, s3;
	[smem:$0x7C1] =	sst s30  }
0x5d: {  	s22 =	sadd.s32 $0x209C00, s3;
	[smem:$0x7C6] =	sst s21  }
0x5e: {  	s23 =	sadd.s32 $0x209E00, s3;
	[smem:$0x7C7] =	sst s22  }
0x5f: {  	s24 =	sadd.s32 $0x20A000, s3;
	[smem:$0x7C8] =	sst s23  }
0x60: {  	s25 =	sadd.s32 s0, s17;
	[smem:$0x7C9] =	sst s24  }
0x61: {  	s26 =	sadd.s32 s13, s17;
	[smem:$0x7CA] =	sst s25  }
0x62: {  	s29 =	sadd.s32 $0x20A200, s3;
	[smem:$0x7CB] =	sst s26  }
0x63: {  	s12 =	sadd.s32 s0, s18;
	[smem:$0x7CC] =	sst s29  }
0x64: {  	s15 =	sadd.s32 s13, s18;
	[smem:$0x7D0] =	sst s12  }
0x65: {  	s17 =	sadd.s32 $0x20AA00, s3;
	[smem:$0x7D1] =	sst s15  }
0x66: {  	s18 =	sadd.s32 $0x20AC00, s3;
	[smem:$0x7D2] =	sst s17  }
0x67: {  	s5 =	sadd.s32 s0, s20;
	[smem:$0x7D3] =	sst s18  }
0x68: {  	s7 =	sadd.s32 $0x209800, s3;
	[smem:$0x7DC] =	sst s5  }
0x69: {  	s30 =	sadd.s32 $0x20A400, s3;
	[smem:$0x7C3] =	sst s7  }
0x6a: {  	s21 =	sadd.s32 $0x20AE00, s3;
	[smem:$0x7CD] =	sst s30  }
0x6b: {  	s22 =	sadd.s32 $0x20B000, s3;
	[smem:$0x7D4] =	sst s21  }
0x6c: {  	s23 =	sadd.s32 s0, s19;
	[smem:$0x7D5] =	sst s22  }
0x6d: {  	s24 =	sadd.s32 s13, s19;
	[smem:$0x7D6] =	sst s23  }
0x6e: {  	s25 =	sadd.s32 $0x20B200, s3;
	[smem:$0x7D7] =	sst s24  }
0x6f: {  	s26 =	sadd.s32 $0x20B400, s3;
	[smem:$0x7D8] =	sst s25  }
0x70: {  	s29 =	sadd.s32 $0x20B600, s3;
	[smem:$0x7D9] =	sst s26  }
0x71: {  	s12 =	sadd.s32 $0x20BA00, s3;
	[smem:$0x7DA] =	sst s29  }
0x72: {  	s15 =	sadd.s32 $0x20BC00, s3;
	[smem:$0x7DE] =	sst s12  }
0x73: {  	s17 =	sadd.s32 $0x20BE00, s3;
	[smem:$0x7DF] =	sst s15  }
0x74: {  	s18 =	sadd.s32 $0x20C200, s3;
	[smem:$0x7E0] =	sst s17  }
0x75: {  	s19 =	sadd.s32 s0, s11;
	[smem:$0x7E1] =	sst s18  }
0x76: {  	s5 =	sadd.s32 $0x20C000, s3;
	[smem:$0x7E2] =	sst s19  }
0x77: {  	s7 =	sadd.s32 $0x20A800, s3;
	[smem:$0x7EC] =	sst s5  }
0x78: {  	s30 =	sadd.s32 $0x20B800, s3;
	[smem:$0x7CF] =	sst s7  }
0x79: {  	s21 =	sadd.s32 $0x20C400, s3;
	[smem:$0x7DB] =	sst s30  }
0x7a: {  	s22 =	sadd.s32 $0x20C600, s3;
	[smem:$0x7E4] =	sst s21  }
0x7b: {  	s23 =	sadd.s32 $0x20C800, s3;
	[smem:$0x7E5] =	sst s22  }
0x7c: {  	s24 =	sadd.s32 $0x20CA00, s3;
	[smem:$0x7E6] =	sst s23  }
0x7d: {  	s1 =	sadd.s32 $0x20EA00, s3;
	s25 =	sadd.s32 s0, s9;
	[smem:$0x7E7] =	sst s24  }
0x7e: {  	s26 =	sadd.s32 s13, s9;
	s29 =	sadd.s32 $0x20CC00, s3;
	[smem:$0x7E8] =	sst s25  }
0x7f: {  	s9 =	sadd.s32 $0x20D200, s3;
	[smem:$0x7E9] =	sst s26  }
0x80: {  	s12 =	sadd.s32 $0x20D600, s3;
	[smem:$0x7EA] =	sst s29  }
0x81: {  	s18 =	sadd.s32 $0x20D800, s3;
	[smem:$0x7EE] =	sst s9  }
0x82: {  	s15 =	sadd.s32 s0, s8;
	s19 =	sadd.s32 $0x20DA00, s3;
	[smem:$0x7F0] =	sst s12  }
0x83: {  	s17 =	sadd.s32 s13, s8;
	s5 =	sadd.s32 $0x20EC00, s3;
	[smem:$0x7F1] =	sst s15  }
0x84: {  	s7 =	sadd.s32 s13, s20;
	s30 =	sadd.s32 $0x20CE00, s3;
	[smem:$0x7F2] =	sst s17  }
0x85: {  	s20 =	sadd.s32 s13, s11;
	s11 =	sadd.s32 $0x20D400, s3;
	[smem:$0x7F3] =	sst s18  }
0x86: {  	[smem:$0x7F4] =	sst s19;
	s21 =	sadd.s32 $0x20DE00, s3  }
0x87: {  	s28 =	simm.s32 $0x0;
	s24 =	sadd.s32 $0x20E200, s3;
	[smem:$0x7DD] =	sst s7  }
0x88: {  	s31 =	sadd.s32 s0, s14;
	s25 =	sadd.s32 $0x20E400, s3;
	[smem:$0x7E3] =	sst s20  }
0x89: {  	s22 =	sadd.s32 s0, s6;
	s26 =	sadd.s32 $0x20E600, s3;
	[smem:$0x7EB] =	sst s30  }
0x8a: {  	s23 =	sadd.s32 s13, s6;
	s6 =	sadd.s32 $0x20EE00, s3;
	[smem:$0x7EF] =	sst s11  }
0x8b: {  	s16 =	smax.u32 s16, $0x1;
	s9 =	sadd.s32 $0x20F200, s3;
	[smem:$0x7F6] =	sst s21  }
0x8c: {  	s8 =	sadd.s32 $0x20F000, s3;
	s12 =	sadd.s32 $0x20F600, s3;
	[smem:$0x7F7] =	sst s22  }
0x8d: {  	s29 =	sadd.s32 s0, s4;
	s15 =	sadd.s32 $0x20FA00, s3;
	[smem:$0x7F8] =	sst s23  }
0x8e: {  	s4 =	sadd.s32 s13, s4;
	s17 =	sadd.s32 $0x20FC00, s3;
	[smem:$0x7F9] =	sst s24  }
0x8f: {  	s18 =	sadd.s32 $0x20FE00, s3;
	s19 =	simm.s32 $0x1000;
	[smem:$0x7FA] =	sst s25  }
0x90: {  	s7 =	sadd.s32 $0x20D000, s3;
	s20 =	sadd.s32 $0x20DC00, s3;
	[smem:$0x7FB] =	sst s26  }
0x91: {  	[smem:$0x7FC] =	sst s29;
	s30 =	sadd.s32 s0, s10;
	s0 =	sadd.s32 $0x20E800, s3  }
0x92: {  	s10 =	sadd.s32 s13, s10;
	s11 =	sadd.s32 $0x20F400, s3;
	s13 =	sadd.s32 s13, s14  }
0x93: {  	s14 =	sadd.s32 $0x20F800, s3;
	s21 =	simm.s32 $0x11000;
	s22 =	simm.s32 $0x1  }
0x94: {  	s23 =	simm.s32 $0x2;
	s24 =	simm.s32 $0x3;
	[smem:$0x7ED] =	sst s7  }
0x95: {  	s25 =	simm.s32 $0x4;
	s26 =	simm.s32 $0x5;
	[smem:$0x7F5] =	sst s20  }
0x96: {  	v0 =	vimm.f32 $0.0e+00;
	[smem:$0x7FD] =	sst s30;
	s7 =	sadd.s32 $0x20E000, s3;
	s20 =	simm.s32 $0x9000  }
.LBB2_1:
0x97: {  	s29 =	sld [smem:$0x7AA];
	_ =	sdelay $0x2  }
0x98: {  	[tilespmem:s19], [sflag:$0x1] =	stream.linear.gather [hbm4b:s29+s2], $0x8000, $0x38;
	[tilespmem:$0x19000] =	vst v63  }
0x99: {  	s29 =	sld [smem:$0x7AD];
	_ =	sdelay $0x2  }
0x9a: {  	[tilespmem:s20], [sflag:$0x1] =	stream.linear.gather [hbm4b:s29+s2], $0x8000, $0x38;
	[tilespmem:$0x19000] =	vst v63  }
0x9b: {  	s29 =	sld [smem:$0x7B6];
	_ =	sdelay $0x2  }
0x9c: {  	[tilespmem:s21], [sflag:$0x1] =	stream.linear.gather [hbm4b:s29+s2], $0x8000, $0x38;
	[tilespmem:$0x19000] =	vst v63  }
0x9d: {  	s30 =	simm.s32 $0x400;
	s29 =	simm.s32 $0x0  }
.LBB2_2:
0x9e: {  	p0 =	sne.s32 s30, $0x3C00;
	[tilespmem:s29+$0xF0] =	vst v0  }
0x9f: {  	[tilespmem:s29+$0x0] =	vst v0  }
0xa0: {  	[tilespmem:s29+$0x10] =	vst v0  }
0xa1: {  	[tilespmem:s29+$0x20] =	vst v0  }
0xa2: {  	[tilespmem:s29+$0x30] =	vst v0  }
0xa3: {  	[tilespmem:s29+$0x40] =	vst v0  }
0xa4: {  	[tilespmem:s29+$0x50] =	vst v0  }
0xa5: {  	[tilespmem:s29+$0x60] =	vst v0  }
0xa6: {  	[tilespmem:s29+$0x70] =	vst v0  }
0xa7: {  	[tilespmem:s29+$0x80] =	vst v0  }
0xa8: {  	[tilespmem:s29+$0x90] =	vst v0  }
.Ltmp0:
0xa9: {  	[tilespmem:s29+$0xA0] =	vst v0;
	(pc) =	sbr.rel @p0 .LBB2_2-.Ltmp0, $4  }
0xaa: {  	[tilespmem:s29+$0xB0] =	vst v0  }
0xab: {  	[tilespmem:s29+$0xC0] =	vst v0  }
0xac: {  	[tilespmem:s29+$0xD0] =	vst v0  }
0xad: {  	[tilespmem:s29+$0xE0] =	vst v0;
	s29 =	sshra.s32 s30, $0x2;
	s30 =	sadd.s32 $0x400, s30  }
0xae: {  	[tilespmem:s29+$0xF0] =	vst v0  }
0xaf: {  	[tilespmem:s29+$0x0] =	vst v0  }
0xb0: {  	[tilespmem:s29+$0x10] =	vst v0  }
0xb1: {  	[tilespmem:s29+$0x20] =	vst v0  }
0xb2: {  	[tilespmem:s29+$0x30] =	vst v0  }
0xb3: {  	[tilespmem:s29+$0x40] =	vst v0  }
0xb4: {  	[tilespmem:s29+$0x50] =	vst v0  }
0xb5: {  	[tilespmem:s29+$0x60] =	vst v0  }
0xb6: {  	[tilespmem:s29+$0x70] =	vst v0  }
0xb7: {  	[tilespmem:s29+$0x80] =	vst v0  }
0xb8: {  	[tilespmem:s29+$0x90] =	vst v0  }
0xb9: {  	[tilespmem:s29+$0xA0] =	vst v0  }
0xba: {  	[tilespmem:s29+$0xB0] =	vst v0  }
0xbb: {  	[tilespmem:s29+$0xC0] =	vst v0  }
0xbc: {  	[tilespmem:s29+$0xD0] =	vst v0  }
0xbd: {  	[tilespmem:s29+$0xE0] =	vst v0;
	s30 =	rddreg [dreg:$0xa]  }
0xbe: {  	[hbm4b:s30+s2] =	stream.linear.scatter [tilespmem:s2], [sflag:$0x5], $0x1000, $0x38;
	[tilespmem:$0x19000] =	vst v63  }
0xbf: {  	s30 =	rddreg [dreg:$0x3]  }
0xc0: {  	[hbm4b:s30+s2] =	stream.linear.scatter [tilespmem:s2], [sflag:$0x5], $0x1000, $0x38;
	[tilespmem:$0x19000] =	vst v63  }
0xc1: {  	s30 =	rddreg [dreg:$0x4]  }
0xc2: {  	[hbm4b:s30+s2] =	stream.linear.scatter [tilespmem:s2], [sflag:$0x5], $0x1000, $0x38;
	[tilespmem:$0x19000] =	vst v63  }
0xc3: {  	s30 =	rddreg [dreg:$0x5]  }
0xc4: {  	[hbm4b:s30+s2] =	stream.linear.scatter [tilespmem:s2], [sflag:$0x5], $0x1000, $0x38;
	[tilespmem:$0x19000] =	vst v63  }
0xc5: {  	s30 =	rddreg [dreg:$0x6]  }
0xc6: {  	[hbm4b:s30+s2] =	stream.linear.scatter [tilespmem:s2], [sflag:$0x5], $0x1000, $0x38;
	[tilespmem:$0x19000] =	vst v63  }
0xc7: {  	s30 =	rddreg [dreg:$0x7]  }
0xc8: {  	[hbm4b:s30+s2] =	stream.linear.scatter [tilespmem:s2], [sflag:$0x5], $0x1000, $0x38;
	[tilespmem:$0x19000] =	vst v63  }
0xc9: {  	s30 =	rddreg [dreg:$0x8]  }
0xca: {  	[hbm4b:s30+s2] =	stream.linear.scatter [tilespmem:s2], [sflag:$0x5], $0x1000, $0x38;
	[tilespmem:$0x19000] =	vst v63  }
0xcb: {  	s30 =	rddreg [dreg:$0x9]  }
0xcc: {  	[hbm4b:s30+s2] =	stream.linear.scatter [tilespmem:s2], [sflag:$0x5], $0x1000, $0x38;
	[tilespmem:$0x19000] =	vst v63  }
0xcd: {  	s30 =	rddreg [dreg:$0xb]  }
0xce: {  	[hbm4b:s30+s2] =	stream.linear.scatter [tilespmem:s2], [sflag:$0x5], $0x1000, $0x38;
	[tilespmem:$0x19000] =	vst v63  }
0xcf: {  	s30 =	rddreg [dreg:$0xc]  }
0xd0: {  	[hbm4b:s30+s2] =	stream.linear.scatter [tilespmem:s2], [sflag:$0x5], $0x1000, $0x38;
	[tilespmem:$0x19000] =	vst v63  }
0xd1: {  	s30 =	rddreg [dreg:$0xd]  }
0xd2: {  	[hbm4b:s30+s2] =	stream.linear.scatter [tilespmem:s2], [sflag:$0x5], $0x1000, $0x38;
	[tilespmem:$0x19000] =	vst v63  }
0xd3: {  	s30 =	rddreg [dreg:$0xe]  }
0xd4: {  	[hbm4b:s30+s2] =	stream.linear.scatter [tilespmem:s2], [sflag:$0x5], $0x1000, $0x38;
	[tilespmem:$0x19000] =	vst v63  }
0xd5: {  	s30 =	rddreg [dreg:$0xf]  }
0xd6: {  	[hbm4b:s30+s2] =	stream.linear.scatter [tilespmem:s2], [sflag:$0x5], $0x1000, $0x38;
	[tilespmem:$0x19000] =	vst v63  }
0xd7: {  	s30 =	rddreg [dreg:$0x10]  }
0xd8: {  	[hbm4b:s30+s2] =	stream.linear.scatter [tilespmem:s2], [sflag:$0x5], $0x1000, $0x38;
	[tilespmem:$0x19000] =	vst v63  }
0xd9: {  	s30 =	rddreg [dreg:$0x11]  }
0xda: {  	[hbm4b:s30+s2] =	stream.linear.scatter [tilespmem:s2], [sflag:$0x5], $0x1000, $0x38;
	[tilespmem:$0x19000] =	vst v63  }
0xdb: {  	s30 =	rddreg [dreg:$0x12]  }
0xdc: {  	[hbm4b:s30+s2] =	stream.linear.scatter [tilespmem:s2], [sflag:$0x5], $0x1000, $0x38;
	[tilespmem:$0x19000] =	vst v63  }
0xdd: {  	s30 =	rddreg [dreg:$0x19]  }
0xde: {  	[hbm4b:s30+s2] =	stream.linear.scatter [tilespmem:s2], [sflag:$0x5], $0x1000, $0x38;
	[tilespmem:$0x19000] =	vst v63  }
0xdf: {  	s30 =	rddreg [dreg:$0x13]  }
0xe0: {  	[hbm4b:s30+s2] =	stream.linear.scatter [tilespmem:s2], [sflag:$0x5], $0x1000, $0x38;
	[tilespmem:$0x19000] =	vst v63  }
0xe1: {  	s30 =	rddreg [dreg:$0x14]  }
0xe2: {  	[hbm4b:s30+s2] =	stream.linear.scatter [tilespmem:s2], [sflag:$0x5], $0x1000, $0x38;
	[tilespmem:$0x19000] =	vst v63  }
0xe3: {  	s30 =	rddreg [dreg:$0x15]  }
0xe4: {  	[hbm4b:s30+s2] =	stream.linear.scatter [tilespmem:s2], [sflag:$0x5], $0x1000, $0x38;
	[tilespmem:$0x19000] =	vst v63  }
0xe5: {  	s30 =	rddreg [dreg:$0x16]  }
0xe6: {  	[hbm4b:s30+s2] =	stream.linear.scatter [tilespmem:s2], [sflag:$0x5], $0x1000, $0x38;
	[tilespmem:$0x19000] =	vst v63  }
0xe7: {  	s30 =	rddreg [dreg:$0x17]  }
0xe8: {  	[hbm4b:s30+s2] =	stream.linear.scatter [tilespmem:s2], [sflag:$0x5], $0x1000, $0x38;
	[tilespmem:$0x19000] =	vst v63  }
0xe9: {  	s30 =	rddreg [dreg:$0x18]  }
0xea: {  	[hbm4b:s30+s2] =	stream.linear.scatter [tilespmem:s2], [sflag:$0x5], $0x1000, $0x38;
	[tilespmem:$0x19000] =	vst v63  }
0xeb: {  	s30 =	rddreg [dreg:$0x1a]  }
0xec: {  	[hbm4b:s30+s2] =	stream.linear.scatter [tilespmem:s2], [sflag:$0x5], $0x1000, $0x38;
	[tilespmem:$0x19000] =	vst v63  }
0xed: {  	s30 =	rddreg [dreg:$0x1b]  }
0xee: {  	[hbm4b:s30+s2] =	stream.linear.scatter [tilespmem:s2], [sflag:$0x5], $0x1000, $0x38;
	[tilespmem:$0x19000] =	vst v63  }
0xef: {  	s30 =	rddreg [dreg:$0x1c]  }
0xf0: {  	[hbm4b:s30+s2] =	stream.linear.scatter [tilespmem:s2], [sflag:$0x5], $0x1000, $0x38;
	[tilespmem:$0x19000] =	vst v63  }
0xf1: {  	s30 =	rddreg [dreg:$0x1d]  }
0xf2: {  	[hbm4b:s30+s2] =	stream.linear.scatter [tilespmem:s2], [sflag:$0x5], $0x1000, $0x38;
	[tilespmem:$0x19000] =	vst v63  }
0xf3: {  	s30 =	rddreg [dreg:$0x1e]  }
0xf4: {  	[hbm4b:s30+s2] =	stream.linear.scatter [tilespmem:s2], [sflag:$0x5], $0x1000, $0x38;
	[tilespmem:$0x19000] =	vst v63  }
0xf5: {  	s30 =	rddreg [dreg:$0x1f]  }
0xf6: {  	[hbm4b:s30+s2] =	stream.linear.scatter [tilespmem:s2], [sflag:$0x5], $0x1000, $0x38;
	[tilespmem:$0x19000] =	vst v63  }
0xf7: {  	s30 =	sld [smem:$0x78D];
	_ =	sdelay $0x2  }
0xf8: {  	[hbm4b:s30+s2] =	stream.linear.scatter [tilespmem:s2], [sflag:$0x5], $0x1000, $0x38;
	[tilespmem:$0x19000] =	vst v63  }
0xf9: {  	s30 =	sld [smem:$0x78E];
	_ =	sdelay $0x2  }
0xfa: {  	[hbm4b:s30+s2] =	stream.linear.scatter [tilespmem:s2], [sflag:$0x5], $0x1000, $0x38;
	[tilespmem:$0x19000] =	vst v63  }
0xfb: {  	s30 =	sld [smem:$0x78F];
	_ =	sdelay $0x2  }
0xfc: {  	[hbm4b:s30+s2] =	stream.linear.scatter [tilespmem:s2], [sflag:$0x5], $0x1000, $0x38;
	[tilespmem:$0x19000] =	vst v63  }
0xfd: {  	s30 =	sld [smem:$0x797];
	_ =	sdelay $0x2  }
0xfe: {  	[hbm4b:s30+s2] =	stream.linear.scatter [tilespmem:s2], [sflag:$0x5], $0x1000, $0x38;
	[tilespmem:$0x19000] =	vst v63  }
0xff: {  	s30 =	sld [smem:$0x790];
	_ =	sdelay $0x2  }
0x100: {  	[hbm4b:s30+s2] =	stream.linear.scatter [tilespmem:s2], [sflag:$0x5], $0x1000, $0x38;
	[tilespmem:$0x19000] =	vst v63  }
0x101: {  	s30 =	sld [smem:$0x791];
	_ =	sdelay $0x2  }
0x102: {  	[hbm4b:s30+s2] =	stream.linear.scatter [tilespmem:s2], [sflag:$0x5], $0x1000, $0x38;
	[tilespmem:$0x19000] =	vst v63  }
0x103: {  	s30 =	sld [smem:$0x792];
	_ =	sdelay $0x2  }
0x104: {  	[hbm4b:s30+s2] =	stream.linear.scatter [tilespmem:s2], [sflag:$0x5], $0x1000, $0x38;
	[tilespmem:$0x19000] =	vst v63  }
0x105: {  	s30 =	sld [smem:$0x793];
	_ =	sdelay $0x2  }
0x106: {  	[hbm4b:s30+s2] =	stream.linear.scatter [tilespmem:s2], [sflag:$0x5], $0x1000, $0x38;
	[tilespmem:$0x19000] =	vst v63  }
0x107: {  	s30 =	sld [smem:$0x794];
	_ =	sdelay $0x2  }
0x108: {  	[hbm4b:s30+s2] =	stream.linear.scatter [tilespmem:s2], [sflag:$0x5], $0x1000, $0x38;
	[tilespmem:$0x19000] =	vst v63  }
0x109: {  	s30 =	sld [smem:$0x795];
	_ =	sdelay $0x2  }
0x10a: {  	[hbm4b:s30+s2] =	stream.linear.scatter [tilespmem:s2], [sflag:$0x5], $0x1000, $0x38;
	[tilespmem:$0x19000] =	vst v63  }
0x10b: {  	s30 =	sld [smem:$0x796];
	_ =	sdelay $0x2  }
0x10c: {  	[hbm4b:s30+s2] =	stream.linear.scatter [tilespmem:s2], [sflag:$0x5], $0x1000, $0x38;
	[tilespmem:$0x19000] =	vst v63  }
0x10d: {  	s30 =	sld [smem:$0x798];
	_ =	sdelay $0x2  }
0x10e: {  	[hbm4b:s30+s2] =	stream.linear.scatter [tilespmem:s2], [sflag:$0x5], $0x1000, $0x38;
	[tilespmem:$0x19000] =	vst v63  }
0x10f: {  	s30 =	sld [smem:$0x799];
	_ =	sdelay $0x2  }
0x110: {  	[hbm4b:s30+s2] =	stream.linear.scatter [tilespmem:s2], [sflag:$0x5], $0x1000, $0x38;
	[tilespmem:$0x19000] =	vst v63  }
0x111: {  	s30 =	sld [smem:$0x79A];
	_ =	sdelay $0x2  }
0x112: {  	[hbm4b:s30+s2] =	stream.linear.scatter [tilespmem:s2], [sflag:$0x5], $0x1000, $0x38;
	[tilespmem:$0x19000] =	vst v63  }
0x113: {  	s30 =	sld [smem:$0x79B];
	_ =	sdelay $0x2  }
0x114: {  	[hbm4b:s30+s2] =	stream.linear.scatter [tilespmem:s2], [sflag:$0x5], $0x1000, $0x38;
	[tilespmem:$0x19000] =	vst v63  }
0x115: {  	s30 =	sld [smem:$0x79C];
	_ =	sdelay $0x2  }
0x116: {  	[hbm4b:s30+s2] =	stream.linear.scatter [tilespmem:s2], [sflag:$0x5], $0x1000, $0x38;
	[tilespmem:$0x19000] =	vst v63  }
0x117: {  	s30 =	sld [smem:$0x79D];
	_ =	sdelay $0x2  }
0x118: {  	[hbm4b:s30+s2] =	stream.linear.scatter [tilespmem:s2], [sflag:$0x5], $0x1000, $0x38;
	[tilespmem:$0x19000] =	vst v63  }
0x119: {  	s30 =	sld [smem:$0x79E];
	_ =	sdelay $0x2  }
0x11a: {  	[hbm4b:s30+s2] =	stream.linear.scatter [tilespmem:s2], [sflag:$0x5], $0x1000, $0x38;
	[tilespmem:$0x19000] =	vst v63  }
0x11b: {  	s30 =	sld [smem:$0x79F];
	_ =	sdelay $0x2  }
0x11c: {  	[hbm4b:s30+s2] =	stream.linear.scatter [tilespmem:s2], [sflag:$0x5], $0x1000, $0x38;
	[tilespmem:$0x19000] =	vst v63  }
0x11d: {  	s30 =	sld [smem:$0x7A8];
	_ =	sdelay $0x2  }
0x11e: {  	[hbm4b:s30+s2] =	stream.linear.scatter [tilespmem:s2], [sflag:$0x5], $0x1000, $0x38;
	[tilespmem:$0x19000] =	vst v63  }
0x11f: {  	s30 =	sld [smem:$0x7A0];
	_ =	sdelay $0x2  }
0x120: {  	[hbm4b:s30+s2] =	stream.linear.scatter [tilespmem:s2], [sflag:$0x5], $0x1000, $0x38;
	[tilespmem:$0x19000] =	vst v63  }
0x121: {  	s30 =	sld [smem:$0x7A1];
	_ =	sdelay $0x2  }
0x122: {  	[hbm4b:s30+s2] =	stream.linear.scatter [tilespmem:s2], [sflag:$0x5], $0x1000, $0x38;
	[tilespmem:$0x19000] =	vst v63  }
0x123: {  	s30 =	sld [smem:$0x7A2];
	_ =	sdelay $0x2  }
0x124: {  	[hbm4b:s30+s2] =	stream.linear.scatter [tilespmem:s2], [sflag:$0x5], $0x1000, $0x38;
	[tilespmem:$0x19000] =	vst v63  }
0x125: {  	s30 =	sld [smem:$0x7A3];
	_ =	sdelay $0x2  }
0x126: {  	[hbm4b:s30+s2] =	stream.linear.scatter [tilespmem:s2], [sflag:$0x5], $0x1000, $0x38;
	[tilespmem:$0x19000] =	vst v63  }
0x127: {  	s30 =	sld [smem:$0x7A4];
	_ =	sdelay $0x2  }
0x128: {  	[hbm4b:s30+s2] =	stream.linear.scatter [tilespmem:s2], [sflag:$0x5], $0x1000, $0x38;
	[tilespmem:$0x19000] =	vst v63  }
0x129: {  	s30 =	sld [smem:$0x7A5];
	_ =	sdelay $0x2  }
0x12a: {  	[hbm4b:s30+s2] =	stream.linear.scatter [tilespmem:s2], [sflag:$0x5], $0x1000, $0x38;
	[tilespmem:$0x19000] =	vst v63  }
0x12b: {  	s30 =	sld [smem:$0x7A6];
	_ =	sdelay $0x2  }
0x12c: {  	[hbm4b:s30+s2] =	stream.linear.scatter [tilespmem:s2], [sflag:$0x5], $0x1000, $0x38;
	[tilespmem:$0x19000] =	vst v63  }
0x12d: {  	s30 =	sld [smem:$0x7B0];
	_ =	sdelay $0x2  }
0x12e: {  	[hbm4b:s30+s2] =	stream.linear.scatter [tilespmem:s2], [sflag:$0x5], $0x1000, $0x38;
	[tilespmem:$0x19000] =	vst v63  }
0x12f: {  	s30 =	sld [smem:$0x7A7];
	_ =	sdelay $0x2  }
0x130: {  	[hbm4b:s30+s2] =	stream.linear.scatter [tilespmem:s2], [sflag:$0x5], $0x1000, $0x38;
	[tilespmem:$0x19000] =	vst v63  }
0x131: {  	s29 =	sld [smem:$0x7A9];
	_ =	sdelay $0x1  }
0x132: {  	s30 =	sld [smem:$0x7AB]  }
0x133: {  	[hbm4b:s29+s2] =	stream.linear.scatter [tilespmem:s2], [sflag:$0x5], $0x1000, $0x38;
	[tilespmem:$0x19000] =	vst v63  }
0x134: {  	_ = 	snop  }
0x135: {  	[hbm4b:s30+s2] =	stream.linear.scatter [tilespmem:s2], [sflag:$0x5], $0x1000, $0x38;
	[tilespmem:$0x19000] =	vst v63  }
0x136: {  	s30 =	sld [smem:$0x7AC];
	_ =	sdelay $0x2  }
0x137: {  	[hbm4b:s30+s2] =	stream.linear.scatter [tilespmem:s2], [sflag:$0x5], $0x1000, $0x38;
	[tilespmem:$0x19000] =	vst v63  }
0x138: {  	s30 =	sld [smem:$0x7AE];
	_ =	sdelay $0x2  }
0x139: {  	[hbm4b:s30+s2] =	stream.linear.scatter [tilespmem:s2], [sflag:$0x5], $0x1000, $0x38;
	[tilespmem:$0x19000] =	vst v63  }
0x13a: {  	s30 =	sld [smem:$0x7AF];
	_ =	sdelay $0x2  }
0x13b: {  	[hbm4b:s30+s2] =	stream.linear.scatter [tilespmem:s2], [sflag:$0x5], $0x1000, $0x38;
	[tilespmem:$0x19000] =	vst v63  }
0x13c: {  	s30 =	sld [smem:$0x7B1];
	_ =	sdelay $0x2  }
0x13d: {  	[hbm4b:s30+s2] =	stream.linear.scatter [tilespmem:s2], [sflag:$0x5], $0x1000, $0x38;
	[tilespmem:$0x19000] =	vst v63  }
0x13e: {  	s30 =	sld [smem:$0x7B2];
	_ =	sdelay $0x2  }
0x13f: {  	[hbm4b:s30+s2] =	stream.linear.scatter [tilespmem:s2], [sflag:$0x5], $0x1000, $0x38;
	[tilespmem:$0x19000] =	vst v63  }
0x140: {  	s30 =	sld [smem:$0x7B4];
	_ =	sdelay $0x2  }
0x141: {  	[hbm4b:s30+s2] =	stream.linear.scatter [tilespmem:s2], [sflag:$0x5], $0x1000, $0x38;
	[tilespmem:$0x19000] =	vst v63  }
0x142: {  	s30 =	sld [smem:$0x7B5];
	_ =	sdelay $0x2  }
0x143: {  	[hbm4b:s30+s2] =	stream.linear.scatter [tilespmem:s2], [sflag:$0x5], $0x1000, $0x38;
	[tilespmem:$0x19000] =	vst v63  }
0x144: {  	s30 =	sld [smem:$0x7B7];
	_ =	sdelay $0x2  }
0x145: {  	[hbm4b:s30+s2] =	stream.linear.scatter [tilespmem:s2], [sflag:$0x5], $0x1000, $0x38;
	[tilespmem:$0x19000] =	vst v63  }
0x146: {  	s30 =	sld [smem:$0x7B8];
	_ =	sdelay $0x2  }
0x147: {  	[hbm4b:s30+s2] =	stream.linear.scatter [tilespmem:s2], [sflag:$0x5], $0x1000, $0x38;
	[tilespmem:$0x19000] =	vst v63  }
0x148: {  	s30 =	sld [smem:$0x7BA];
	_ =	sdelay $0x2  }
0x149: {  	[hbm4b:s30+s2] =	stream.linear.scatter [tilespmem:s2], [sflag:$0x5], $0x1000, $0x38;
	[tilespmem:$0x19000] =	vst v63  }
0x14a: {  	s30 =	sld [smem:$0x7BB];
	_ =	sdelay $0x2  }
0x14b: {  	[hbm4b:s30+s2] =	stream.linear.scatter [tilespmem:s2], [sflag:$0x5], $0x1000, $0x38;
	[tilespmem:$0x19000] =	vst v63  }
0x14c: {  	s30 =	sld [smem:$0x7BC];
	_ =	sdelay $0x2  }
0x14d: {  	[hbm4b:s30+s2] =	stream.linear.scatter [tilespmem:s2], [sflag:$0x5], $0x1000, $0x38;
	[tilespmem:$0x19000] =	vst v63  }
0x14e: {  	s30 =	sld [smem:$0x7BD];
	_ =	sdelay $0x2  }
0x14f: {  	[hbm4b:s30+s2] =	stream.linear.scatter [tilespmem:s2], [sflag:$0x5], $0x1000, $0x38;
	[tilespmem:$0x19000] =	vst v63  }
0x150: {  	s30 =	sld [smem:$0x7C0];
	_ =	sdelay $0x2  }
0x151: {  	[hbm4b:s30+s2] =	stream.linear.scatter [tilespmem:s2], [sflag:$0x5], $0x1000, $0x38;
	[tilespmem:$0x19000] =	vst v63  }
0x152: {  	s30 =	sld [smem:$0x7C1];
	_ =	sdelay $0x2  }
0x153: {  	[hbm4b:s30+s2] =	stream.linear.scatter [tilespmem:s2], [sflag:$0x5], $0x1000, $0x38;
	[tilespmem:$0x19000] =	vst v63  }
0x154: {  	s30 =	sld [smem:$0x7C2];
	_ =	sdelay $0x2  }
0x155: {  	[hbm4b:s30+s2] =	stream.linear.scatter [tilespmem:s2], [sflag:$0x5], $0x1000, $0x38;
	[tilespmem:$0x19000] =	vst v63  }
0x156: {  	s30 =	sld [smem:$0x7C3];
	_ =	sdelay $0x2  }
0x157: {  	[hbm4b:s30+s2] =	stream.linear.scatter [tilespmem:s2], [sflag:$0x5], $0x1000, $0x38;
	[tilespmem:$0x19000] =	vst v63  }
0x158: {  	s30 =	sld [smem:$0x7C6];
	_ =	sdelay $0x2  }
0x159: {  	[hbm4b:s30+s2] =	stream.linear.scatter [tilespmem:s2], [sflag:$0x5], $0x1000, $0x38;
	[tilespmem:$0x19000] =	vst v63  }
0x15a: {  	s30 =	sld [smem:$0x7C7];
	_ =	sdelay $0x2  }
0x15b: {  	[hbm4b:s30+s2] =	stream.linear.scatter [tilespmem:s2], [sflag:$0x5], $0x1000, $0x38;
	[tilespmem:$0x19000] =	vst v63  }
0x15c: {  	s30 =	sld [smem:$0x7C8];
	_ =	sdelay $0x2  }
0x15d: {  	[hbm4b:s30+s2] =	stream.linear.scatter [tilespmem:s2], [sflag:$0x5], $0x1000, $0x38;
	[tilespmem:$0x19000] =	vst v63  }
0x15e: {  	s30 =	sld [smem:$0x7C9];
	_ =	sdelay $0x2  }
0x15f: {  	[hbm4b:s30+s2] =	stream.linear.scatter [tilespmem:s2], [sflag:$0x5], $0x1000, $0x38;
	[tilespmem:$0x19000] =	vst v63  }
0x160: {  	s30 =	sld [smem:$0x7CC];
	_ =	sdelay $0x2  }
0x161: {  	[hbm4b:s30+s2] =	stream.linear.scatter [tilespmem:s2], [sflag:$0x5], $0x1000, $0x38;
	[tilespmem:$0x19000] =	vst v63  }
0x162: {  	s30 =	sld [smem:$0x7CD];
	_ =	sdelay $0x2  }
0x163: {  	[hbm4b:s30+s2] =	stream.linear.scatter [tilespmem:s2], [sflag:$0x5], $0x1000, $0x38;
	[tilespmem:$0x19000] =	vst v63  }
0x164: {  	s30 =	sld [smem:$0x7CE];
	_ =	sdelay $0x2  }
0x165: {  	[hbm4b:s30+s2] =	stream.linear.scatter [tilespmem:s2], [sflag:$0x5], $0x1000, $0x38;
	[tilespmem:$0x19000] =	vst v63  }
0x166: {  	s30 =	sld [smem:$0x7CF];
	_ =	sdelay $0x2  }
0x167: {  	[hbm4b:s30+s2] =	stream.linear.scatter [tilespmem:s2], [sflag:$0x5], $0x1000, $0x38;
	[tilespmem:$0x19000] =	vst v63  }
0x168: {  	s30 =	sld [smem:$0x7D2];
	_ =	sdelay $0x2  }
0x169: {  	[hbm4b:s30+s2] =	stream.linear.scatter [tilespmem:s2], [sflag:$0x5], $0x1000, $0x38;
	[tilespmem:$0x19000] =	vst v63  }
0x16a: {  	s30 =	sld [smem:$0x7D3];
	_ =	sdelay $0x2  }
0x16b: {  	[hbm4b:s30+s2] =	stream.linear.scatter [tilespmem:s2], [sflag:$0x5], $0x1000, $0x38;
	[tilespmem:$0x19000] =	vst v63  }
0x16c: {  	s30 =	sld [smem:$0x7D4];
	_ =	sdelay $0x2  }
0x16d: {  	[hbm4b:s30+s2] =	stream.linear.scatter [tilespmem:s2], [sflag:$0x5], $0x1000, $0x38;
	[tilespmem:$0x19000] =	vst v63  }
0x16e: {  	s30 =	sld [smem:$0x7D5];
	_ =	sdelay $0x2  }
0x16f: {  	[hbm4b:s30+s2] =	stream.linear.scatter [tilespmem:s2], [sflag:$0x5], $0x1000, $0x38;
	[tilespmem:$0x19000] =	vst v63  }
0x170: {  	s30 =	sld [smem:$0x7D8];
	_ =	sdelay $0x2  }
0x171: {  	[hbm4b:s30+s2] =	stream.linear.scatter [tilespmem:s2], [sflag:$0x5], $0x1000, $0x38;
	[tilespmem:$0x19000] =	vst v63  }
0x172: {  	s30 =	sld [smem:$0x7D9];
	_ =	sdelay $0x2  }
0x173: {  	[hbm4b:s30+s2] =	stream.linear.scatter [tilespmem:s2], [sflag:$0x5], $0x1000, $0x38;
	[tilespmem:$0x19000] =	vst v63  }
0x174: {  	s30 =	sld [smem:$0x7DA];
	_ =	sdelay $0x2  }
0x175: {  	[hbm4b:s30+s2] =	stream.linear.scatter [tilespmem:s2], [sflag:$0x5], $0x1000, $0x38;
	[tilespmem:$0x19000] =	vst v63  }
0x176: {  	s30 =	sld [smem:$0x7DB];
	_ =	sdelay $0x2  }
0x177: {  	[hbm4b:s30+s2] =	stream.linear.scatter [tilespmem:s2], [sflag:$0x5], $0x1000, $0x38;
	[tilespmem:$0x19000] =	vst v63  }
0x178: {  	s30 =	sld [smem:$0x7DE];
	_ =	sdelay $0x2  }
0x179: {  	[hbm4b:s30+s2] =	stream.linear.scatter [tilespmem:s2], [sflag:$0x5], $0x1000, $0x38;
	[tilespmem:$0x19000] =	vst v63  }
0x17a: {  	s30 =	sld [smem:$0x7DF];
	_ =	sdelay $0x2  }
0x17b: {  	[hbm4b:s30+s2] =	stream.linear.scatter [tilespmem:s2], [sflag:$0x5], $0x1000, $0x38;
	[tilespmem:$0x19000] =	vst v63  }
0x17c: {  	s30 =	sld [smem:$0x7E0];
	_ =	sdelay $0x2  }
0x17d: {  	[hbm4b:s30+s2] =	stream.linear.scatter [tilespmem:s2], [sflag:$0x5], $0x1000, $0x38;
	[tilespmem:$0x19000] =	vst v63  }
0x17e: {  	s30 =	sld [smem:$0x7EC];
	_ =	sdelay $0x2  }
0x17f: {  	[hbm4b:s30+s2] =	stream.linear.scatter [tilespmem:s2], [sflag:$0x5], $0x1000, $0x38;
	[tilespmem:$0x19000] =	vst v63  }
0x180: {  	s30 =	sld [smem:$0x7E1];
	_ =	sdelay $0x2  }
0x181: {  	[hbm4b:s30+s2] =	stream.linear.scatter [tilespmem:s2], [sflag:$0x5], $0x1000, $0x38;
	[tilespmem:$0x19000] =	vst v63  }
0x182: {  	s30 =	sld [smem:$0x7E4];
	_ =	sdelay $0x2  }
0x183: {  	[hbm4b:s30+s2] =	stream.linear.scatter [tilespmem:s2], [sflag:$0x5], $0x1000, $0x38;
	[tilespmem:$0x19000] =	vst v63  }
0x184: {  	s30 =	sld [smem:$0x7E5];
	_ =	sdelay $0x2  }
0x185: {  	[hbm4b:s30+s2] =	stream.linear.scatter [tilespmem:s2], [sflag:$0x5], $0x1000, $0x38;
	[tilespmem:$0x19000] =	vst v63  }
0x186: {  	s30 =	sld [smem:$0x7E6];
	_ =	sdelay $0x2  }
0x187: {  	[hbm4b:s30+s2] =	stream.linear.scatter [tilespmem:s2], [sflag:$0x5], $0x1000, $0x38;
	[tilespmem:$0x19000] =	vst v63  }
0x188: {  	s30 =	sld [smem:$0x7E7];
	_ =	sdelay $0x2  }
0x189: {  	[hbm4b:s30+s2] =	stream.linear.scatter [tilespmem:s2], [sflag:$0x5], $0x1000, $0x38;
	[tilespmem:$0x19000] =	vst v63  }
0x18a: {  	s30 =	sld [smem:$0x7EA];
	_ =	sdelay $0x2  }
0x18b: {  	[hbm4b:s30+s2] =	stream.linear.scatter [tilespmem:s2], [sflag:$0x5], $0x1000, $0x38;
	[tilespmem:$0x19000] =	vst v63  }
0x18c: {  	s30 =	sld [smem:$0x7EB];
	_ =	sdelay $0x2  }
0x18d: {  	[hbm4b:s30+s2] =	stream.linear.scatter [tilespmem:s2], [sflag:$0x5], $0x1000, $0x38;
	[tilespmem:$0x19000] =	vst v63  }
0x18e: {  	s30 =	sld [smem:$0x7ED];
	_ =	sdelay $0x2  }
0x18f: {  	[hbm4b:s30+s2] =	stream.linear.scatter [tilespmem:s2], [sflag:$0x5], $0x1000, $0x38;
	[tilespmem:$0x19000] =	vst v63  }
0x190: {  	s30 =	sld [smem:$0x7EE];
	_ =	sdelay $0x2  }
0x191: {  	[hbm4b:s30+s2] =	stream.linear.scatter [tilespmem:s2], [sflag:$0x5], $0x1000, $0x38;
	[tilespmem:$0x19000] =	vst v63  }
0x192: {  	s30 =	sld [smem:$0x7EF];
	_ =	sdelay $0x2  }
0x193: {  	[hbm4b:s30+s2] =	stream.linear.scatter [tilespmem:s2], [sflag:$0x5], $0x1000, $0x38;
	[tilespmem:$0x19000] =	vst v63  }
0x194: {  	s30 =	sld [smem:$0x7F0];
	_ =	sdelay $0x2  }
0x195: {  	[hbm4b:s30+s2] =	stream.linear.scatter [tilespmem:s2], [sflag:$0x5], $0x1000, $0x38;
	[tilespmem:$0x19000] =	vst v63  }
0x196: {  	s30 =	sld [smem:$0x7F3];
	_ =	sdelay $0x2  }
0x197: {  	[hbm4b:s30+s2] =	stream.linear.scatter [tilespmem:s2], [sflag:$0x5], $0x1000, $0x38;
	[tilespmem:$0x19000] =	vst v63  }
0x198: {  	s30 =	sld [smem:$0x7F4];
	_ =	sdelay $0x2  }
0x199: {  	[hbm4b:s30+s2] =	stream.linear.scatter [tilespmem:s2], [sflag:$0x5], $0x1000, $0x38;
	[tilespmem:$0x19000] =	vst v63  }
0x19a: {  	s30 =	sld [smem:$0x7F5];
	_ =	sdelay $0x2  }
0x19b: {  	[hbm4b:s30+s2] =	stream.linear.scatter [tilespmem:s2], [sflag:$0x5], $0x1000, $0x38;
	[tilespmem:$0x19000] =	vst v63  }
0x19c: {  	s30 =	sld [smem:$0x7F6];
	_ =	sdelay $0x2  }
0x19d: {  	[hbm4b:s30+s2] =	stream.linear.scatter [tilespmem:s2], [sflag:$0x5], $0x1000, $0x38;
	[tilespmem:$0x19000] =	vst v63  }
0x19e: {  	s30 =	sld [smem:$0x7F9]  }
0x19f: {  	[hbm4b:s7+s2] =	stream.linear.scatter [tilespmem:s2], [sflag:$0x5], $0x1000, $0x38;
	[tilespmem:$0x19000] =	vst v63  }
0x1a0: {  	_ = 	snop  }
0x1a1: {  	[hbm4b:s30+s2] =	stream.linear.scatter [tilespmem:s2], [sflag:$0x5], $0x1000, $0x38;
	[tilespmem:$0x19000] =	vst v63  }
0x1a2: {  	s30 =	sld [smem:$0x7FA];
	_ =	sdelay $0x2  }
0x1a3: {  	[hbm4b:s30+s2] =	stream.linear.scatter [tilespmem:s2], [sflag:$0x5], $0x1000, $0x38;
	[tilespmem:$0x19000] =	vst v63  }
0x1a4: {  	s30 =	sld [smem:$0x7FB];
	_ =	sdelay $0x2  }
0x1a5: {  	[hbm4b:s30+s2] =	stream.linear.scatter [tilespmem:s2], [sflag:$0x5], $0x1000, $0x38;
	[tilespmem:$0x19000] =	vst v63  }
0x1a6: {  	_ = 	snop  }
0x1a7: {  	[hbm4b:s0+s2] =	stream.linear.scatter [tilespmem:s2], [sflag:$0x5], $0x1000, $0x38;
	[tilespmem:$0x19000] =	vst v63  }
0x1a8: {  	_ = 	snop  }
0x1a9: {  	[hbm4b:s1+s2] =	stream.linear.scatter [tilespmem:s2], [sflag:$0x5], $0x1000, $0x38;
	[tilespmem:$0x19000] =	vst v63  }
0x1aa: {  	_ = 	snop  }
0x1ab: {  	[hbm4b:s5+s2] =	stream.linear.scatter [tilespmem:s2], [sflag:$0x5], $0x1000, $0x38;
	[tilespmem:$0x19000] =	vst v63  }
0x1ac: {  	_ = 	snop  }
0x1ad: {  	[hbm4b:s6+s2] =	stream.linear.scatter [tilespmem:s2], [sflag:$0x5], $0x1000, $0x38;
	[tilespmem:$0x19000] =	vst v63  }
0x1ae: {  	_ = 	snop  }
0x1af: {  	[hbm4b:s8+s2] =	stream.linear.scatter [tilespmem:s2], [sflag:$0x5], $0x1000, $0x38;
	[tilespmem:$0x19000] =	vst v63  }
0x1b0: {  	_ = 	snop  }
0x1b1: {  	[hbm4b:s9+s2] =	stream.linear.scatter [tilespmem:s2], [sflag:$0x5], $0x1000, $0x38;
	[tilespmem:$0x19000] =	vst v63  }
0x1b2: {  	_ = 	snop  }
0x1b3: {  	[hbm4b:s11+s2] =	stream.linear.scatter [tilespmem:s2], [sflag:$0x5], $0x1000, $0x38;
	[tilespmem:$0x19000] =	vst v63  }
0x1b4: {  	_ = 	snop  }
0x1b5: {  	[hbm4b:s12+s2] =	stream.linear.scatter [tilespmem:s2], [sflag:$0x5], $0x1000, $0x38;
	[tilespmem:$0x19000] =	vst v63  }
0x1b6: {  	_ = 	snop  }
0x1b7: {  	[hbm4b:s14+s2] =	stream.linear.scatter [tilespmem:s2], [sflag:$0x5], $0x1000, $0x38;
	[tilespmem:$0x19000] =	vst v63  }
0x1b8: {  	_ = 	snop  }
0x1b9: {  	[hbm4b:s15+s2] =	stream.linear.scatter [tilespmem:s2], [sflag:$0x5], $0x1000, $0x38;
	[tilespmem:$0x19000] =	vst v63  }
0x1ba: {  	_ = 	snop  }
0x1bb: {  	[hbm4b:s17+s2] =	stream.linear.scatter [tilespmem:s2], [sflag:$0x5], $0x1000, $0x38;
	[tilespmem:$0x19000] =	vst v63  }
0x1bc: {  	_ = 	snop  }
0x1bd: {  	[hbm4b:s18+s2] =	stream.linear.scatter [tilespmem:s2], [sflag:$0x5], $0x1000, $0x38;
	[tilespmem:$0x19000] =	vst v63  }
0x1be: {  	_ =	swait.ge [sflag:s22], $0x8000  }
0x1bf: {  	[sflag:s22] =	ssyncset.done $0x0  }
0x1c0: {  	[sflag:s22] =	ssyncadd.s32 $0xFFFF8000  }
0x1c1: {  	[hbm4b:s3+s2] =	stream.linear.scatter [tilespmem:s19], [sflag:$0x2], $0x8000, $0x38;
	[tilespmem:$0x19000] =	vst v63  }
0x1c2: {  	_ =	swait.ge [sflag:s23], $0x8000  }
0x1c3: {  	s30 =	sld [smem:$0x7BE]  }
0x1c4: {  	[sflag:s23] =	ssyncset.done $0x0  }
0x1c5: {  	[sflag:s23] =	ssyncadd.s32 $0xFFFF8000  }
0x1c6: {  	[tilespmem:s19], [sflag:$0x1] =	stream.linear.gather [hbm4b:s30+s2], $0x8000, $0x38;
	[tilespmem:$0x19000] =	vst v63  }
0x1c7: {  	_ =	swait.ge [sflag:s22], $0x8000  }
0x1c8: {  	s30 =	sld [smem:$0x7B3]  }
0x1c9: {  	[sflag:s22] =	ssyncset.done $0x0  }
0x1ca: {  	[sflag:s22] =	ssyncadd.s32 $0xFFFF8000  }
0x1cb: {  	[hbm4b:s30+s2] =	stream.linear.scatter [tilespmem:s20], [sflag:$0x3], $0x8000, $0x38;
	[tilespmem:$0x19000] =	vst v63  }
0x1cc: {  	_ =	swait.ge [sflag:s24], $0x8000  }
0x1cd: {  	s30 =	sld [smem:$0x7C4]  }
0x1ce: {  	[sflag:s24] =	ssyncset.done $0x0  }
0x1cf: {  	[sflag:s24] =	ssyncadd.s32 $0xFFFF8000  }
0x1d0: {  	[tilespmem:s20], [sflag:$0x1] =	stream.linear.gather [hbm4b:s30+s2], $0x8000, $0x38;
	[tilespmem:$0x19000] =	vst v63  }
0x1d1: {  	_ =	swait.ge [sflag:s22], $0x8000  }
0x1d2: {  	s30 =	sld [smem:$0x7B9]  }
0x1d3: {  	[sflag:s22] =	ssyncset.done $0x0  }
0x1d4: {  	[sflag:s22] =	ssyncadd.s32 $0xFFFF8000  }
0x1d5: {  	[hbm4b:s30+s2] =	stream.linear.scatter [tilespmem:s21], [sflag:$0x4], $0x8000, $0x38;
	[tilespmem:$0x19000] =	vst v63  }
0x1d6: {  	_ =	swait.ge [sflag:s25], $0x8000  }
0x1d7: {  	s30 =	sld [smem:$0x7CA]  }
0x1d8: {  	[sflag:s25] =	ssyncset.done $0x0  }
0x1d9: {  	[sflag:s25] =	ssyncadd.s32 $0xFFFF8000  }
0x1da: {  	[tilespmem:s21], [sflag:$0x1] =	stream.linear.gather [hbm4b:s30+s2], $0x8000, $0x38;
	[tilespmem:$0x19000] =	vst v63  }
0x1db: {  	_ =	swait.ge [sflag:s22], $0x8000  }
0x1dc: {  	s30 =	sld [smem:$0x7BF]  }
0x1dd: {  	[sflag:s22] =	ssyncset.done $0x0  }
0x1de: {  	[sflag:s22] =	ssyncadd.s32 $0xFFFF8000  }
0x1df: {  	[hbm4b:s30+s2] =	stream.linear.scatter [tilespmem:s19], [sflag:$0x2], $0x8000, $0x38;
	[tilespmem:$0x19000] =	vst v63  }
0x1e0: {  	_ =	swait.ge [sflag:s23], $0x8000  }
0x1e1: {  	s30 =	sld [smem:$0x7D0]  }
0x1e2: {  	[sflag:s23] =	ssyncset.done $0x0  }
0x1e3: {  	[sflag:s23] =	ssyncadd.s32 $0xFFFF8000  }
0x1e4: {  	[tilespmem:s19], [sflag:$0x1] =	stream.linear.gather [hbm4b:s30+s2], $0x8000, $0x38;
	[tilespmem:$0x19000] =	vst v63  }
0x1e5: {  	_ =	swait.ge [sflag:s22], $0x8000  }
0x1e6: {  	s30 =	sld [smem:$0x7C5]  }
0x1e7: {  	[sflag:s22] =	ssyncset.done $0x0  }
0x1e8: {  	[sflag:s22] =	ssyncadd.s32 $0xFFFF8000  }
0x1e9: {  	[hbm4b:s30+s2] =	stream.linear.scatter [tilespmem:s20], [sflag:$0x3], $0x8000, $0x38;
	[tilespmem:$0x19000] =	vst v63  }
0x1ea: {  	_ =	swait.ge [sflag:s24], $0x8000  }
0x1eb: {  	s30 =	sld [smem:$0x7D6]  }
0x1ec: {  	[sflag:s24] =	ssyncset.done $0x0  }
0x1ed: {  	[sflag:s24] =	ssyncadd.s32 $0xFFFF8000  }
0x1ee: {  	[tilespmem:s20], [sflag:$0x1] =	stream.linear.gather [hbm4b:s30+s2], $0x8000, $0x38;
	[tilespmem:$0x19000] =	vst v63  }
0x1ef: {  	_ =	swait.ge [sflag:s22], $0x8000  }
0x1f0: {  	s30 =	sld [smem:$0x7CB]  }
0x1f1: {  	[sflag:s22] =	ssyncset.done $0x0  }
0x1f2: {  	[sflag:s22] =	ssyncadd.s32 $0xFFFF8000  }
0x1f3: {  	[hbm4b:s30+s2] =	stream.linear.scatter [tilespmem:s21], [sflag:$0x4], $0x8000, $0x38;
	[tilespmem:$0x19000] =	vst v63  }
0x1f4: {  	_ =	swait.ge [sflag:s25], $0x8000  }
0x1f5: {  	s30 =	sld [smem:$0x7DC]  }
0x1f6: {  	[sflag:s25] =	ssyncset.done $0x0  }
0x1f7: {  	[sflag:s25] =	ssyncadd.s32 $0xFFFF8000  }
0x1f8: {  	[tilespmem:s21], [sflag:$0x1] =	stream.linear.gather [hbm4b:s30+s2], $0x8000, $0x38;
	[tilespmem:$0x19000] =	vst v63  }
0x1f9: {  	_ =	swait.ge [sflag:s22], $0x8000  }
0x1fa: {  	s30 =	sld [smem:$0x7D1]  }
0x1fb: {  	[sflag:s22] =	ssyncset.done $0x0  }
0x1fc: {  	[sflag:s22] =	ssyncadd.s32 $0xFFFF8000  }
0x1fd: {  	[hbm4b:s30+s2] =	stream.linear.scatter [tilespmem:s19], [sflag:$0x2], $0x8000, $0x38;
	[tilespmem:$0x19000] =	vst v63  }
0x1fe: {  	_ =	swait.ge [sflag:s23], $0x8000  }
0x1ff: {  	s30 =	sld [smem:$0x7E2]  }
0x200: {  	[sflag:s23] =	ssyncset.done $0x0  }
0x201: {  	[sflag:s23] =	ssyncadd.s32 $0xFFFF8000  }
0x202: {  	[tilespmem:s19], [sflag:$0x1] =	stream.linear.gather [hbm4b:s30+s2], $0x8000, $0x38;
	[tilespmem:$0x19000] =	vst v63  }
0x203: {  	_ =	swait.ge [sflag:s22], $0x8000  }
0x204: {  	s30 =	sld [smem:$0x7D7]  }
0x205: {  	[sflag:s22] =	ssyncset.done $0x0  }
0x206: {  	[sflag:s22] =	ssyncadd.s32 $0xFFFF8000  }
0x207: {  	[hbm4b:s30+s2] =	stream.linear.scatter [tilespmem:s20], [sflag:$0x3], $0x8000, $0x38;
	[tilespmem:$0x19000] =	vst v63  }
0x208: {  	_ =	swait.ge [sflag:s24], $0x8000  }
0x209: {  	s30 =	sld [smem:$0x7E8]  }
0x20a: {  	[sflag:s24] =	ssyncset.done $0x0  }
0x20b: {  	[sflag:s24] =	ssyncadd.s32 $0xFFFF8000  }
0x20c: {  	[tilespmem:s20], [sflag:$0x1] =	stream.linear.gather [hbm4b:s30+s2], $0x8000, $0x38;
	[tilespmem:$0x19000] =	vst v63  }
0x20d: {  	_ =	swait.ge [sflag:s22], $0x8000  }
0x20e: {  	s30 =	sld [smem:$0x7DD]  }
0x20f: {  	[sflag:s22] =	ssyncset.done $0x0  }
0x210: {  	[sflag:s22] =	ssyncadd.s32 $0xFFFF8000  }
0x211: {  	[hbm4b:s30+s2] =	stream.linear.scatter [tilespmem:s21], [sflag:$0x4], $0x8000, $0x38;
	[tilespmem:$0x19000] =	vst v63  }
0x212: {  	_ =	swait.ge [sflag:s25], $0x8000  }
0x213: {  	s30 =	sld [smem:$0x7F1]  }
0x214: {  	[sflag:s25] =	ssyncset.done $0x0  }
0x215: {  	[sflag:s25] =	ssyncadd.s32 $0xFFFF8000  }
0x216: {  	[tilespmem:s21], [sflag:$0x1] =	stream.linear.gather [hbm4b:s30+s2], $0x8000, $0x38;
	[tilespmem:$0x19000] =	vst v63  }
0x217: {  	_ =	swait.ge [sflag:s22], $0x8000  }
0x218: {  	s30 =	sld [smem:$0x7E3]  }
0x219: {  	[sflag:s22] =	ssyncset.done $0x0  }
0x21a: {  	[sflag:s22] =	ssyncadd.s32 $0xFFFF8000  }
0x21b: {  	[hbm4b:s30+s2] =	stream.linear.scatter [tilespmem:s19], [sflag:$0x2], $0x8000, $0x38;
	[tilespmem:$0x19000] =	vst v63  }
0x21c: {  	_ =	swait.ge [sflag:s23], $0x8000  }
0x21d: {  	s30 =	sld [smem:$0x7F7]  }
0x21e: {  	[sflag:s23] =	ssyncset.done $0x0  }
0x21f: {  	[sflag:s23] =	ssyncadd.s32 $0xFFFF8000  }
0x220: {  	[tilespmem:s19], [sflag:$0x1] =	stream.linear.gather [hbm4b:s30+s2], $0x8000, $0x38;
	[tilespmem:$0x19000] =	vst v63  }
0x221: {  	_ =	swait.ge [sflag:s22], $0x8000  }
0x222: {  	s30 =	sld [smem:$0x7E9]  }
0x223: {  	[sflag:s22] =	ssyncset.done $0x0  }
0x224: {  	[sflag:s22] =	ssyncadd.s32 $0xFFFF8000  }
0x225: {  	[hbm4b:s30+s2] =	stream.linear.scatter [tilespmem:s20], [sflag:$0x3], $0x8000, $0x38;
	[tilespmem:$0x19000] =	vst v63  }
0x226: {  	_ =	swait.ge [sflag:s24], $0x8000  }
0x227: {  	s30 =	sld [smem:$0x7FC]  }
0x228: {  	[sflag:s24] =	ssyncset.done $0x0  }
0x229: {  	[sflag:s24] =	ssyncadd.s32 $0xFFFF8000  }
0x22a: {  	[tilespmem:s20], [sflag:$0x1] =	stream.linear.gather [hbm4b:s30+s2], $0x8000, $0x38;
	[tilespmem:$0x19000] =	vst v63  }
0x22b: {  	_ =	swait.ge [sflag:s22], $0x8000  }
0x22c: {  	s30 =	sld [smem:$0x7F2]  }
0x22d: {  	[sflag:s22] =	ssyncset.done $0x0  }
0x22e: {  	[sflag:s22] =	ssyncadd.s32 $0xFFFF8000  }
0x22f: {  	[hbm4b:s30+s2] =	stream.linear.scatter [tilespmem:s21], [sflag:$0x4], $0x8000, $0x38;
	[tilespmem:$0x19000] =	vst v63  }
0x230: {  	_ =	swait.ge [sflag:s25], $0x8000  }
0x231: {  	s30 =	sld [smem:$0x7FD]  }
0x232: {  	[sflag:s25] =	ssyncset.done $0x0  }
0x233: {  	[sflag:s25] =	ssyncadd.s32 $0xFFFF8000  }
0x234: {  	[tilespmem:s21], [sflag:$0x1] =	stream.linear.gather [hbm4b:s30+s2], $0x8000, $0x38;
	[tilespmem:$0x19000] =	vst v63  }
0x235: {  	_ =	swait.ge [sflag:s22], $0x8000  }
0x236: {  	s30 =	sld [smem:$0x7F8]  }
0x237: {  	[sflag:s22] =	ssyncset.done $0x0  }
0x238: {  	[sflag:s22] =	ssyncadd.s32 $0xFFFF8000  }
0x239: {  	[hbm4b:s30+s2] =	stream.linear.scatter [tilespmem:s19], [sflag:$0x2], $0x8000, $0x38;
	[tilespmem:$0x19000] =	vst v63  }
0x23a: {  	_ =	swait.ge [sflag:s23], $0x8000  }
0x23b: {  	[sflag:s23] =	ssyncset.done $0x0  }
0x23c: {  	[sflag:s23] =	ssyncadd.s32 $0xFFFF8000  }
0x23d: {  	[tilespmem:s19], [sflag:$0x1] =	stream.linear.gather [hbm4b:s31+s2], $0x8000, $0x38;
	[tilespmem:$0x19000] =	vst v63  }
0x23e: {  	_ =	swait.ge [sflag:s22], $0x8000  }
0x23f: {  	[sflag:s22] =	ssyncset.done $0x0  }
0x240: {  	[sflag:s22] =	ssyncadd.s32 $0xFFFF8000  }
0x241: {  	[hbm4b:s4+s2] =	stream.linear.scatter [tilespmem:s20], [sflag:$0x3], $0x8000, $0x38;
	[tilespmem:$0x19000] =	vst v63  }
0x242: {  	_ =	swait.ge [sflag:s22], $0x8000  }
0x243: {  	[sflag:s22] =	ssyncset.done $0x0  }
0x244: {  	[sflag:s22] =	ssyncadd.s32 $0xFFFF8000  }
0x245: {  	[hbm4b:s10+s2] =	stream.linear.scatter [tilespmem:s21], [sflag:$0x4], $0x8000, $0x38;
	[tilespmem:$0x19000] =	vst v63  }
0x246: {  	_ =	swait.ge [sflag:s22], $0x8000  }
0x247: {  	[sflag:s22] =	ssyncset.done $0x0  }
0x248: {  	[sflag:s22] =	ssyncadd.s32 $0xFFFF8000  }
0x249: {  	[hbm4b:s13+s2] =	stream.linear.scatter [tilespmem:s19], [sflag:$0x2], $0x8000, $0x38;
	[tilespmem:$0x19000] =	vst v63  }
0x24a: {  	_ =	swait.ge [sflag:s24], $0x8000  }
0x24b: {  	[sflag:s24] =	ssyncset.done $0x0  }
0x24c: {  	[sflag:s24] =	ssyncadd.s32 $0xFFFF8000  }
0x24d: {  	_ =	swait.ge [sflag:s25], $0x8000  }
0x24e: {  	[sflag:s25] =	ssyncset.done $0x0  }
0x24f: {  	[sflag:s25] =	ssyncadd.s32 $0xFFFF8000  }
0x250: {  	_ =	swait.ge [sflag:s23], $0x8000  }
0x251: {  	[sflag:s23] =	ssyncset.done $0x0  }
0x252: {  	[sflag:s23] =	ssyncadd.s32 $0xFFFF8000  }
0x253: {  	_ =	swait.ge [sflag:s26], $0x1000  }
0x254: {  	[sflag:s26] =	ssyncset.done $0x0  }
0x255: {  	[sflag:s26] =	ssyncadd.s32 $0xFFFFF000  }
0x256: {  	_ =	swait.ge [sflag:s26], $0x1000  }
0x257: {  	[sflag:s26] =	ssyncset.done $0x0  }
0x258: {  	[sflag:s26] =	ssyncadd.s32 $0xFFFFF000  }
0x259: {  	_ =	swait.ge [sflag:s26], $0x1000  }
0x25a: {  	[sflag:s26] =	ssyncset.done $0x0  }
0x25b: {  	[sflag:s26] =	ssyncadd.s32 $0xFFFFF000  }
0x25c: {  	_ =	swait.ge [sflag:s26], $0x1000  }
0x25d: {  	[sflag:s26] =	ssyncset.done $0x0  }
0x25e: {  	[sflag:s26] =	ssyncadd.s32 $0xFFFFF000  }
0x25f: {  	_ =	swait.ge [sflag:s26], $0x1000  }
0x260: {  	[sflag:s26] =	ssyncset.done $0x0  }
0x261: {  	[sflag:s26] =	ssyncadd.s32 $0xFFFFF000  }
0x262: {  	_ =	swait.ge [sflag:s26], $0x1000  }
0x263: {  	[sflag:s26] =	ssyncset.done $0x0  }
0x264: {  	[sflag:s26] =	ssyncadd.s32 $0xFFFFF000  }
0x265: {  	_ =	swait.ge [sflag:s26], $0x1000  }
0x266: {  	[sflag:s26] =	ssyncset.done $0x0  }
0x267: {  	[sflag:s26] =	ssyncadd.s32 $0xFFFFF000  }
0x268: {  	_ =	swait.ge [sflag:s26], $0x1000  }
0x269: {  	[sflag:s26] =	ssyncset.done $0x0  }
0x26a: {  	[sflag:s26] =	ssyncadd.s32 $0xFFFFF000  }
0x26b: {  	_ =	swait.ge [sflag:s26], $0x1000  }
0x26c: {  	[sflag:s26] =	ssyncset.done $0x0  }
0x26d: {  	[sflag:s26] =	ssyncadd.s32 $0xFFFFF000  }
0x26e: {  	_ =	swait.ge [sflag:s26], $0x1000  }
0x26f: {  	[sflag:s26] =	ssyncset.done $0x0  }
0x270: {  	[sflag:s26] =	ssyncadd.s32 $0xFFFFF000  }
0x271: {  	_ =	swait.ge [sflag:s26], $0x1000  }
0x272: {  	[sflag:s26] =	ssyncset.done $0x0  }
0x273: {  	[sflag:s26] =	ssyncadd.s32 $0xFFFFF000  }
0x274: {  	_ =	swait.ge [sflag:s26], $0x1000  }
0x275: {  	[sflag:s26] =	ssyncset.done $0x0  }
0x276: {  	[sflag:s26] =	ssyncadd.s32 $0xFFFFF000  }
0x277: {  	_ =	swait.ge [sflag:s26], $0x1000  }
0x278: {  	[sflag:s26] =	ssyncset.done $0x0  }
0x279: {  	[sflag:s26] =	ssyncadd.s32 $0xFFFFF000  }
0x27a: {  	_ =	swait.ge [sflag:s26], $0x1000  }
0x27b: {  	[sflag:s26] =	ssyncset.done $0x0  }
0x27c: {  	[sflag:s26] =	ssyncadd.s32 $0xFFFFF000  }
0x27d: {  	_ =	swait.ge [sflag:s26], $0x1000  }
0x27e: {  	[sflag:s26] =	ssyncset.done $0x0  }
0x27f: {  	[sflag:s26] =	ssyncadd.s32 $0xFFFFF000  }
0x280: {  	_ =	swait.ge [sflag:s26], $0x1000  }
0x281: {  	[sflag:s26] =	ssyncset.done $0x0  }
0x282: {  	[sflag:s26] =	ssyncadd.s32 $0xFFFFF000  }
0x283: {  	_ =	swait.ge [sflag:s26], $0x1000  }
0x284: {  	[sflag:s26] =	ssyncset.done $0x0  }
0x285: {  	[sflag:s26] =	ssyncadd.s32 $0xFFFFF000  }
0x286: {  	_ =	swait.ge [sflag:s26], $0x1000  }
0x287: {  	[sflag:s26] =	ssyncset.done $0x0  }
0x288: {  	[sflag:s26] =	ssyncadd.s32 $0xFFFFF000  }
0x289: {  	_ =	swait.ge [sflag:s26], $0x1000  }
0x28a: {  	[sflag:s26] =	ssyncset.done $0x0  }
0x28b: {  	[sflag:s26] =	ssyncadd.s32 $0xFFFFF000  }
0x28c: {  	_ =	swait.ge [sflag:s26], $0x1000  }
0x28d: {  	[sflag:s26] =	ssyncset.done $0x0  }
0x28e: {  	[sflag:s26] =	ssyncadd.s32 $0xFFFFF000  }
0x28f: {  	_ =	swait.ge [sflag:s26], $0x1000  }
0x290: {  	[sflag:s26] =	ssyncset.done $0x0  }
0x291: {  	[sflag:s26] =	ssyncadd.s32 $0xFFFFF000  }
0x292: {  	_ =	swait.ge [sflag:s26], $0x1000  }
0x293: {  	[sflag:s26] =	ssyncset.done $0x0  }
0x294: {  	[sflag:s26] =	ssyncadd.s32 $0xFFFFF000  }
0x295: {  	_ =	swait.ge [sflag:s26], $0x1000  }
0x296: {  	[sflag:s26] =	ssyncset.done $0x0  }
0x297: {  	[sflag:s26] =	ssyncadd.s32 $0xFFFFF000  }
0x298: {  	_ =	swait.ge [sflag:s26], $0x1000  }
0x299: {  	[sflag:s26] =	ssyncset.done $0x0  }
0x29a: {  	[sflag:s26] =	ssyncadd.s32 $0xFFFFF000  }
0x29b: {  	_ =	swait.ge [sflag:s26], $0x1000  }
0x29c: {  	[sflag:s26] =	ssyncset.done $0x0  }
0x29d: {  	[sflag:s26] =	ssyncadd.s32 $0xFFFFF000  }
0x29e: {  	_ =	swait.ge [sflag:s26], $0x1000  }
0x29f: {  	[sflag:s26] =	ssyncset.done $0x0  }
0x2a0: {  	[sflag:s26] =	ssyncadd.s32 $0xFFFFF000  }
0x2a1: {  	_ =	swait.ge [sflag:s26], $0x1000  }
0x2a2: {  	[sflag:s26] =	ssyncset.done $0x0  }
0x2a3: {  	[sflag:s26] =	ssyncadd.s32 $0xFFFFF000  }
0x2a4: {  	_ =	swait.ge [sflag:s26], $0x1000  }
0x2a5: {  	[sflag:s26] =	ssyncset.done $0x0  }
0x2a6: {  	[sflag:s26] =	ssyncadd.s32 $0xFFFFF000  }
0x2a7: {  	_ =	swait.ge [sflag:s26], $0x1000  }
0x2a8: {  	[sflag:s26] =	ssyncset.done $0x0  }
0x2a9: {  	[sflag:s26] =	ssyncadd.s32 $0xFFFFF000  }
0x2aa: {  	_ =	swait.ge [sflag:s26], $0x1000  }
0x2ab: {  	[sflag:s26] =	ssyncset.done $0x0  }
0x2ac: {  	[sflag:s26] =	ssyncadd.s32 $0xFFFFF000  }
0x2ad: {  	_ =	swait.ge [sflag:s26], $0x1000  }
0x2ae: {  	[sflag:s26] =	ssyncset.done $0x0  }
0x2af: {  	[sflag:s26] =	ssyncadd.s32 $0xFFFFF000  }
0x2b0: {  	_ =	swait.ge [sflag:s26], $0x1000  }
0x2b1: {  	[sflag:s26] =	ssyncset.done $0x0  }
0x2b2: {  	[sflag:s26] =	ssyncadd.s32 $0xFFFFF000  }
0x2b3: {  	_ =	swait.ge [sflag:s26], $0x1000  }
0x2b4: {  	[sflag:s26] =	ssyncset.done $0x0  }
0x2b5: {  	[sflag:s26] =	ssyncadd.s32 $0xFFFFF000  }
0x2b6: {  	_ =	swait.ge [sflag:s26], $0x1000  }
0x2b7: {  	[sflag:s26] =	ssyncset.done $0x0  }
0x2b8: {  	[sflag:s26] =	ssyncadd.s32 $0xFFFFF000  }
0x2b9: {  	_ =	swait.ge [sflag:s26], $0x1000  }
0x2ba: {  	[sflag:s26] =	ssyncset.done $0x0  }
0x2bb: {  	[sflag:s26] =	ssyncadd.s32 $0xFFFFF000  }
0x2bc: {  	_ =	swait.ge [sflag:s26], $0x1000  }
0x2bd: {  	[sflag:s26] =	ssyncset.done $0x0  }
0x2be: {  	[sflag:s26] =	ssyncadd.s32 $0xFFFFF000  }
0x2bf: {  	_ =	swait.ge [sflag:s26], $0x1000  }
0x2c0: {  	[sflag:s26] =	ssyncset.done $0x0  }
0x2c1: {  	[sflag:s26] =	ssyncadd.s32 $0xFFFFF000  }
0x2c2: {  	_ =	swait.ge [sflag:s26], $0x1000  }
0x2c3: {  	[sflag:s26] =	ssyncset.done $0x0  }
0x2c4: {  	[sflag:s26] =	ssyncadd.s32 $0xFFFFF000  }
0x2c5: {  	_ =	swait.ge [sflag:s26], $0x1000  }
0x2c6: {  	[sflag:s26] =	ssyncset.done $0x0  }
0x2c7: {  	[sflag:s26] =	ssyncadd.s32 $0xFFFFF000  }
0x2c8: {  	_ =	swait.ge [sflag:s26], $0x1000  }
0x2c9: {  	[sflag:s26] =	ssyncset.done $0x0  }
0x2ca: {  	[sflag:s26] =	ssyncadd.s32 $0xFFFFF000  }
0x2cb: {  	_ =	swait.ge [sflag:s26], $0x1000  }
0x2cc: {  	[sflag:s26] =	ssyncset.done $0x0  }
0x2cd: {  	[sflag:s26] =	ssyncadd.s32 $0xFFFFF000  }
0x2ce: {  	_ =	swait.ge [sflag:s26], $0x1000  }
0x2cf: {  	[sflag:s26] =	ssyncset.done $0x0  }
0x2d0: {  	[sflag:s26] =	ssyncadd.s32 $0xFFFFF000  }
0x2d1: {  	_ =	swait.ge [sflag:s26], $0x1000  }
0x2d2: {  	[sflag:s26] =	ssyncset.done $0x0  }
0x2d3: {  	[sflag:s26] =	ssyncadd.s32 $0xFFFFF000  }
0x2d4: {  	_ =	swait.ge [sflag:s26], $0x1000  }
0x2d5: {  	[sflag:s26] =	ssyncset.done $0x0  }
0x2d6: {  	[sflag:s26] =	ssyncadd.s32 $0xFFFFF000  }
0x2d7: {  	_ =	swait.ge [sflag:s26], $0x1000  }
0x2d8: {  	[sflag:s26] =	ssyncset.done $0x0  }
0x2d9: {  	[sflag:s26] =	ssyncadd.s32 $0xFFFFF000  }
0x2da: {  	_ =	swait.ge [sflag:s26], $0x1000  }
0x2db: {  	[sflag:s26] =	ssyncset.done $0x0  }
0x2dc: {  	[sflag:s26] =	ssyncadd.s32 $0xFFFFF000  }
0x2dd: {  	_ =	swait.ge [sflag:s26], $0x1000  }
0x2de: {  	[sflag:s26] =	ssyncset.done $0x0  }
0x2df: {  	[sflag:s26] =	ssyncadd.s32 $0xFFFFF000  }
0x2e0: {  	_ =	swait.ge [sflag:s26], $0x1000  }
0x2e1: {  	[sflag:s26] =	ssyncset.done $0x0  }
0x2e2: {  	[sflag:s26] =	ssyncadd.s32 $0xFFFFF000  }
0x2e3: {  	_ =	swait.ge [sflag:s26], $0x1000  }
0x2e4: {  	[sflag:s26] =	ssyncset.done $0x0  }
0x2e5: {  	[sflag:s26] =	ssyncadd.s32 $0xFFFFF000  }
0x2e6: {  	_ =	swait.ge [sflag:s26], $0x1000  }
0x2e7: {  	[sflag:s26] =	ssyncset.done $0x0  }
0x2e8: {  	[sflag:s26] =	ssyncadd.s32 $0xFFFFF000  }
0x2e9: {  	_ =	swait.ge [sflag:s26], $0x1000  }
0x2ea: {  	[sflag:s26] =	ssyncset.done $0x0  }
0x2eb: {  	[sflag:s26] =	ssyncadd.s32 $0xFFFFF000  }
0x2ec: {  	_ =	swait.ge [sflag:s26], $0x1000  }
0x2ed: {  	[sflag:s26] =	ssyncset.done $0x0  }
0x2ee: {  	[sflag:s26] =	ssyncadd.s32 $0xFFFFF000  }
0x2ef: {  	_ =	swait.ge [sflag:s26], $0x1000  }
0x2f0: {  	[sflag:s26] =	ssyncset.done $0x0  }
0x2f1: {  	[sflag:s26] =	ssyncadd.s32 $0xFFFFF000  }
0x2f2: {  	_ =	swait.ge [sflag:s26], $0x1000  }
0x2f3: {  	[sflag:s26] =	ssyncset.done $0x0  }
0x2f4: {  	[sflag:s26] =	ssyncadd.s32 $0xFFFFF000  }
0x2f5: {  	_ =	swait.ge [sflag:s26], $0x1000  }
0x2f6: {  	[sflag:s26] =	ssyncset.done $0x0  }
0x2f7: {  	[sflag:s26] =	ssyncadd.s32 $0xFFFFF000  }
0x2f8: {  	_ =	swait.ge [sflag:s26], $0x1000  }
0x2f9: {  	[sflag:s26] =	ssyncset.done $0x0  }
0x2fa: {  	[sflag:s26] =	ssyncadd.s32 $0xFFFFF000  }
0x2fb: {  	_ =	swait.ge [sflag:s26], $0x1000  }
0x2fc: {  	[sflag:s26] =	ssyncset.done $0x0  }
0x2fd: {  	[sflag:s26] =	ssyncadd.s32 $0xFFFFF000  }
0x2fe: {  	_ =	swait.ge [sflag:s26], $0x1000  }
0x2ff: {  	[sflag:s26] =	ssyncset.done $0x0  }
0x300: {  	[sflag:s26] =	ssyncadd.s32 $0xFFFFF000  }
0x301: {  	_ =	swait.ge [sflag:s26], $0x1000  }
0x302: {  	[sflag:s26] =	ssyncset.done $0x0  }
0x303: {  	[sflag:s26] =	ssyncadd.s32 $0xFFFFF000  }
0x304: {  	_ =	swait.ge [sflag:s26], $0x1000  }
0x305: {  	[sflag:s26] =	ssyncset.done $0x0  }
0x306: {  	[sflag:s26] =	ssyncadd.s32 $0xFFFFF000  }
0x307: {  	_ =	swait.ge [sflag:s26], $0x1000  }
0x308: {  	[sflag:s26] =	ssyncset.done $0x0  }
0x309: {  	[sflag:s26] =	ssyncadd.s32 $0xFFFFF000  }
0x30a: {  	_ =	swait.ge [sflag:s26], $0x1000  }
0x30b: {  	[sflag:s26] =	ssyncset.done $0x0  }
0x30c: {  	[sflag:s26] =	ssyncadd.s32 $0xFFFFF000  }
0x30d: {  	_ =	swait.ge [sflag:s26], $0x1000  }
0x30e: {  	[sflag:s26] =	ssyncset.done $0x0  }
0x30f: {  	[sflag:s26] =	ssyncadd.s32 $0xFFFFF000  }
0x310: {  	_ =	swait.ge [sflag:s26], $0x1000  }
0x311: {  	[sflag:s26] =	ssyncset.done $0x0  }
0x312: {  	[sflag:s26] =	ssyncadd.s32 $0xFFFFF000  }
0x313: {  	_ =	swait.ge [sflag:s26], $0x1000  }
0x314: {  	[sflag:s26] =	ssyncset.done $0x0  }
0x315: {  	[sflag:s26] =	ssyncadd.s32 $0xFFFFF000  }
0x316: {  	_ =	swait.ge [sflag:s26], $0x1000  }
0x317: {  	[sflag:s26] =	ssyncset.done $0x0  }
0x318: {  	[sflag:s26] =	ssyncadd.s32 $0xFFFFF000  }
0x319: {  	_ =	swait.ge [sflag:s26], $0x1000  }
0x31a: {  	[sflag:s26] =	ssyncset.done $0x0  }
0x31b: {  	[sflag:s26] =	ssyncadd.s32 $0xFFFFF000  }
0x31c: {  	_ =	swait.ge [sflag:s26], $0x1000  }
0x31d: {  	[sflag:s26] =	ssyncset.done $0x0  }
0x31e: {  	[sflag:s26] =	ssyncadd.s32 $0xFFFFF000  }
0x31f: {  	_ =	swait.ge [sflag:s26], $0x1000  }
0x320: {  	[sflag:s26] =	ssyncset.done $0x0  }
0x321: {  	[sflag:s26] =	ssyncadd.s32 $0xFFFFF000  }
0x322: {  	_ =	swait.ge [sflag:s26], $0x1000  }
0x323: {  	[sflag:s26] =	ssyncset.done $0x0  }
0x324: {  	[sflag:s26] =	ssyncadd.s32 $0xFFFFF000  }
0x325: {  	_ =	swait.ge [sflag:s26], $0x1000  }
0x326: {  	[sflag:s26] =	ssyncset.done $0x0  }
0x327: {  	[sflag:s26] =	ssyncadd.s32 $0xFFFFF000  }
0x328: {  	_ =	swait.ge [sflag:s26], $0x1000  }
0x329: {  	[sflag:s26] =	ssyncset.done $0x0  }
0x32a: {  	[sflag:s26] =	ssyncadd.s32 $0xFFFFF000  }
0x32b: {  	_ =	swait.ge [sflag:s26], $0x1000  }
0x32c: {  	[sflag:s26] =	ssyncset.done $0x0  }
0x32d: {  	[sflag:s26] =	ssyncadd.s32 $0xFFFFF000  }
0x32e: {  	_ =	swait.ge [sflag:s26], $0x1000  }
0x32f: {  	[sflag:s26] =	ssyncset.done $0x0  }
0x330: {  	[sflag:s26] =	ssyncadd.s32 $0xFFFFF000  }
0x331: {  	_ =	swait.ge [sflag:s26], $0x1000  }
0x332: {  	[sflag:s26] =	ssyncset.done $0x0  }
0x333: {  	[sflag:s26] =	ssyncadd.s32 $0xFFFFF000  }
0x334: {  	_ =	swait.ge [sflag:s26], $0x1000  }
0x335: {  	[sflag:s26] =	ssyncset.done $0x0  }
0x336: {  	[sflag:s26] =	ssyncadd.s32 $0xFFFFF000  }
0x337: {  	_ =	swait.ge [sflag:s26], $0x1000  }
0x338: {  	[sflag:s26] =	ssyncset.done $0x0  }
0x339: {  	[sflag:s26] =	ssyncadd.s32 $0xFFFFF000  }
0x33a: {  	_ =	swait.ge [sflag:s26], $0x1000  }
0x33b: {  	[sflag:s26] =	ssyncset.done $0x0  }
0x33c: {  	[sflag:s26] =	ssyncadd.s32 $0xFFFFF000  }
0x33d: {  	_ =	swait.ge [sflag:s26], $0x1000  }
0x33e: {  	[sflag:s26] =	ssyncset.done $0x0  }
0x33f: {  	[sflag:s26] =	ssyncadd.s32 $0xFFFFF000  }
0x340: {  	_ =	swait.ge [sflag:s26], $0x1000  }
0x341: {  	[sflag:s26] =	ssyncset.done $0x0  }
0x342: {  	[sflag:s26] =	ssyncadd.s32 $0xFFFFF000  }
0x343: {  	_ =	swait.ge [sflag:s26], $0x1000  }
0x344: {  	[sflag:s26] =	ssyncset.done $0x0  }
0x345: {  	[sflag:s26] =	ssyncadd.s32 $0xFFFFF000  }
0x346: {  	_ =	swait.ge [sflag:s26], $0x1000  }
0x347: {  	[sflag:s26] =	ssyncset.done $0x0  }
0x348: {  	[sflag:s26] =	ssyncadd.s32 $0xFFFFF000  }
0x349: {  	_ =	swait.ge [sflag:s26], $0x1000  }
0x34a: {  	[sflag:s26] =	ssyncset.done $0x0  }
0x34b: {  	[sflag:s26] =	ssyncadd.s32 $0xFFFFF000  }
0x34c: {  	_ =	swait.ge [sflag:s26], $0x1000  }
0x34d: {  	[sflag:s26] =	ssyncset.done $0x0  }
0x34e: {  	[sflag:s26] =	ssyncadd.s32 $0xFFFFF000  }
0x34f: {  	_ =	swait.ge [sflag:s26], $0x1000  }
0x350: {  	[sflag:s26] =	ssyncset.done $0x0  }
0x351: {  	[sflag:s26] =	ssyncadd.s32 $0xFFFFF000  }
0x352: {  	_ =	swait.ge [sflag:s26], $0x1000  }
0x353: {  	[sflag:s26] =	ssyncset.done $0x0  }
0x354: {  	[sflag:s26] =	ssyncadd.s32 $0xFFFFF000  }
0x355: {  	_ =	swait.ge [sflag:s26], $0x1000  }
0x356: {  	[sflag:s26] =	ssyncset.done $0x0  }
0x357: {  	[sflag:s26] =	ssyncadd.s32 $0xFFFFF000  }
0x358: {  	_ =	swait.ge [sflag:s26], $0x1000  }
0x359: {  	[sflag:s26] =	ssyncset.done $0x0  }
0x35a: {  	[sflag:s26] =	ssyncadd.s32 $0xFFFFF000  }
0x35b: {  	_ =	swait.ge [sflag:s26], $0x1000  }
0x35c: {  	[sflag:s26] =	ssyncset.done $0x0  }
0x35d: {  	[sflag:s26] =	ssyncadd.s32 $0xFFFFF000  }
0x35e: {  	_ =	swait.ge [sflag:s26], $0x1000  }
0x35f: {  	[sflag:s26] =	ssyncset.done $0x0  }
0x360: {  	[sflag:s26] =	ssyncadd.s32 $0xFFFFF000  }
0x361: {  	_ =	swait.ge [sflag:s26], $0x1000  }
0x362: {  	[sflag:s26] =	ssyncset.done $0x0  }
0x363: {  	[sflag:s26] =	ssyncadd.s32 $0xFFFFF000  }
0x364: {  	_ =	swait.ge [sflag:s26], $0x1000  }
0x365: {  	[sflag:s26] =	ssyncset.done $0x0  }
0x366: {  	[sflag:s26] =	ssyncadd.s32 $0xFFFFF000  }
0x367: {  	_ =	swait.ge [sflag:s26], $0x1000  }
0x368: {  	[sflag:s26] =	ssyncset.done $0x0  }
0x369: {  	[sflag:s26] =	ssyncadd.s32 $0xFFFFF000  }
0x36a: {  	_ =	swait.ge [sflag:s26], $0x1000  }
0x36b: {  	[sflag:s26] =	ssyncset.done $0x0  }
0x36c: {  	[sflag:s26] =	ssyncadd.s32 $0xFFFFF000  }
0x36d: {  	_ =	swait.ge [sflag:s26], $0x1000  }
0x36e: {  	[sflag:s26] =	ssyncset.done $0x0  }
0x36f: {  	[sflag:s26] =	ssyncadd.s32 $0xFFFFF000  }
0x370: {  	_ =	swait.ge [sflag:s26], $0x1000  }
0x371: {  	[sflag:s26] =	ssyncset.done $0x0  }
0x372: {  	[sflag:s26] =	ssyncadd.s32 $0xFFFFF000  }
0x373: {  	_ =	swait.ge [sflag:s26], $0x1000  }
0x374: {  	[sflag:s26] =	ssyncset.done $0x0  }
0x375: {  	[sflag:s26] =	ssyncadd.s32 $0xFFFFF000  }
0x376: {  	_ =	swait.ge [sflag:s26], $0x1000  }
0x377: {  	[sflag:s26] =	ssyncset.done $0x0  }
0x378: {  	[sflag:s26] =	ssyncadd.s32 $0xFFFFF000  }
0x379: {  	_ =	swait.ge [sflag:s26], $0x1000  }
0x37a: {  	[sflag:s26] =	ssyncset.done $0x0  }
0x37b: {  	[sflag:s26] =	ssyncadd.s32 $0xFFFFF000  }
0x37c: {  	_ =	swait.ge [sflag:s26], $0x1000  }
0x37d: {  	[sflag:s26] =	ssyncset.done $0x0  }
0x37e: {  	[sflag:s26] =	ssyncadd.s32 $0xFFFFF000  }
0x37f: {  	_ =	swait.ge [sflag:s26], $0x1000  }
0x380: {  	[sflag:s26] =	ssyncset.done $0x0  }
0x381: {  	[sflag:s26] =	ssyncadd.s32 $0xFFFFF000  }
0x382: {  	_ =	swait.ge [sflag:s26], $0x1000  }
0x383: {  	[sflag:s26] =	ssyncset.done $0x0  }
0x384: {  	[sflag:s26] =	ssyncadd.s32 $0xFFFFF000  }
0x385: {  	_ =	swait.ge [sflag:s26], $0x1000  }
0x386: {  	[sflag:s26] =	ssyncset.done $0x0  }
0x387: {  	[sflag:s26] =	ssyncadd.s32 $0xFFFFF000  }
0x388: {  	_ =	swait.ge [sflag:s26], $0x1000  }
0x389: {  	[sflag:s26] =	ssyncset.done $0x0  }
0x38a: {  	[sflag:s26] =	ssyncadd.s32 $0xFFFFF000  }
0x38b: {  	_ =	swait.ge [sflag:s26], $0x1000  }
0x38c: {  	[sflag:s26] =	ssyncset.done $0x0  }
0x38d: {  	[sflag:s26] =	ssyncadd.s32 $0xFFFFF000  }
0x38e: {  	_ =	swait.ge [sflag:s26], $0x1000  }
0x38f: {  	[sflag:s26] =	ssyncset.done $0x0  }
0x390: {  	[sflag:s26] =	ssyncadd.s32 $0xFFFFF000  }
0x391: {  	_ =	swait.ge [sflag:s26], $0x1000  }
0x392: {  	[sflag:s26] =	ssyncset.done $0x0  }
0x393: {  	[sflag:s26] =	ssyncadd.s32 $0xFFFFF000  }
0x394: {  	_ =	swait.ge [sflag:s26], $0x1000  }
0x395: {  	[sflag:s26] =	ssyncset.done $0x0  }
0x396: {  	[sflag:s26] =	ssyncadd.s32 $0xFFFFF000  }
0x397: {  	_ =	swait.ge [sflag:s26], $0x1000  }
0x398: {  	[sflag:s26] =	ssyncset.done $0x0  }
0x399: {  	[sflag:s26] =	ssyncadd.s32 $0xFFFFF000  }
0x39a: {  	_ =	swait.ge [sflag:s26], $0x1000  }
0x39b: {  	[sflag:s26] =	ssyncset.done $0x0  }
0x39c: {  	[sflag:s26] =	ssyncadd.s32 $0xFFFFF000  }
0x39d: {  	_ =	swait.ge [sflag:s26], $0x1000  }
0x39e: {  	[sflag:s26] =	ssyncset.done $0x0  }
0x39f: {  	[sflag:s26] =	ssyncadd.s32 $0xFFFFF000  }
0x3a0: {  	_ =	swait.ge [sflag:s26], $0x1000  }
0x3a1: {  	[sflag:s26] =	ssyncset.done $0x0  }
0x3a2: {  	[sflag:s26] =	ssyncadd.s32 $0xFFFFF000  }
0x3a3: {  	_ =	swait.ge [sflag:s26], $0x1000  }
0x3a4: {  	[sflag:s26] =	ssyncset.done $0x0  }
0x3a5: {  	[sflag:s26] =	ssyncadd.s32 $0xFFFFF000  }
0x3a6: {  	_ =	swait.ge [sflag:s26], $0x1000  }
0x3a7: {  	[sflag:s26] =	ssyncset.done $0x0  }
0x3a8: {  	[sflag:s26] =	ssyncadd.s32 $0xFFFFF000  }
0x3a9: {  	_ =	swait.ge [sflag:s26], $0x1000  }
0x3aa: {  	[sflag:s26] =	ssyncset.done $0x0  }
0x3ab: {  	[sflag:s26] =	ssyncadd.s32 $0xFFFFF000  }
0x3ac: {  	_ =	swait.ge [sflag:s26], $0x1000  }
0x3ad: {  	[sflag:s26] =	ssyncset.done $0x0  }
0x3ae: {  	[sflag:s26] =	ssyncadd.s32 $0xFFFFF000  }
0x3af: {  	_ =	swait.ge [sflag:s26], $0x1000  }
0x3b0: {  	[sflag:s26] =	ssyncset.done $0x0  }
0x3b1: {  	[sflag:s26] =	ssyncadd.s32 $0xFFFFF000  }
0x3b2: {  	_ =	swait.ge [sflag:s26], $0x1000  }
0x3b3: {  	[sflag:s26] =	ssyncset.done $0x0  }
0x3b4: {  	[sflag:s26] =	ssyncadd.s32 $0xFFFFF000  }
0x3b5: {  	_ =	swait.ge [sflag:s26], $0x1000  }
0x3b6: {  	[sflag:s26] =	ssyncset.done $0x0  }
0x3b7: {  	[sflag:s26] =	ssyncadd.s32 $0xFFFFF000  }
0x3b8: {  	_ =	swait.ge [sflag:s26], $0x1000  }
0x3b9: {  	[sflag:s26] =	ssyncset.done $0x0  }
0x3ba: {  	[sflag:s26] =	ssyncadd.s32 $0xFFFFF000  }
0x3bb: {  	_ =	swait.ge [sflag:s26], $0x1000  }
0x3bc: {  	[sflag:s26] =	ssyncset.done $0x0  }
0x3bd: {  	[sflag:s26] =	ssyncadd.s32 $0xFFFFF000  }
0x3be: {  	_ =	swait.ge [sflag:s26], $0x1000  }
0x3bf: {  	[sflag:s26] =	ssyncset.done $0x0  }
0x3c0: {  	[sflag:s26] =	ssyncadd.s32 $0xFFFFF000  }
0x3c1: {  	_ =	swait.ge [sflag:s26], $0x1000  }
0x3c2: {  	[sflag:s26] =	ssyncset.done $0x0  }
0x3c3: {  	[sflag:s26] =	ssyncadd.s32 $0xFFFFF000  }
0x3c4: {  	_ =	swait.ge [sflag:s26], $0x1000  }
0x3c5: {  	[sflag:s26] =	ssyncset.done $0x0  }
0x3c6: {  	[sflag:s26] =	ssyncadd.s32 $0xFFFFF000  }
0x3c7: {  	_ =	swait.ge [sflag:s26], $0x1000  }
0x3c8: {  	[sflag:s26] =	ssyncset.done $0x0  }
0x3c9: {  	[sflag:s26] =	ssyncadd.s32 $0xFFFFF000  }
0x3ca: {  	_ =	swait.ge [sflag:s26], $0x1000  }
0x3cb: {  	[sflag:s26] =	ssyncset.done $0x0  }
0x3cc: {  	s28 =	sadd.s32 $0x1, s28;
	[sflag:s26] =	ssyncadd.s32 $0xFFFFF000  }
0x3cd: {  	p0 =	sne.s32 s28, s16;
	_ =	swait.ge [sflag:s26], $0x1000  }
.Ltmp1:
0x3ce: {  	[sflag:s26] =	ssyncset.done $0x0;
	(pc) =	sbr.rel @p0 .LBB2_1-.Ltmp1, $4  }
0x3cf: {  	[sflag:s26] =	ssyncadd.s32 $0xFFFFF000  }
0x3d0: {  	_ =	swait.ge [sflag:s26], $0x1000  }
0x3d1: {  	[sflag:s26] =	ssyncset.done $0x0  }
0x3d2: {  	[sflag:s26] =	ssyncadd.s32 $0xFFFFF000  }
0x3d3: {  	_ =	sfence.sel $0x180000  }
0x3d4: {  	[bflag:$0x0] =	sbarrier.arrive $0xFFFF  }
0x3d5: {  	_ =	strace $0x90000047  }
0x3d6: {  	s0 =	stileid.u32;
	[bflag:$0x2] =	sbarrier.arrive $0xFFFF  }
0x3d7: {  	p0 =	sne.s32 s0, $0x0;
	s0 =	rddreg [dreg:$0x2]  }
0x3d8: {  	s0 =	sadd.s32 @!p0 $0x100000, s0  }
0x3d9: {  	[sflag:s0] =	ssyncadd.tile.s32 @!p0 $0x1;
	_ =	shalt  }
.Lfunc_end2:
_tile_overlayer_lowered:
.L_overlay_start_2:
0x3da: {  	(tag) =	ssettag $0x2  }
0x3db: {  	s0 =	rddreg [dreg:$0x0];
	s2 =	stileid.u32  }
0x3dc: {  	s1 =	rddreg [dreg:$0x1];
	p0 =	sne.s32 s2, $0x0  }
0x3dd: {  	s3 =	rddreg [dreg:$0x2];
	[bflag:$0x3] =	sbarrier.arrive $0xFFFF;
	s2 =	simm.s32 @!p0 $0x1C06  }
0x3de: {  	[timem:s3], [sflag:s2] =	dma.local @!p0 [hbm:s0], s1  }
0x3df: {  	s0 =	simm.s32 @!p0 $0x6  }
0x3e0: {  	_ =	swait.ge @!p0 [sflag:s0], s1  }
0x3e1: {  	s1 =	ssub.s32 @!p0 $0x0, s1;
	[sflag:s0] =	ssyncset.done @!p0 $0x0  }
0x3e2: {  	[sflag:s0] =	ssyncadd.s32 @!p0 s1  }
0x3e3: {  	[bflag:$0x3] =	sbarrier.arrive $0xFFFF  }
0x3e4: {  	_ =	shalt  }

</sc_bundles>
